<compile_context>
chip_gen: v7x
topology: tpu7x:2x2x1
jax: 0.10.2.dev20260603
libtpu: 0.0.44.dev20260713+nightly
codegen_flags: <defaults>
</compile_context>

<pallas_src>
import functools

import jax
import jax.numpy as jnp
from jax import lax
from jax.experimental import pallas as pl
from jax.experimental.pallas import tpu as pltpu
from jax.experimental.pallas import tpu_sc as plsc


def _make_tc_detile(V, D):
    CH = 4096
    G = -(-V // CH)
    RB = CH // 4
    Q = 128 // D

    def tkern(x_ref, o_ref):
        o_ref[...] = jnp.concatenate(
            [x_ref[:, k * RB:(k + 1) * RB].T for k in range(Q)], axis=1)

    return pl.pallas_call(
        tkern,
        grid=(G,),
        in_specs=[pl.BlockSpec((D, CH), lambda i: (0, i))],
        out_specs=pl.BlockSpec((RB, 128), lambda i: (i, 0)),
        out_shape=jax.ShapeDtypeStruct((G * RB, 128), jnp.float32),
    )


def _make_sc_gather(H, B, V, D):
    info = plsc.get_sparse_core_info()
    NC, NS, L = info.num_cores, info.num_subcores, info.num_lanes
    NW = NC * NS
    CB = B // NW
    BLK = 128
    KG = CB // BLK
    NJ = CB // L
    assert CB * NW == B and KG * BLK == CB and NJ * L == CB
    assert H % 2 == 0

    mesh = plsc.VectorSubcoreMesh(core_axis_name="c", subcore_axis_name="s")

    @functools.partial(
        pl.kernel,
        mesh=mesh,
        out_type=jax.ShapeDtypeStruct((H, D, B), jnp.float32),
        scratch_types=[
            pltpu.VMEM((CB,), jnp.int32),
            pltpu.VMEM((CB,), jnp.int32),
            pltpu.VMEM((CB, D), jnp.float32),
            pltpu.VMEM((CB, D), jnp.float32),
            pltpu.VMEM((D, CB), jnp.float32),
            pltpu.VMEM((D, CB), jnp.float32),
            pltpu.SemaphoreType.DMA,
            pltpu.SemaphoreType.DMA,
            pltpu.SemaphoreType.DMA,
            pltpu.SemaphoreType.DMA,
            pltpu.SemaphoreType.DMA,
            pltpu.SemaphoreType.DMA,
        ],
        compiler_params=pltpu.CompilerParams(use_tc_tiling_on_sc=False),
    )
    def gather_kernel(xp_hbm, table_hbm, out_hbm, idx0, idx1, rows0, rows1,
                      slab0, slab1, isem0, isem1, gsem0, gsem1, osem0, osem1):
        wid = lax.axis_index("s") * NC + lax.axis_index("c")
        b0 = wid * CB

        def fire_idx(h, idx_v, isem):
            pltpu.async_copy(xp_hbm.at[h, pl.ds(b0, CB)], idx_v, isem)

        def wait_idx(idx_v, isem):
            pltpu.make_async_copy(xp_hbm.at[0, pl.ds(b0, CB)], idx_v,
                                  isem).wait()

        def remap_idx(idx_v):
            def rbody(g, c):
                v = idx_v[pl.ds(g * L, L)]
                idx_v[pl.ds(g * L, L)] = (
                    (v & jnp.int32(-4096))
                    | ((v & jnp.int32(1023)) << 2)
                    | ((v >> 10) & jnp.int32(3)))
                return c
            lax.fori_loop(0, CB // L, rbody, 0)

        def fire_gathers(idx_v, rows_v, gsem):
            for k in range(KG):
                pltpu.async_copy(
                    table_hbm.at[idx_v.at[pl.ds(k * BLK, BLK)]],
                    rows_v.at[pl.ds(k * BLK, BLK)],
                    gsem,
                )

        def drain_gathers(idx_v, rows_v, gsem):
            for k in range(KG):
                pltpu.make_async_copy(
                    table_hbm.at[idx_v.at[pl.ds(k * BLK, BLK)]],
                    rows_v.at[pl.ds(k * BLK, BLK)],
                    gsem,
                ).wait()

        lane = lax.iota(jnp.int32, L)
        perm_idx = {s2: (lane ^ s2)[:, None] for s2 in (1, 2, 4, 8)}
        lane_mask = {s2: (lane & s2) == 0 for s2 in (1, 2, 4, 8)}
        _dn = lax.GatherDimensionNumbers(
            offset_dims=(), collapsed_slice_dims=(0,), start_index_map=(0,))

        def _perm(vec, idx2):
            return lax.gather(vec, idx2, _dn, slice_sizes=(1,),
                              mode=lax.GatherScatterMode.PROMISE_IN_BOUNDS)

        def transpose16(regs):
            r = list(regs)
            for s2 in (1, 2, 4, 8):
                for i in range(L):
                    if i & s2:
                        continue
                    j2 = i | s2
                    a, b = r[i], r[j2]
                    pa = _perm(a, perm_idx[s2])
                    pb = _perm(b, perm_idx[s2])
                    r[i] = jnp.where(lane_mask[s2], a, pb)
                    r[j2] = jnp.where(lane_mask[s2], pa, b)
            return r

        def transpose(rows_v, slab_v):
            def jbody(j, carry):
                row = j * L
                for dh in range(D // L):
                    regs = [rows_v[row + i, pl.ds(dh * L, L)]
                            for i in range(L)]
                    out = transpose16(regs)
                    for i in range(L):
                        slab_v[dh * L + i, pl.ds(row, L)] = out[i]
                return carry
            lax.fori_loop(0, NJ, jbody, 0)

        def fire_slab(h, slab_v, osem):
            pltpu.async_copy(slab_v, out_hbm.at[h, :, pl.ds(b0, CB)], osem)

        def wait_slab(slab_v, osem):
            pltpu.make_async_copy(slab_v, out_hbm.at[0, :, pl.ds(b0, CB)],
                                  osem).wait()

        fire_idx(0, idx0, isem0)
        wait_idx(idx0, isem0)
        remap_idx(idx0)
        fire_gathers(idx0, rows0, gsem0)
        fire_idx(1, idx1, isem1)

        def body(t, carry):
            h0 = t * 2
            h1 = h0 + 1
            drain_gathers(idx0, rows0, gsem0)
            wait_idx(idx1, isem1)
            remap_idx(idx1)
            fire_gathers(idx1, rows1, gsem1)

            @pl.when(t >= 1)
            def _():
                wait_slab(slab0, osem0)
            transpose(rows0, slab0)
            fire_slab(h0, slab0, osem0)

            @pl.when(h0 + 2 < H)
            def _():
                fire_idx(h0 + 2, idx0, isem0)
            drain_gathers(idx1, rows1, gsem1)

            @pl.when(h0 + 2 < H)
            def _():
                wait_idx(idx0, isem0)
                remap_idx(idx0)
                fire_gathers(idx0, rows0, gsem0)
                fire_idx(h0 + 3, idx1, isem1)

            @pl.when(t >= 1)
            def _():
                wait_slab(slab1, osem1)
            transpose(rows1, slab1)
            fire_slab(h1, slab1, osem1)
            return carry

        lax.fori_loop(0, H // 2, body, 0)
        wait_slab(slab0, osem0)
        wait_slab(slab1, osem1)

    return gather_kernel


def kernel(x, table):
    B, H = x.shape
    V, D = table.shape
    fn = _make_sc_gather(H, B, V, D)
    xp = x.astype(jnp.int32).T
    tbl = _make_tc_detile(V, D)(table.T)
    tbl = tbl.reshape(tbl.shape[0] * 128 // D, D)
    outp = fn(xp, tbl)
    return outp.transpose(2, 0, 1)

# --- scband reference (transcript-rebuilt; emitter-appended) ---
"""Pipeline reference for scband-embedding-layer-77747497992784 (READ-ONLY COPY).

The authoritative reference and input builder live on the scoring server;
editing this copy changes nothing except your own understanding.
"""

import jax, jax.numpy as jnp
import numpy as np

VOCAB = 1000000
EMBED_DIM = 32
BATCH = 16384
HIST = 50

def setup_inputs(seed: int = 0) -> dict:
    key = jax.random.key(seed)
    k_idx, k_tab = jax.random.split(key)
    x = jax.random.randint(k_idx, (BATCH, HIST), 0, VOCAB, dtype=jnp.int64 if jax.config.jax_enable_x64 else jnp.int32)
    table = jax.random.normal(k_tab, (VOCAB, EMBED_DIM), dtype=jnp.float32)
    return {"x": x, "table": table}

def reference(x, table):
    # nn.Embedding forward: gather rows of the table by index
    return jnp.take(table, x, axis=0)

if __name__ == "__main__":
    import jax
    _d = setup_inputs()
    print(jax.jit(kernel)(*tuple(_d.values())))

</pallas_src>

<mosaic_0001>
#map = affine_map<(d0, d1) -> (0, 0)>
#map1 = affine_map<(d0, d1) -> (0, 0, 0)>
module attributes {stable_mosaic.version = 14 : i64} {
  func.func @gather_kernel(%arg0: i32, %arg1: i32, %arg2: memref<50x16384xi32, #tpu.memory_space<hbm>>, %arg3: memref<1003520x32xf32, #tpu.memory_space<hbm>>, %arg4: memref<50x32x16384xf32, #tpu.memory_space<hbm>>, %arg5: memref<512xi32, #tpu.memory_space<vmem>>, %arg6: memref<512xi32, #tpu.memory_space<vmem>>, %arg7: memref<512x32xf32, #tpu.memory_space<vmem>>, %arg8: memref<512x32xf32, #tpu.memory_space<vmem>>, %arg9: memref<32x512xf32, #tpu.memory_space<vmem>>, %arg10: memref<32x512xf32, #tpu.memory_space<vmem>>, %arg11: memref<!tpu.dma_semaphore, #tpu.memory_space<semaphore_mem>>, %arg12: memref<!tpu.dma_semaphore, #tpu.memory_space<semaphore_mem>>, %arg13: memref<!tpu.dma_semaphore, #tpu.memory_space<semaphore_mem>>, %arg14: memref<!tpu.dma_semaphore, #tpu.memory_space<semaphore_mem>>, %arg15: memref<!tpu.dma_semaphore, #tpu.memory_space<semaphore_mem>>, %arg16: memref<!tpu.dma_semaphore, #tpu.memory_space<semaphore_mem>>) attributes {dimension_semantics = [#tpu.dimension_semantics<core_parallel>, #tpu.dimension_semantics<subcore_parallel>], iteration_bounds = array<i64: 2, 16>, scalar_prefetch = 0 : i64, scratch_operands = 12 : i64, tpu.core_type = #tpu.core_type<sc_vector_subcore>, window_params = [{transform_indices = #map}, {transform_indices = #map}, {transform_indices = #map1}]} {
    %mul3A = arith.constant 2 : i32
    %mul3A_0 = arith.muli %arg1, %mul3A : i32
    %add3A = arith.addi %mul3A_0, %arg0 : i32
    %mul3A_1 = arith.constant 512 : i32
    %mul3A_2 = arith.muli %add3A, %mul3A_1 : i32
    %iota3A = tpu.iota {dimensions = array<i32: 0>} : vector<16xi32>
    %xor3A = arith.constant 1 : i32
    %xor3A_3 = vector.broadcast %xor3A : i32 to vector<16xi32>
    %xor3A_4 = arith.xori %iota3A, %xor3A_3 : vector<16xi32>
    %broadcast_in_dim3A = vector.shape_cast %xor3A_4 : vector<16xi32> to vector<16x1xi32>
    %xor3A_5 = arith.constant 2 : i32
    %xor3A_6 = vector.broadcast %xor3A_5 : i32 to vector<16xi32>
    %xor3A_7 = arith.xori %iota3A, %xor3A_6 : vector<16xi32>
    %broadcast_in_dim3A_8 = vector.shape_cast %xor3A_7 : vector<16xi32> to vector<16x1xi32>
    %xor3A_9 = arith.constant 4 : i32
    %xor3A_10 = vector.broadcast %xor3A_9 : i32 to vector<16xi32>
    %xor3A_11 = arith.xori %iota3A, %xor3A_10 : vector<16xi32>
    %broadcast_in_dim3A_12 = vector.shape_cast %xor3A_11 : vector<16xi32> to vector<16x1xi32>
    %xor3A_13 = arith.constant 8 : i32
    %xor3A_14 = vector.broadcast %xor3A_13 : i32 to vector<16xi32>
    %xor3A_15 = arith.xori %iota3A, %xor3A_14 : vector<16xi32>
    %broadcast_in_dim3A_16 = vector.shape_cast %xor3A_15 : vector<16xi32> to vector<16x1xi32>
    %and3A = arith.constant 1 : i32
    %and3A_17 = vector.broadcast %and3A : i32 to vector<16xi32>
    %and3A_18 = arith.andi %iota3A, %and3A_17 : vector<16xi32>
    %eq3A = arith.constant 0 : i32
    %eq3A_19 = vector.broadcast %eq3A : i32 to vector<16xi32>
    %eq3A_20 = arith.cmpi eq, %and3A_18, %eq3A_19 : vector<16xi32>
    %and3A_21 = arith.constant 2 : i32
    %and3A_22 = vector.broadcast %and3A_21 : i32 to vector<16xi32>
    %and3A_23 = arith.andi %iota3A, %and3A_22 : vector<16xi32>
    %eq3A_24 = arith.constant 0 : i32
    %eq3A_25 = vector.broadcast %eq3A_24 : i32 to vector<16xi32>
    %eq3A_26 = arith.cmpi eq, %and3A_23, %eq3A_25 : vector<16xi32>
    %and3A_27 = arith.constant 4 : i32
    %and3A_28 = vector.broadcast %and3A_27 : i32 to vector<16xi32>
    %and3A_29 = arith.andi %iota3A, %and3A_28 : vector<16xi32>
    %eq3A_30 = arith.constant 0 : i32
    %eq3A_31 = vector.broadcast %eq3A_30 : i32 to vector<16xi32>
    %eq3A_32 = arith.cmpi eq, %and3A_29, %eq3A_31 : vector<16xi32>
    %and3A_33 = arith.constant 8 : i32
    %and3A_34 = vector.broadcast %and3A_33 : i32 to vector<16xi32>
    %and3A_35 = arith.andi %iota3A, %and3A_34 : vector<16xi32>
    %eq3A_36 = arith.constant 0 : i32
    %eq3A_37 = vector.broadcast %eq3A_36 : i32 to vector<16xi32>
    %eq3A_38 = arith.cmpi eq, %and3A_35, %eq3A_37 : vector<16xi32>
    %dma_start3A = arith.constant 0 : i32
    %dma_start3A_39 = tpu.memref_slice %arg2[%dma_start3A, %mul3A_2] : memref<50x16384xi32, #tpu.memory_space<hbm>> -> memref<1x512xi32, #tpu.memory_space<hbm>>
    %dma_start3A_40 = tpu.memref_squeeze %dma_start3A_39 : memref<1x512xi32, #tpu.memory_space<hbm>> -> memref<512xi32, #tpu.memory_space<hbm>>
    %dma_start3A_41 = tpu.memref_slice %arg2[%dma_start3A, %mul3A_2] : memref<50x16384xi32, #tpu.memory_space<hbm>> -> memref<1x512xi32, #tpu.memory_space<hbm>>
    %dma_start3A_42 = tpu.memref_squeeze %dma_start3A_41 : memref<1x512xi32, #tpu.memory_space<hbm>> -> memref<512xi32, #tpu.memory_space<hbm>>
    tpu.enqueue_dma source(%dma_start3A_42 : memref<512xi32, #tpu.memory_space<hbm>>) target(%arg5 : memref<512xi32, #tpu.memory_space<vmem>>) target_semaphore(%arg11 : memref<!tpu.dma_semaphore, #tpu.memory_space<semaphore_mem>>)
    %dma_wait3A = arith.constant 0 : i32
    %dma_wait3A_43 = tpu.memref_slice %arg2[%dma_wait3A, %mul3A_2] : memref<50x16384xi32, #tpu.memory_space<hbm>> -> memref<1x512xi32, #tpu.memory_space<hbm>>
    %dma_wait3A_44 = tpu.memref_squeeze %dma_wait3A_43 : memref<1x512xi32, #tpu.memory_space<hbm>> -> memref<512xi32, #tpu.memory_space<hbm>>
    %dma_wait3A_45 = tpu.memref_slice %arg2[%dma_wait3A, %mul3A_2] : memref<50x16384xi32, #tpu.memory_space<hbm>> -> memref<1x512xi32, #tpu.memory_space<hbm>>
    %dma_wait3A_46 = tpu.memref_squeeze %dma_wait3A_45 : memref<1x512xi32, #tpu.memory_space<hbm>> -> memref<512xi32, #tpu.memory_space<hbm>>
    tpu.wait_dma2 semaphore(%arg11 : memref<!tpu.dma_semaphore, #tpu.memory_space<semaphore_mem>>) src(%dma_wait3A_46 : memref<512xi32, #tpu.memory_space<hbm>>) dst(%arg5 : memref<512xi32, #tpu.memory_space<vmem>>)
    %scan3A = arith.constant 0 : i32
    %scan3A_47 = arith.constant 0 : i32
    %scan3A_48 = arith.constant 32 : i32
    %scan3A_49 = arith.addi %scan3A_47, %scan3A_48 : i32
    %scan3A_50 = arith.constant 1 : i32
    scf.for %scan3A_109 = %scan3A_47 to %scan3A_49 step %scan3A_50  : i32 {
      %mul3A_110 = arith.constant 16 : i32
      %mul3A_111 = arith.muli %scan3A_109, %mul3A_110 : i32
      %get3A = arith.index_cast %mul3A_111 : i32 to index
      %get3A_112 = tpu.vector_load %arg5[%get3A] {strides = array<i32>} : memref<512xi32, #tpu.memory_space<vmem>>, vector<16xi32>,
      %get3A_113 = vector.shape_cast %get3A_112 : vector<16xi32> to vector<16xi32>
      %and3A_114 = arith.constant -4096 : i32
      %and3A_115 = vector.broadcast %and3A_114 : i32 to vector<16xi32>
      %and3A_116 = arith.andi %get3A_113, %and3A_115 : vector<16xi32>
      %and3A_117 = arith.constant 1023 : i32
      %and3A_118 = vector.broadcast %and3A_117 : i32 to vector<16xi32>
      %and3A_119 = arith.andi %get3A_113, %and3A_118 : vector<16xi32>
      %shift_left3A = arith.constant 2 : i32
      %shift_left3A_120 = vector.broadcast %shift_left3A : i32 to vector<16xi32>
      %shift_left3A_121 = arith.shli %and3A_119, %shift_left3A_120 : vector<16xi32>
      %or3A = arith.ori %and3A_116, %shift_left3A_121 : vector<16xi32>
      %shift_right_arithmetic3A = arith.constant 10 : i32
      %shift_right_arithmetic3A_122 = vector.broadcast %shift_right_arithmetic3A : i32 to vector<16xi32>
      %shift_right_arithmetic3A_123 = arith.shrsi %get3A_113, %shift_right_arithmetic3A_122 : vector<16xi32>
      %and3A_124 = arith.constant 3 : i32
      %and3A_125 = vector.broadcast %and3A_124 : i32 to vector<16xi32>
      %and3A_126 = arith.andi %shift_right_arithmetic3A_123, %and3A_125 : vector<16xi32>
      %or3A_127 = arith.ori %or3A, %and3A_126 : vector<16xi32>
      %mul3A_128 = arith.constant 16 : i32
      %mul3A_129 = arith.muli %scan3A_109, %mul3A_128 : i32
      %swap3A = arith.index_cast %mul3A_129 : i32 to index
      %swap3A_130 = tpu.vector_load %arg5[%swap3A] {strides = array<i32>} : memref<512xi32, #tpu.memory_space<vmem>>, vector<16xi32>,
      %swap3A_131 = vector.shape_cast %swap3A_130 : vector<16xi32> to vector<16xi32>
      %swap3A_132 = vector.shape_cast %or3A_127 : vector<16xi32> to vector<16xi32>
      tpu.vector_store %arg5[%swap3A], %swap3A_132 {strides = array<i32>} : memref<512xi32, #tpu.memory_space<vmem>>, vector<16xi32>,
    }
    %scan3A_51 = arith.constant 32 : i32
    %dma_start3A_52 = arith.constant 0 : i32
    %dma_start3A_53 = arith.constant 0 : i32
    %dma_start3A_54 = tpu.memref_slice %arg7[%dma_start3A_52, %dma_start3A_53] : memref<512x32xf32, #tpu.memory_space<vmem>> -> memref<128x32xf32, #tpu.memory_space<vmem>>
    %dma_start3A_55 = arith.constant 0 : i32
    %dma_start3A_56 = tpu.memref_slice %arg5[%dma_start3A_55] : memref<512xi32, #tpu.memory_space<vmem>> -> memref<128xi32, #tpu.memory_space<vmem>>
    %dma_start3A_57 = arith.constant 0 : i32
    %dma_start3A_58 = arith.constant 0 : i32
    %dma_start3A_59 = tpu.memref_slice %arg3[%dma_start3A_57, %dma_start3A_58] : memref<1003520x32xf32, #tpu.memory_space<hbm>> -> memref<1003520x32xf32, #tpu.memory_space<hbm>>
    tpu.enqueue_indirect_dma source(%dma_start3A_59 : memref<1003520x32xf32, #tpu.memory_space<hbm>>) target(%dma_start3A_54 : memref<128x32xf32, #tpu.memory_space<vmem>>) offsets(%dma_start3A_56 : memref<128xi32, #tpu.memory_space<vmem>>) semaphore(%arg13 : memref<!tpu.dma_semaphore, #tpu.memory_space<semaphore_mem>>)
    %dma_start3A_60 = arith.constant 128 : i32
    %dma_start3A_61 = arith.constant 0 : i32
    %dma_start3A_62 = tpu.memref_slice %arg7[%dma_start3A_60, %dma_start3A_61] : memref<512x32xf32, #tpu.memory_space<vmem>> -> memref<128x32xf32, #tpu.memory_space<vmem>>
    %dma_start3A_63 = arith.constant 128 : i32
    %dma_start3A_64 = tpu.memref_slice %arg5[%dma_start3A_63] : memref<512xi32, #tpu.memory_space<vmem>> -> memref<128xi32, #tpu.memory_space<vmem>>
    %dma_start3A_65 = arith.constant 0 : i32
    %dma_start3A_66 = arith.constant 0 : i32
    %dma_start3A_67 = tpu.memref_slice %arg3[%dma_start3A_65, %dma_start3A_66] : memref<1003520x32xf32, #tpu.memory_space<hbm>> -> memref<1003520x32xf32, #tpu.memory_space<hbm>>
    tpu.enqueue_indirect_dma source(%dma_start3A_67 : memref<1003520x32xf32, #tpu.memory_space<hbm>>) target(%dma_start3A_62 : memref<128x32xf32, #tpu.memory_space<vmem>>) offsets(%dma_start3A_64 : memref<128xi32, #tpu.memory_space<vmem>>) semaphore(%arg13 : memref<!tpu.dma_semaphore, #tpu.memory_space<semaphore_mem>>)
    %dma_start3A_68 = arith.constant 256 : i32
    %dma_start3A_69 = arith.constant 0 : i32
    %dma_start3A_70 = tpu.memref_slice %arg7[%dma_start3A_68, %dma_start3A_69] : memref<512x32xf32, #tpu.memory_space<vmem>> -> memref<128x32xf32, #tpu.memory_space<vmem>>
    %dma_start3A_71 = arith.constant 256 : i32
    %dma_start3A_72 = tpu.memref_slice %arg5[%dma_start3A_71] : memref<512xi32, #tpu.memory_space<vmem>> -> memref<128xi32, #tpu.memory_space<vmem>>
    %dma_start3A_73 = arith.constant 0 : i32
    %dma_start3A_74 = arith.constant 0 : i32
    %dma_start3A_75 = tpu.memref_slice %arg3[%dma_start3A_73, %dma_start3A_74] : memref<1003520x32xf32, #tpu.memory_space<hbm>> -> memref<1003520x32xf32, #tpu.memory_space<hbm>>
    tpu.enqueue_indirect_dma source(%dma_start3A_75 : memref<1003520x32xf32, #tpu.memory_space<hbm>>) target(%dma_start3A_70 : memref<128x32xf32, #tpu.memory_space<vmem>>) offsets(%dma_start3A_72 : memref<128xi32, #tpu.memory_space<vmem>>) semaphore(%arg13 : memref<!tpu.dma_semaphore, #tpu.memory_space<semaphore_mem>>)
    %dma_start3A_76 = arith.constant 384 : i32
    %dma_start3A_77 = arith.constant 0 : i32
    %dma_start3A_78 = tpu.memref_slice %arg7[%dma_start3A_76, %dma_start3A_77] : memref<512x32xf32, #tpu.memory_space<vmem>> -> memref<128x32xf32, #tpu.memory_space<vmem>>
    %dma_start3A_79 = arith.constant 384 : i32
    %dma_start3A_80 = tpu.memref_slice %arg5[%dma_start3A_79] : memref<512xi32, #tpu.memory_space<vmem>> -> memref<128xi32, #tpu.memory_space<vmem>>
    %dma_start3A_81 = arith.constant 0 : i32
    %dma_start3A_82 = arith.constant 0 : i32
    %dma_start3A_83 = tpu.memref_slice %arg3[%dma_start3A_81, %dma_start3A_82] : memref<1003520x32xf32, #tpu.memory_space<hbm>> -> memref<1003520x32xf32, #tpu.memory_space<hbm>>
    tpu.enqueue_indirect_dma source(%dma_start3A_83 : memref<1003520x32xf32, #tpu.memory_space<hbm>>) target(%dma_start3A_78 : memref<128x32xf32, #tpu.memory_space<vmem>>) offsets(%dma_start3A_80 : memref<128xi32, #tpu.memory_space<vmem>>) semaphore(%arg13 : memref<!tpu.dma_semaphore, #tpu.memory_space<semaphore_mem>>)
    %dma_start3A_84 = arith.constant 1 : i32
    %dma_start3A_85 = tpu.memref_slice %arg2[%dma_start3A_84, %mul3A_2] : memref<50x16384xi32, #tpu.memory_space<hbm>> -> memref<1x512xi32, #tpu.memory_space<hbm>>
    %dma_start3A_86 = tpu.memref_squeeze %dma_start3A_85 : memref<1x512xi32, #tpu.memory_space<hbm>> -> memref<512xi32, #tpu.memory_space<hbm>>
    %dma_start3A_87 = tpu.memref_slice %arg2[%dma_start3A_84, %mul3A_2] : memref<50x16384xi32, #tpu.memory_space<hbm>> -> memref<1x512xi32, #tpu.memory_space<hbm>>
    %dma_start3A_88 = tpu.memref_squeeze %dma_start3A_87 : memref<1x512xi32, #tpu.memory_space<hbm>> -> memref<512xi32, #tpu.memory_space<hbm>>
    tpu.enqueue_dma source(%dma_start3A_88 : memref<512xi32, #tpu.memory_space<hbm>>) target(%arg6 : memref<512xi32, #tpu.memory_space<vmem>>) target_semaphore(%arg12 : memref<!tpu.dma_semaphore, #tpu.memory_space<semaphore_mem>>)
    %scan3A_89 = arith.constant 0 : i32
    %scan3A_90 = arith.constant 0 : i32
    %scan3A_91 = arith.constant 25 : i32
    %scan3A_92 = arith.addi %scan3A_90, %scan3A_91 : i32
    %scan3A_93 = arith.constant 1 : i32
    scf.for %scan3A_109 = %scan3A_90 to %scan3A_92 step %scan3A_93  : i32 {
      %mul3A_110 = arith.constant 2 : i32
      %mul3A_111 = arith.muli %scan3A_109, %mul3A_110 : i32
      %add3A_112 = arith.constant 1 : i32
      %add3A_113 = arith.addi %mul3A_111, %add3A_112 : i32
      %dma_wait3A_114 = arith.constant 0 : i32
      %dma_wait3A_115 = arith.constant 0 : i32
      %dma_wait3A_116 = tpu.memref_slice %arg7[%dma_wait3A_114, %dma_wait3A_115] : memref<512x32xf32, #tpu.memory_space<vmem>> -> memref<128x32xf32, #tpu.memory_space<vmem>>
      %dma_wait3A_117 = arith.constant 0 : i32
      %dma_wait3A_118 = tpu.memref_slice %arg5[%dma_wait3A_117] : memref<512xi32, #tpu.memory_space<vmem>> -> memref<128xi32, #tpu.memory_space<vmem>>
      %dma_wait3A_119 = arith.constant 0 : i32
      %dma_wait3A_120 = arith.constant 0 : i32
      %dma_wait3A_121 = tpu.memref_slice %arg3[%dma_wait3A_119, %dma_wait3A_120] : memref<1003520x32xf32, #tpu.memory_space<hbm>> -> memref<1003520x32xf32, #tpu.memory_space<hbm>>
      tpu.wait_indirect_dma semaphore(%arg13 : memref<!tpu.dma_semaphore, #tpu.memory_space<semaphore_mem>>) src(%dma_wait3A_121 : memref<1003520x32xf32, #tpu.memory_space<hbm>>) dst(%dma_wait3A_116 : memref<128x32xf32, #tpu.memory_space<vmem>>)
      %dma_wait3A_122 = arith.constant 128 : i32
      %dma_wait3A_123 = arith.constant 0 : i32
      %dma_wait3A_124 = tpu.memref_slice %arg7[%dma_wait3A_122, %dma_wait3A_123] : memref<512x32xf32, #tpu.memory_space<vmem>> -> memref<128x32xf32, #tpu.memory_space<vmem>>
      %dma_wait3A_125 = arith.constant 128 : i32
      %dma_wait3A_126 = tpu.memref_slice %arg5[%dma_wait3A_125] : memref<512xi32, #tpu.memory_space<vmem>> -> memref<128xi32, #tpu.memory_space<vmem>>
      %dma_wait3A_127 = arith.constant 0 : i32
      %dma_wait3A_128 = arith.constant 0 : i32
      %dma_wait3A_129 = tpu.memref_slice %arg3[%dma_wait3A_127, %dma_wait3A_128] : memref<1003520x32xf32, #tpu.memory_space<hbm>> -> memref<1003520x32xf32, #tpu.memory_space<hbm>>
      tpu.wait_indirect_dma semaphore(%arg13 : memref<!tpu.dma_semaphore, #tpu.memory_space<semaphore_mem>>) src(%dma_wait3A_129 : memref<1003520x32xf32, #tpu.memory_space<hbm>>) dst(%dma_wait3A_124 : memref<128x32xf32, #tpu.memory_space<vmem>>)
      %dma_wait3A_130 = arith.constant 256 : i32
      %dma_wait3A_131 = arith.constant 0 : i32
      %dma_wait3A_132 = tpu.memref_slice %arg7[%dma_wait3A_130, %dma_wait3A_131] : memref<512x32xf32, #tpu.memory_space<vmem>> -> memref<128x32xf32, #tpu.memory_space<vmem>>
      %dma_wait3A_133 = arith.constant 256 : i32
      %dma_wait3A_134 = tpu.memref_slice %arg5[%dma_wait3A_133] : memref<512xi32, #tpu.memory_space<vmem>> -> memref<128xi32, #tpu.memory_space<vmem>>
      %dma_wait3A_135 = arith.constant 0 : i32
      %dma_wait3A_136 = arith.constant 0 : i32
      %dma_wait3A_137 = tpu.memref_slice %arg3[%dma_wait3A_135, %dma_wait3A_136] : memref<1003520x32xf32, #tpu.memory_space<hbm>> -> memref<1003520x32xf32, #tpu.memory_space<hbm>>
      tpu.wait_indirect_dma semaphore(%arg13 : memref<!tpu.dma_semaphore, #tpu.memory_space<semaphore_mem>>) src(%dma_wait3A_137 : memref<1003520x32xf32, #tpu.memory_space<hbm>>) dst(%dma_wait3A_132 : memref<128x32xf32, #tpu.memory_space<vmem>>)
      %dma_wait3A_138 = arith.constant 384 : i32
      %dma_wait3A_139 = arith.constant 0 : i32
      %dma_wait3A_140 = tpu.memref_slice %arg7[%dma_wait3A_138, %dma_wait3A_139] : memref<512x32xf32, #tpu.memory_space<vmem>> -> memref<128x32xf32, #tpu.memory_space<vmem>>
      %dma_wait3A_141 = arith.constant 384 : i32
      %dma_wait3A_142 = tpu.memref_slice %arg5[%dma_wait3A_141] : memref<512xi32, #tpu.memory_space<vmem>> -> memref<128xi32, #tpu.memory_space<vmem>>
      %dma_wait3A_143 = arith.constant 0 : i32
      %dma_wait3A_144 = arith.constant 0 : i32
      %dma_wait3A_145 = tpu.memref_slice %arg3[%dma_wait3A_143, %dma_wait3A_144] : memref<1003520x32xf32, #tpu.memory_space<hbm>> -> memref<1003520x32xf32, #tpu.memory_space<hbm>>
      tpu.wait_indirect_dma semaphore(%arg13 : memref<!tpu.dma_semaphore, #tpu.memory_space<semaphore_mem>>) src(%dma_wait3A_145 : memref<1003520x32xf32, #tpu.memory_space<hbm>>) dst(%dma_wait3A_140 : memref<128x32xf32, #tpu.memory_space<vmem>>)
      %dma_wait3A_146 = arith.constant 0 : i32
      %dma_wait3A_147 = tpu.memref_slice %arg2[%dma_wait3A_146, %mul3A_2] : memref<50x16384xi32, #tpu.memory_space<hbm>> -> memref<1x512xi32, #tpu.memory_space<hbm>>
      %dma_wait3A_148 = tpu.memref_squeeze %dma_wait3A_147 : memref<1x512xi32, #tpu.memory_space<hbm>> -> memref<512xi32, #tpu.memory_space<hbm>>
      %dma_wait3A_149 = tpu.memref_slice %arg2[%dma_wait3A_146, %mul3A_2] : memref<50x16384xi32, #tpu.memory_space<hbm>> -> memref<1x512xi32, #tpu.memory_space<hbm>>
      %dma_wait3A_150 = tpu.memref_squeeze %dma_wait3A_149 : memref<1x512xi32, #tpu.memory_space<hbm>> -> memref<512xi32, #tpu.memory_space<hbm>>
      tpu.wait_dma2 semaphore(%arg12 : memref<!tpu.dma_semaphore, #tpu.memory_space<semaphore_mem>>) src(%dma_wait3A_150 : memref<512xi32, #tpu.memory_space<hbm>>) dst(%arg6 : memref<512xi32, #tpu.memory_space<vmem>>)
      %scan3A_151 = arith.constant 0 : i32
      %scan3A_152 = arith.constant 0 : i32
      %scan3A_153 = arith.constant 32 : i32
      %scan3A_154 = arith.addi %scan3A_152, %scan3A_153 : i32
      %scan3A_155 = arith.constant 1 : i32
      scf.for %scan3A_265 = %scan3A_152 to %scan3A_154 step %scan3A_155  : i32 {
        %mul3A_266 = arith.constant 16 : i32
        %mul3A_267 = arith.muli %scan3A_265, %mul3A_266 : i32
        %get3A = arith.index_cast %mul3A_267 : i32 to index
        %get3A_268 = tpu.vector_load %arg6[%get3A] {strides = array<i32>} : memref<512xi32, #tpu.memory_space<vmem>>, vector<16xi32>,
        %get3A_269 = vector.shape_cast %get3A_268 : vector<16xi32> to vector<16xi32>
        %and3A_270 = arith.constant -4096 : i32
        %and3A_271 = vector.broadcast %and3A_270 : i32 to vector<16xi32>
        %and3A_272 = arith.andi %get3A_269, %and3A_271 : vector<16xi32>
        %and3A_273 = arith.constant 1023 : i32
        %and3A_274 = vector.broadcast %and3A_273 : i32 to vector<16xi32>
        %and3A_275 = arith.andi %get3A_269, %and3A_274 : vector<16xi32>
        %shift_left3A = arith.constant 2 : i32
        %shift_left3A_276 = vector.broadcast %shift_left3A : i32 to vector<16xi32>
        %shift_left3A_277 = arith.shli %and3A_275, %shift_left3A_276 : vector<16xi32>
        %or3A = arith.ori %and3A_272, %shift_left3A_277 : vector<16xi32>
        %shift_right_arithmetic3A = arith.constant 10 : i32
        %shift_right_arithmetic3A_278 = vector.broadcast %shift_right_arithmetic3A : i32 to vector<16xi32>
        %shift_right_arithmetic3A_279 = arith.shrsi %get3A_269, %shift_right_arithmetic3A_278 : vector<16xi32>
        %and3A_280 = arith.constant 3 : i32
        %and3A_281 = vector.broadcast %and3A_280 : i32 to vector<16xi32>
        %and3A_282 = arith.andi %shift_right_arithmetic3A_279, %and3A_281 : vector<16xi32>
        %or3A_283 = arith.ori %or3A, %and3A_282 : vector<16xi32>
        %mul3A_284 = arith.constant 16 : i32
        %mul3A_285 = arith.muli %scan3A_265, %mul3A_284 : i32
        %swap3A = arith.index_cast %mul3A_285 : i32 to index
        %swap3A_286 = tpu.vector_load %arg6[%swap3A] {strides = array<i32>} : memref<512xi32, #tpu.memory_space<vmem>>, vector<16xi32>,
        %swap3A_287 = vector.shape_cast %swap3A_286 : vector<16xi32> to vector<16xi32>
        %swap3A_288 = vector.shape_cast %or3A_283 : vector<16xi32> to vector<16xi32>
        tpu.vector_store %arg6[%swap3A], %swap3A_288 {strides = array<i32>} : memref<512xi32, #tpu.memory_space<vmem>>, vector<16xi32>,
      }
      %scan3A_156 = arith.constant 32 : i32
      %dma_start3A_157 = arith.constant 0 : i32
      %dma_start3A_158 = arith.constant 0 : i32
      %dma_start3A_159 = tpu.memref_slice %arg8[%dma_start3A_157, %dma_start3A_158] : memref<512x32xf32, #tpu.memory_space<vmem>> -> memref<128x32xf32, #tpu.memory_space<vmem>>
      %dma_start3A_160 = arith.constant 0 : i32
      %dma_start3A_161 = tpu.memref_slice %arg6[%dma_start3A_160] : memref<512xi32, #tpu.memory_space<vmem>> -> memref<128xi32, #tpu.memory_space<vmem>>
      %dma_start3A_162 = arith.constant 0 : i32
      %dma_start3A_163 = arith.constant 0 : i32
      %dma_start3A_164 = tpu.memref_slice %arg3[%dma_start3A_162, %dma_start3A_163] : memref<1003520x32xf32, #tpu.memory_space<hbm>> -> memref<1003520x32xf32, #tpu.memory_space<hbm>>
      tpu.enqueue_indirect_dma source(%dma_start3A_164 : memref<1003520x32xf32, #tpu.memory_space<hbm>>) target(%dma_start3A_159 : memref<128x32xf32, #tpu.memory_space<vmem>>) offsets(%dma_start3A_161 : memref<128xi32, #tpu.memory_space<vmem>>) semaphore(%arg14 : memref<!tpu.dma_semaphore, #tpu.memory_space<semaphore_mem>>)
      %dma_start3A_165 = arith.constant 128 : i32
      %dma_start3A_166 = arith.constant 0 : i32
      %dma_start3A_167 = tpu.memref_slice %arg8[%dma_start3A_165, %dma_start3A_166] : memref<512x32xf32, #tpu.memory_space<vmem>> -> memref<128x32xf32, #tpu.memory_space<vmem>>
      %dma_start3A_168 = arith.constant 128 : i32
      %dma_start3A_169 = tpu.memref_slice %arg6[%dma_start3A_168] : memref<512xi32, #tpu.memory_space<vmem>> -> memref<128xi32, #tpu.memory_space<vmem>>
      %dma_start3A_170 = arith.constant 0 : i32
      %dma_start3A_171 = arith.constant 0 : i32
      %dma_start3A_172 = tpu.memref_slice %arg3[%dma_start3A_170, %dma_start3A_171] : memref<1003520x32xf32, #tpu.memory_space<hbm>> -> memref<1003520x32xf32, #tpu.memory_space<hbm>>
      tpu.enqueue_indirect_dma source(%dma_start3A_172 : memref<1003520x32xf32, #tpu.memory_space<hbm>>) target(%dma_start3A_167 : memref<128x32xf32, #tpu.memory_space<vmem>>) offsets(%dma_start3A_169 : memref<128xi32, #tpu.memory_space<vmem>>) semaphore(%arg14 : memref<!tpu.dma_semaphore, #tpu.memory_space<semaphore_mem>>)
      %dma_start3A_173 = arith.constant 256 : i32
      %dma_start3A_174 = arith.constant 0 : i32
      %dma_start3A_175 = tpu.memref_slice %arg8[%dma_start3A_173, %dma_start3A_174] : memref<512x32xf32, #tpu.memory_space<vmem>> -> memref<128x32xf32, #tpu.memory_space<vmem>>
      %dma_start3A_176 = arith.constant 256 : i32
      %dma_start3A_177 = tpu.memref_slice %arg6[%dma_start3A_176] : memref<512xi32, #tpu.memory_space<vmem>> -> memref<128xi32, #tpu.memory_space<vmem>>
      %dma_start3A_178 = arith.constant 0 : i32
      %dma_start3A_179 = arith.constant 0 : i32
      %dma_start3A_180 = tpu.memref_slice %arg3[%dma_start3A_178, %dma_start3A_179] : memref<1003520x32xf32, #tpu.memory_space<hbm>> -> memref<1003520x32xf32, #tpu.memory_space<hbm>>
      tpu.enqueue_indirect_dma source(%dma_start3A_180 : memref<1003520x32xf32, #tpu.memory_space<hbm>>) target(%dma_start3A_175 : memref<128x32xf32, #tpu.memory_space<vmem>>) offsets(%dma_start3A_177 : memref<128xi32, #tpu.memory_space<vmem>>) semaphore(%arg14 : memref<!tpu.dma_semaphore, #tpu.memory_space<semaphore_mem>>)
      %dma_start3A_181 = arith.constant 384 : i32
      %dma_start3A_182 = arith.constant 0 : i32
      %dma_start3A_183 = tpu.memref_slice %arg8[%dma_start3A_181, %dma_start3A_182] : memref<512x32xf32, #tpu.memory_space<vmem>> -> memref<128x32xf32, #tpu.memory_space<vmem>>
      %dma_start3A_184 = arith.constant 384 : i32
      %dma_start3A_185 = tpu.memref_slice %arg6[%dma_start3A_184] : memref<512xi32, #tpu.memory_space<vmem>> -> memref<128xi32, #tpu.memory_space<vmem>>
      %dma_start3A_186 = arith.constant 0 : i32
      %dma_start3A_187 = arith.constant 0 : i32
      %dma_start3A_188 = tpu.memref_slice %arg3[%dma_start3A_186, %dma_start3A_187] : memref<1003520x32xf32, #tpu.memory_space<hbm>> -> memref<1003520x32xf32, #tpu.memory_space<hbm>>
      tpu.enqueue_indirect_dma source(%dma_start3A_188 : memref<1003520x32xf32, #tpu.memory_space<hbm>>) target(%dma_start3A_183 : memref<128x32xf32, #tpu.memory_space<vmem>>) offsets(%dma_start3A_185 : memref<128xi32, #tpu.memory_space<vmem>>) semaphore(%arg14 : memref<!tpu.dma_semaphore, #tpu.memory_space<semaphore_mem>>)
      %ge3A = arith.constant 1 : i32
      %ge3A_189 = arith.cmpi sge, %scan3A_109, %ge3A : i32
      %convert_element_type3A = arith.extui %ge3A_189 : i1 to i32
      %cond3A = arith.constant 0 : i32
      %cond3A_190 = arith.cmpi ne, %convert_element_type3A, %cond3A : i32
      scf.if %cond3A_190 {
        %dma_wait3A_265 = arith.constant 0 : i32
        %dma_wait3A_266 = arith.constant 0 : i32
        %dma_wait3A_267 = tpu.memref_slice %arg4[%dma_wait3A_265, %dma_wait3A_266, %mul3A_2] : memref<50x32x16384xf32, #tpu.memory_space<hbm>> -> memref<1x32x512xf32, #tpu.memory_space<hbm>>
        %dma_wait3A_268 = tpu.memref_squeeze %dma_wait3A_267 : memref<1x32x512xf32, #tpu.memory_space<hbm>> -> memref<32x512xf32, #tpu.memory_space<hbm>>
        %dma_wait3A_269 = arith.constant 0 : i32
        %dma_wait3A_270 = tpu.memref_slice %arg4[%dma_wait3A_265, %dma_wait3A_269, %mul3A_2] : memref<50x32x16384xf32, #tpu.memory_space<hbm>> -> memref<1x32x512xf32, #tpu.memory_space<hbm>>
        %dma_wait3A_271 = tpu.memref_squeeze %dma_wait3A_270 : memref<1x32x512xf32, #tpu.memory_space<hbm>> -> memref<32x512xf32, #tpu.memory_space<hbm>>
        tpu.wait_dma2 semaphore(%arg15 : memref<!tpu.dma_semaphore, #tpu.memory_space<semaphore_mem>>) src(%arg9 : memref<32x512xf32, #tpu.memory_space<vmem>>) dst(%dma_wait3A_271 : memref<32x512xf32, #tpu.memory_space<hbm>>)
      } else {
      }
      %scan3A_191 = arith.constant 0 : i32
      %scan3A_192 = arith.constant 0 : i32
      %scan3A_193 = arith.constant 32 : i32
      %scan3A_194 = arith.addi %scan3A_192, %scan3A_193 : i32
      %scan3A_195 = arith.constant 1 : i32
      scf.for %scan3A_265 = %scan3A_192 to %scan3A_194 step %scan3A_195  : i32 {
        %mul3A_266 = arith.constant 16 : i32
        %mul3A_267 = arith.muli %scan3A_265, %mul3A_266 : i32
        %add3A_268 = arith.constant 0 : i32
        %add3A_269 = arith.addi %mul3A_267, %add3A_268 : i32
        %get3A = arith.index_cast %add3A_269 : i32 to index
        %get3A_270 = arith.constant 0 : index
        %get3A_271 = tpu.vector_load %arg7[%get3A, %get3A_270] {strides = array<i32>} : memref<512x32xf32, #tpu.memory_space<vmem>>, vector<1x16xf32>,
        %get3A_272 = vector.shape_cast %get3A_271 : vector<1x16xf32> to vector<16xf32>
        %add3A_273 = arith.constant 1 : i32
        %add3A_274 = arith.addi %mul3A_267, %add3A_273 : i32
        %get3A_275 = arith.index_cast %add3A_274 : i32 to index
        %get3A_276 = arith.constant 0 : index
        %get3A_277 = tpu.vector_load %arg7[%get3A_275, %get3A_276] {strides = array<i32>} : memref<512x32xf32, #tpu.memory_space<vmem>>, vector<1x16xf32>,
        %get3A_278 = vector.shape_cast %get3A_277 : vector<1x16xf32> to vector<16xf32>
        %add3A_279 = arith.constant 2 : i32
        %add3A_280 = arith.addi %mul3A_267, %add3A_279 : i32
        %get3A_281 = arith.index_cast %add3A_280 : i32 to index
        %get3A_282 = arith.constant 0 : index
        %get3A_283 = tpu.vector_load %arg7[%get3A_281, %get3A_282] {strides = array<i32>} : memref<512x32xf32, #tpu.memory_space<vmem>>, vector<1x16xf32>,
        %get3A_284 = vector.shape_cast %get3A_283 : vector<1x16xf32> to vector<16xf32>
        %add3A_285 = arith.constant 3 : i32
        %add3A_286 = arith.addi %mul3A_267, %add3A_285 : i32
        %get3A_287 = arith.index_cast %add3A_286 : i32 to index
        %get3A_288 = arith.constant 0 : index
        %get3A_289 = tpu.vector_load %arg7[%get3A_287, %get3A_288] {strides = array<i32>} : memref<512x32xf32, #tpu.memory_space<vmem>>, vector<1x16xf32>,
        %get3A_290 = vector.shape_cast %get3A_289 : vector<1x16xf32> to vector<16xf32>
        %add3A_291 = arith.constant 4 : i32
        %add3A_292 = arith.addi %mul3A_267, %add3A_291 : i32
        %get3A_293 = arith.index_cast %add3A_292 : i32 to index
        %get3A_294 = arith.constant 0 : index
        %get3A_295 = tpu.vector_load %arg7[%get3A_293, %get3A_294] {strides = array<i32>} : memref<512x32xf32, #tpu.memory_space<vmem>>, vector<1x16xf32>,
        %get3A_296 = vector.shape_cast %get3A_295 : vector<1x16xf32> to vector<16xf32>
        %add3A_297 = arith.constant 5 : i32
        %add3A_298 = arith.addi %mul3A_267, %add3A_297 : i32
        %get3A_299 = arith.index_cast %add3A_298 : i32 to index
        %get3A_300 = arith.constant 0 : index
        %get3A_301 = tpu.vector_load %arg7[%get3A_299, %get3A_300] {strides = array<i32>} : memref<512x32xf32, #tpu.memory_space<vmem>>, vector<1x16xf32>,
        %get3A_302 = vector.shape_cast %get3A_301 : vector<1x16xf32> to vector<16xf32>
        %add3A_303 = arith.constant 6 : i32
        %add3A_304 = arith.addi %mul3A_267, %add3A_303 : i32
        %get3A_305 = arith.index_cast %add3A_304 : i32 to index
        %get3A_306 = arith.constant 0 : index
        %get3A_307 = tpu.vector_load %arg7[%get3A_305, %get3A_306] {strides = array<i32>} : memref<512x32xf32, #tpu.memory_space<vmem>>, vector<1x16xf32>,
        %get3A_308 = vector.shape_cast %get3A_307 : vector<1x16xf32> to vector<16xf32>
        %add3A_309 = arith.constant 7 : i32
        %add3A_310 = arith.addi %mul3A_267, %add3A_309 : i32
        %get3A_311 = arith.index_cast %add3A_310 : i32 to index
        %get3A_312 = arith.constant 0 : index
        %get3A_313 = tpu.vector_load %arg7[%get3A_311, %get3A_312] {strides = array<i32>} : memref<512x32xf32, #tpu.memory_space<vmem>>, vector<1x16xf32>,
        %get3A_314 = vector.shape_cast %get3A_313 : vector<1x16xf32> to vector<16xf32>
        %add3A_315 = arith.constant 8 : i32
        %add3A_316 = arith.addi %mul3A_267, %add3A_315 : i32
        %get3A_317 = arith.index_cast %add3A_316 : i32 to index
        %get3A_318 = arith.constant 0 : index
        %get3A_319 = tpu.vector_load %arg7[%get3A_317, %get3A_318] {strides = array<i32>} : memref<512x32xf32, #tpu.memory_space<vmem>>, vector<1x16xf32>,
        %get3A_320 = vector.shape_cast %get3A_319 : vector<1x16xf32> to vector<16xf32>
        %add3A_321 = arith.constant 9 : i32
        %add3A_322 = arith.addi %mul3A_267, %add3A_321 : i32
        %get3A_323 = arith.index_cast %add3A_322 : i32 to index
        %get3A_324 = arith.constant 0 : index
        %get3A_325 = tpu.vector_load %arg7[%get3A_323, %get3A_324] {strides = array<i32>} : memref<512x32xf32, #tpu.memory_space<vmem>>, vector<1x16xf32>,
        %get3A_326 = vector.shape_cast %get3A_325 : vector<1x16xf32> to vector<16xf32>
        %add3A_327 = arith.constant 10 : i32
        %add3A_328 = arith.addi %mul3A_267, %add3A_327 : i32
        %get3A_329 = arith.index_cast %add3A_328 : i32 to index
        %get3A_330 = arith.constant 0 : index
        %get3A_331 = tpu.vector_load %arg7[%get3A_329, %get3A_330] {strides = array<i32>} : memref<512x32xf32, #tpu.memory_space<vmem>>, vector<1x16xf32>,
        %get3A_332 = vector.shape_cast %get3A_331 : vector<1x16xf32> to vector<16xf32>
        %add3A_333 = arith.constant 11 : i32
        %add3A_334 = arith.addi %mul3A_267, %add3A_333 : i32
        %get3A_335 = arith.index_cast %add3A_334 : i32 to index
        %get3A_336 = arith.constant 0 : index
        %get3A_337 = tpu.vector_load %arg7[%get3A_335, %get3A_336] {strides = array<i32>} : memref<512x32xf32, #tpu.memory_space<vmem>>, vector<1x16xf32>,
        %get3A_338 = vector.shape_cast %get3A_337 : vector<1x16xf32> to vector<16xf32>
        %add3A_339 = arith.constant 12 : i32
        %add3A_340 = arith.addi %mul3A_267, %add3A_339 : i32
        %get3A_341 = arith.index_cast %add3A_340 : i32 to index
        %get3A_342 = arith.constant 0 : index
        %get3A_343 = tpu.vector_load %arg7[%get3A_341, %get3A_342] {strides = array<i32>} : memref<512x32xf32, #tpu.memory_space<vmem>>, vector<1x16xf32>,
        %get3A_344 = vector.shape_cast %get3A_343 : vector<1x16xf32> to vector<16xf32>
        %add3A_345 = arith.constant 13 : i32
        %add3A_346 = arith.addi %mul3A_267, %add3A_345 : i32
        %get3A_347 = arith.index_cast %add3A_346 : i32 to index
        %get3A_348 = arith.constant 0 : index
        %get3A_349 = tpu.vector_load %arg7[%get3A_347, %get3A_348] {strides = array<i32>} : memref<512x32xf32, #tpu.memory_space<vmem>>, vector<1x16xf32>,
        %get3A_350 = vector.shape_cast %get3A_349 : vector<1x16xf32> to vector<16xf32>
        %add3A_351 = arith.constant 14 : i32
        %add3A_352 = arith.addi %mul3A_267, %add3A_351 : i32
        %get3A_353 = arith.index_cast %add3A_352 : i32 to index
        %get3A_354 = arith.constant 0 : index
        %get3A_355 = tpu.vector_load %arg7[%get3A_353, %get3A_354] {strides = array<i32>} : memref<512x32xf32, #tpu.memory_space<vmem>>, vector<1x16xf32>,
        %get3A_356 = vector.shape_cast %get3A_355 : vector<1x16xf32> to vector<16xf32>
        %add3A_357 = arith.constant 15 : i32
        %add3A_358 = arith.addi %mul3A_267, %add3A_357 : i32
        %get3A_359 = arith.index_cast %add3A_358 : i32 to index
        %get3A_360 = arith.constant 0 : index
        %get3A_361 = tpu.vector_load %arg7[%get3A_359, %get3A_360] {strides = array<i32>} : memref<512x32xf32, #tpu.memory_space<vmem>>, vector<1x16xf32>,
        %get3A_362 = vector.shape_cast %get3A_361 : vector<1x16xf32> to vector<16xf32>
        %gather3A = vector.shape_cast %broadcast_in_dim3A : vector<16x1xi32> to vector<16xi32>
        %gather3A_363 = tpu.dynamic_gather %get3A_272[%gather3A] in [0] : vector<16xf32>, vector<16xi32> -> vector<16xf32>
        %gather3A_364 = vector.shape_cast %broadcast_in_dim3A : vector<16x1xi32> to vector<16xi32>
        %gather3A_365 = tpu.dynamic_gather %get3A_278[%gather3A_364] in [0] : vector<16xf32>, vector<16xi32> -> vector<16xf32>
        %select_n3A = arith.select %eq3A_20, %get3A_272, %gather3A_365 : vector<16xi1>, vector<16xf32>
        %select_n3A_366 = arith.select %eq3A_20, %gather3A_363, %get3A_278 : vector<16xi1>, vector<16xf32>
        %gather3A_367 = vector.shape_cast %broadcast_in_dim3A : vector<16x1xi32> to vector<16xi32>
        %gather3A_368 = tpu.dynamic_gather %get3A_284[%gather3A_367] in [0] : vector<16xf32>, vector<16xi32> -> vector<16xf32>
        %gather3A_369 = vector.shape_cast %broadcast_in_dim3A : vector<16x1xi32> to vector<16xi32>
        %gather3A_370 = tpu.dynamic_gather %get3A_290[%gather3A_369] in [0] : vector<16xf32>, vector<16xi32> -> vector<16xf32>
        %select_n3A_371 = arith.select %eq3A_20, %get3A_284, %gather3A_370 : vector<16xi1>, vector<16xf32>
        %select_n3A_372 = arith.select %eq3A_20, %gather3A_368, %get3A_290 : vector<16xi1>, vector<16xf32>
        %gather3A_373 = vector.shape_cast %broadcast_in_dim3A : vector<16x1xi32> to vector<16xi32>
        %gather3A_374 = tpu.dynamic_gather %get3A_296[%gather3A_373] in [0] : vector<16xf32>, vector<16xi32> -> vector<16xf32>
        %gather3A_375 = vector.shape_cast %broadcast_in_dim3A : vector<16x1xi32> to vector<16xi32>
        %gather3A_376 = tpu.dynamic_gather %get3A_302[%gather3A_375] in [0] : vector<16xf32>, vector<16xi32> -> vector<16xf32>
        %select_n3A_377 = arith.select %eq3A_20, %get3A_296, %gather3A_376 : vector<16xi1>, vector<16xf32>
        %select_n3A_378 = arith.select %eq3A_20, %gather3A_374, %get3A_302 : vector<16xi1>, vector<16xf32>
        %gather3A_379 = vector.shape_cast %broadcast_in_dim3A : vector<16x1xi32> to vector<16xi32>
        %gather3A_380 = tpu.dynamic_gather %get3A_308[%gather3A_379] in [0] : vector<16xf32>, vector<16xi32> -> vector<16xf32>
        %gather3A_381 = vector.shape_cast %broadcast_in_dim3A : vector<16x1xi32> to vector<16xi32>
        %gather3A_382 = tpu.dynamic_gather %get3A_314[%gather3A_381] in [0] : vector<16xf32>, vector<16xi32> -> vector<16xf32>
        %select_n3A_383 = arith.select %eq3A_20, %get3A_308, %gather3A_382 : vector<16xi1>, vector<16xf32>
        %select_n3A_384 = arith.select %eq3A_20, %gather3A_380, %get3A_314 : vector<16xi1>, vector<16xf32>
        %gather3A_385 = vector.shape_cast %broadcast_in_dim3A : vector<16x1xi32> to vector<16xi32>
        %gather3A_386 = tpu.dynamic_gather %get3A_320[%gather3A_385] in [0] : vector<16xf32>, vector<16xi32> -> vector<16xf32>
        %gather3A_387 = vector.shape_cast %broadcast_in_dim3A : vector<16x1xi32> to vector<16xi32>
        %gather3A_388 = tpu.dynamic_gather %get3A_326[%gather3A_387] in [0] : vector<16xf32>, vector<16xi32> -> vector<16xf32>
        %select_n3A_389 = arith.select %eq3A_20, %get3A_320, %gather3A_388 : vector<16xi1>, vector<16xf32>
        %select_n3A_390 = arith.select %eq3A_20, %gather3A_386, %get3A_326 : vector<16xi1>, vector<16xf32>
        %gather3A_391 = vector.shape_cast %broadcast_in_dim3A : vector<16x1xi32> to vector<16xi32>
        %gather3A_392 = tpu.dynamic_gather %get3A_332[%gather3A_391] in [0] : vector<16xf32>, vector<16xi32> -> vector<16xf32>
        %gather3A_393 = vector.shape_cast %broadcast_in_dim3A : vector<16x1xi32> to vector<16xi32>
        %gather3A_394 = tpu.dynamic_gather %get3A_338[%gather3A_393] in [0] : vector<16xf32>, vector<16xi32> -> vector<16xf32>
        %select_n3A_395 = arith.select %eq3A_20, %get3A_332, %gather3A_394 : vector<16xi1>, vector<16xf32>
        %select_n3A_396 = arith.select %eq3A_20, %gather3A_392, %get3A_338 : vector<16xi1>, vector<16xf32>
        %gather3A_397 = vector.shape_cast %broadcast_in_dim3A : vector<16x1xi32> to vector<16xi32>
        %gather3A_398 = tpu.dynamic_gather %get3A_344[%gather3A_397] in [0] : vector<16xf32>, vector<16xi32> -> vector<16xf32>
        %gather3A_399 = vector.shape_cast %broadcast_in_dim3A : vector<16x1xi32> to vector<16xi32>
        %gather3A_400 = tpu.dynamic_gather %get3A_350[%gather3A_399] in [0] : vector<16xf32>, vector<16xi32> -> vector<16xf32>
        %select_n3A_401 = arith.select %eq3A_20, %get3A_344, %gather3A_400 : vector<16xi1>, vector<16xf32>
        %select_n3A_402 = arith.select %eq3A_20, %gather3A_398, %get3A_350 : vector<16xi1>, vector<16xf32>
        %gather3A_403 = vector.shape_cast %broadcast_in_dim3A : vector<16x1xi32> to vector<16xi32>
        %gather3A_404 = tpu.dynamic_gather %get3A_356[%gather3A_403] in [0] : vector<16xf32>, vector<16xi32> -> vector<16xf32>
        %gather3A_405 = vector.shape_cast %broadcast_in_dim3A : vector<16x1xi32> to vector<16xi32>
        %gather3A_406 = tpu.dynamic_gather %get3A_362[%gather3A_405] in [0] : vector<16xf32>, vector<16xi32> -> vector<16xf32>
        %select_n3A_407 = arith.select %eq3A_20, %get3A_356, %gather3A_406 : vector<16xi1>, vector<16xf32>
        %select_n3A_408 = arith.select %eq3A_20, %gather3A_404, %get3A_362 : vector<16xi1>, vector<16xf32>
        %gather3A_409 = vector.shape_cast %broadcast_in_dim3A_8 : vector<16x1xi32> to vector<16xi32>
        %gather3A_410 = tpu.dynamic_gather %select_n3A[%gather3A_409] in [0] : vector<16xf32>, vector<16xi32> -> vector<16xf32>
        %gather3A_411 = vector.shape_cast %broadcast_in_dim3A_8 : vector<16x1xi32> to vector<16xi32>
        %gather3A_412 = tpu.dynamic_gather %select_n3A_371[%gather3A_411] in [0] : vector<16xf32>, vector<16xi32> -> vector<16xf32>
        %select_n3A_413 = arith.select %eq3A_26, %select_n3A, %gather3A_412 : vector<16xi1>, vector<16xf32>
        %select_n3A_414 = arith.select %eq3A_26, %gather3A_410, %select_n3A_371 : vector<16xi1>, vector<16xf32>
        %gather3A_415 = vector.shape_cast %broadcast_in_dim3A_8 : vector<16x1xi32> to vector<16xi32>
        %gather3A_416 = tpu.dynamic_gather %select_n3A_366[%gather3A_415] in [0] : vector<16xf32>, vector<16xi32> -> vector<16xf32>
        %gather3A_417 = vector.shape_cast %broadcast_in_dim3A_8 : vector<16x1xi32> to vector<16xi32>
        %gather3A_418 = tpu.dynamic_gather %select_n3A_372[%gather3A_417] in [0] : vector<16xf32>, vector<16xi32> -> vector<16xf32>
        %select_n3A_419 = arith.select %eq3A_26, %select_n3A_366, %gather3A_418 : vector<16xi1>, vector<16xf32>
        %select_n3A_420 = arith.select %eq3A_26, %gather3A_416, %select_n3A_372 : vector<16xi1>, vector<16xf32>
        %gather3A_421 = vector.shape_cast %broadcast_in_dim3A_8 : vector<16x1xi32> to vector<16xi32>
        %gather3A_422 = tpu.dynamic_gather %select_n3A_377[%gather3A_421] in [0] : vector<16xf32>, vector<16xi32> -> vector<16xf32>
        %gather3A_423 = vector.shape_cast %broadcast_in_dim3A_8 : vector<16x1xi32> to vector<16xi32>
        %gather3A_424 = tpu.dynamic_gather %select_n3A_383[%gather3A_423] in [0] : vector<16xf32>, vector<16xi32> -> vector<16xf32>
        %select_n3A_425 = arith.select %eq3A_26, %select_n3A_377, %gather3A_424 : vector<16xi1>, vector<16xf32>
        %select_n3A_426 = arith.select %eq3A_26, %gather3A_422, %select_n3A_383 : vector<16xi1>, vector<16xf32>
        %gather3A_427 = vector.shape_cast %broadcast_in_dim3A_8 : vector<16x1xi32> to vector<16xi32>
        %gather3A_428 = tpu.dynamic_gather %select_n3A_378[%gather3A_427] in [0] : vector<16xf32>, vector<16xi32> -> vector<16xf32>
        %gather3A_429 = vector.shape_cast %broadcast_in_dim3A_8 : vector<16x1xi32> to vector<16xi32>
        %gather3A_430 = tpu.dynamic_gather %select_n3A_384[%gather3A_429] in [0] : vector<16xf32>, vector<16xi32> -> vector<16xf32>
        %select_n3A_431 = arith.select %eq3A_26, %select_n3A_378, %gather3A_430 : vector<16xi1>, vector<16xf32>
        %select_n3A_432 = arith.select %eq3A_26, %gather3A_428, %select_n3A_384 : vector<16xi1>, vector<16xf32>
        %gather3A_433 = vector.shape_cast %broadcast_in_dim3A_8 : vector<16x1xi32> to vector<16xi32>
        %gather3A_434 = tpu.dynamic_gather %select_n3A_389[%gather3A_433] in [0] : vector<16xf32>, vector<16xi32> -> vector<16xf32>
        %gather3A_435 = vector.shape_cast %broadcast_in_dim3A_8 : vector<16x1xi32> to vector<16xi32>
        %gather3A_436 = tpu.dynamic_gather %select_n3A_395[%gather3A_435] in [0] : vector<16xf32>, vector<16xi32> -> vector<16xf32>
        %select_n3A_437 = arith.select %eq3A_26, %select_n3A_389, %gather3A_436 : vector<16xi1>, vector<16xf32>
        %select_n3A_438 = arith.select %eq3A_26, %gather3A_434, %select_n3A_395 : vector<16xi1>, vector<16xf32>
        %gather3A_439 = vector.shape_cast %broadcast_in_dim3A_8 : vector<16x1xi32> to vector<16xi32>
        %gather3A_440 = tpu.dynamic_gather %select_n3A_390[%gather3A_439] in [0] : vector<16xf32>, vector<16xi32> -> vector<16xf32>
        %gather3A_441 = vector.shape_cast %broadcast_in_dim3A_8 : vector<16x1xi32> to vector<16xi32>
        %gather3A_442 = tpu.dynamic_gather %select_n3A_396[%gather3A_441] in [0] : vector<16xf32>, vector<16xi32> -> vector<16xf32>
        %select_n3A_443 = arith.select %eq3A_26, %select_n3A_390, %gather3A_442 : vector<16xi1>, vector<16xf32>
        %select_n3A_444 = arith.select %eq3A_26, %gather3A_440, %select_n3A_396 : vector<16xi1>, vector<16xf32>
        %gather3A_445 = vector.shape_cast %broadcast_in_dim3A_8 : vector<16x1xi32> to vector<16xi32>
        %gather3A_446 = tpu.dynamic_gather %select_n3A_401[%gather3A_445] in [0] : vector<16xf32>, vector<16xi32> -> vector<16xf32>
        %gather3A_447 = vector.shape_cast %broadcast_in_dim3A_8 : vector<16x1xi32> to vector<16xi32>
        %gather3A_448 = tpu.dynamic_gather %select_n3A_407[%gather3A_447] in [0] : vector<16xf32>, vector<16xi32> -> vector<16xf32>
        %select_n3A_449 = arith.select %eq3A_26, %select_n3A_401, %gather3A_448 : vector<16xi1>, vector<16xf32>
        %select_n3A_450 = arith.select %eq3A_26, %gather3A_446, %select_n3A_407 : vector<16xi1>, vector<16xf32>
        %gather3A_451 = vector.shape_cast %broadcast_in_dim3A_8 : vector<16x1xi32> to vector<16xi32>
        %gather3A_452 = tpu.dynamic_gather %select_n3A_402[%gather3A_451] in [0] : vector<16xf32>, vector<16xi32> -> vector<16xf32>
        %gather3A_453 = vector.shape_cast %broadcast_in_dim3A_8 : vector<16x1xi32> to vector<16xi32>
        %gather3A_454 = tpu.dynamic_gather %select_n3A_408[%gather3A_453] in [0] : vector<16xf32>, vector<16xi32> -> vector<16xf32>
        %select_n3A_455 = arith.select %eq3A_26, %select_n3A_402, %gather3A_454 : vector<16xi1>, vector<16xf32>
        %select_n3A_456 = arith.select %eq3A_26, %gather3A_452, %select_n3A_408 : vector<16xi1>, vector<16xf32>
        %gather3A_457 = vector.shape_cast %broadcast_in_dim3A_12 : vector<16x1xi32> to vector<16xi32>
        %gather3A_458 = tpu.dynamic_gather %select_n3A_413[%gather3A_457] in [0] : vector<16xf32>, vector<16xi32> -> vector<16xf32>
        %gather3A_459 = vector.shape_cast %broadcast_in_dim3A_12 : vector<16x1xi32> to vector<16xi32>
        %gather3A_460 = tpu.dynamic_gather %select_n3A_425[%gather3A_459] in [0] : vector<16xf32>, vector<16xi32> -> vector<16xf32>
        %select_n3A_461 = arith.select %eq3A_32, %select_n3A_413, %gather3A_460 : vector<16xi1>, vector<16xf32>
        %select_n3A_462 = arith.select %eq3A_32, %gather3A_458, %select_n3A_425 : vector<16xi1>, vector<16xf32>
        %gather3A_463 = vector.shape_cast %broadcast_in_dim3A_12 : vector<16x1xi32> to vector<16xi32>
        %gather3A_464 = tpu.dynamic_gather %select_n3A_419[%gather3A_463] in [0] : vector<16xf32>, vector<16xi32> -> vector<16xf32>
        %gather3A_465 = vector.shape_cast %broadcast_in_dim3A_12 : vector<16x1xi32> to vector<16xi32>
        %gather3A_466 = tpu.dynamic_gather %select_n3A_431[%gather3A_465] in [0] : vector<16xf32>, vector<16xi32> -> vector<16xf32>
        %select_n3A_467 = arith.select %eq3A_32, %select_n3A_419, %gather3A_466 : vector<16xi1>, vector<16xf32>
        %select_n3A_468 = arith.select %eq3A_32, %gather3A_464, %select_n3A_431 : vector<16xi1>, vector<16xf32>
        %gather3A_469 = vector.shape_cast %broadcast_in_dim3A_12 : vector<16x1xi32> to vector<16xi32>
        %gather3A_470 = tpu.dynamic_gather %select_n3A_414[%gather3A_469] in [0] : vector<16xf32>, vector<16xi32> -> vector<16xf32>
        %gather3A_471 = vector.shape_cast %broadcast_in_dim3A_12 : vector<16x1xi32> to vector<16xi32>
        %gather3A_472 = tpu.dynamic_gather %select_n3A_426[%gather3A_471] in [0] : vector<16xf32>, vector<16xi32> -> vector<16xf32>
        %select_n3A_473 = arith.select %eq3A_32, %select_n3A_414, %gather3A_472 : vector<16xi1>, vector<16xf32>
        %select_n3A_474 = arith.select %eq3A_32, %gather3A_470, %select_n3A_426 : vector<16xi1>, vector<16xf32>
        %gather3A_475 = vector.shape_cast %broadcast_in_dim3A_12 : vector<16x1xi32> to vector<16xi32>
        %gather3A_476 = tpu.dynamic_gather %select_n3A_420[%gather3A_475] in [0] : vector<16xf32>, vector<16xi32> -> vector<16xf32>
        %gather3A_477 = vector.shape_cast %broadcast_in_dim3A_12 : vector<16x1xi32> to vector<16xi32>
        %gather3A_478 = tpu.dynamic_gather %select_n3A_432[%gather3A_477] in [0] : vector<16xf32>, vector<16xi32> -> vector<16xf32>
        %select_n3A_479 = arith.select %eq3A_32, %select_n3A_420, %gather3A_478 : vector<16xi1>, vector<16xf32>
        %select_n3A_480 = arith.select %eq3A_32, %gather3A_476, %select_n3A_432 : vector<16xi1>, vector<16xf32>
        %gather3A_481 = vector.shape_cast %broadcast_in_dim3A_12 : vector<16x1xi32> to vector<16xi32>
        %gather3A_482 = tpu.dynamic_gather %select_n3A_437[%gather3A_481] in [0] : vector<16xf32>, vector<16xi32> -> vector<16xf32>
        %gather3A_483 = vector.shape_cast %broadcast_in_dim3A_12 : vector<16x1xi32> to vector<16xi32>
        %gather3A_484 = tpu.dynamic_gather %select_n3A_449[%gather3A_483] in [0] : vector<16xf32>, vector<16xi32> -> vector<16xf32>
        %select_n3A_485 = arith.select %eq3A_32, %select_n3A_437, %gather3A_484 : vector<16xi1>, vector<16xf32>
        %select_n3A_486 = arith.select %eq3A_32, %gather3A_482, %select_n3A_449 : vector<16xi1>, vector<16xf32>
        %gather3A_487 = vector.shape_cast %broadcast_in_dim3A_12 : vector<16x1xi32> to vector<16xi32>
        %gather3A_488 = tpu.dynamic_gather %select_n3A_443[%gather3A_487] in [0] : vector<16xf32>, vector<16xi32> -> vector<16xf32>
        %gather3A_489 = vector.shape_cast %broadcast_in_dim3A_12 : vector<16x1xi32> to vector<16xi32>
        %gather3A_490 = tpu.dynamic_gather %select_n3A_455[%gather3A_489] in [0] : vector<16xf32>, vector<16xi32> -> vector<16xf32>
        %select_n3A_491 = arith.select %eq3A_32, %select_n3A_443, %gather3A_490 : vector<16xi1>, vector<16xf32>
        %select_n3A_492 = arith.select %eq3A_32, %gather3A_488, %select_n3A_455 : vector<16xi1>, vector<16xf32>
        %gather3A_493 = vector.shape_cast %broadcast_in_dim3A_12 : vector<16x1xi32> to vector<16xi32>
        %gather3A_494 = tpu.dynamic_gather %select_n3A_438[%gather3A_493] in [0] : vector<16xf32>, vector<16xi32> -> vector<16xf32>
        %gather3A_495 = vector.shape_cast %broadcast_in_dim3A_12 : vector<16x1xi32> to vector<16xi32>
        %gather3A_496 = tpu.dynamic_gather %select_n3A_450[%gather3A_495] in [0] : vector<16xf32>, vector<16xi32> -> vector<16xf32>
        %select_n3A_497 = arith.select %eq3A_32, %select_n3A_438, %gather3A_496 : vector<16xi1>, vector<16xf32>
        %select_n3A_498 = arith.select %eq3A_32, %gather3A_494, %select_n3A_450 : vector<16xi1>, vector<16xf32>
        %gather3A_499 = vector.shape_cast %broadcast_in_dim3A_12 : vector<16x1xi32> to vector<16xi32>
        %gather3A_500 = tpu.dynamic_gather %select_n3A_444[%gather3A_499] in [0] : vector<16xf32>, vector<16xi32> -> vector<16xf32>
        %gather3A_501 = vector.shape_cast %broadcast_in_dim3A_12 : vector<16x1xi32> to vector<16xi32>
        %gather3A_502 = tpu.dynamic_gather %select_n3A_456[%gather3A_501] in [0] : vector<16xf32>, vector<16xi32> -> vector<16xf32>
        %select_n3A_503 = arith.select %eq3A_32, %select_n3A_444, %gather3A_502 : vector<16xi1>, vector<16xf32>
        %select_n3A_504 = arith.select %eq3A_32, %gather3A_500, %select_n3A_456 : vector<16xi1>, vector<16xf32>
        %gather3A_505 = vector.shape_cast %broadcast_in_dim3A_16 : vector<16x1xi32> to vector<16xi32>
        %gather3A_506 = tpu.dynamic_gather %select_n3A_461[%gather3A_505] in [0] : vector<16xf32>, vector<16xi32> -> vector<16xf32>
        %gather3A_507 = vector.shape_cast %broadcast_in_dim3A_16 : vector<16x1xi32> to vector<16xi32>
        %gather3A_508 = tpu.dynamic_gather %select_n3A_485[%gather3A_507] in [0] : vector<16xf32>, vector<16xi32> -> vector<16xf32>
        %select_n3A_509 = arith.select %eq3A_38, %select_n3A_461, %gather3A_508 : vector<16xi1>, vector<16xf32>
        %select_n3A_510 = arith.select %eq3A_38, %gather3A_506, %select_n3A_485 : vector<16xi1>, vector<16xf32>
        %gather3A_511 = vector.shape_cast %broadcast_in_dim3A_16 : vector<16x1xi32> to vector<16xi32>
        %gather3A_512 = tpu.dynamic_gather %select_n3A_467[%gather3A_511] in [0] : vector<16xf32>, vector<16xi32> -> vector<16xf32>
        %gather3A_513 = vector.shape_cast %broadcast_in_dim3A_16 : vector<16x1xi32> to vector<16xi32>
        %gather3A_514 = tpu.dynamic_gather %select_n3A_491[%gather3A_513] in [0] : vector<16xf32>, vector<16xi32> -> vector<16xf32>
        %select_n3A_515 = arith.select %eq3A_38, %select_n3A_467, %gather3A_514 : vector<16xi1>, vector<16xf32>
        %select_n3A_516 = arith.select %eq3A_38, %gather3A_512, %select_n3A_491 : vector<16xi1>, vector<16xf32>
        %gather3A_517 = vector.shape_cast %broadcast_in_dim3A_16 : vector<16x1xi32> to vector<16xi32>
        %gather3A_518 = tpu.dynamic_gather %select_n3A_473[%gather3A_517] in [0] : vector<16xf32>, vector<16xi32> -> vector<16xf32>
        %gather3A_519 = vector.shape_cast %broadcast_in_dim3A_16 : vector<16x1xi32> to vector<16xi32>
        %gather3A_520 = tpu.dynamic_gather %select_n3A_497[%gather3A_519] in [0] : vector<16xf32>, vector<16xi32> -> vector<16xf32>
        %select_n3A_521 = arith.select %eq3A_38, %select_n3A_473, %gather3A_520 : vector<16xi1>, vector<16xf32>
        %select_n3A_522 = arith.select %eq3A_38, %gather3A_518, %select_n3A_497 : vector<16xi1>, vector<16xf32>
        %gather3A_523 = vector.shape_cast %broadcast_in_dim3A_16 : vector<16x1xi32> to vector<16xi32>
        %gather3A_524 = tpu.dynamic_gather %select_n3A_479[%gather3A_523] in [0] : vector<16xf32>, vector<16xi32> -> vector<16xf32>
        %gather3A_525 = vector.shape_cast %broadcast_in_dim3A_16 : vector<16x1xi32> to vector<16xi32>
        %gather3A_526 = tpu.dynamic_gather %select_n3A_503[%gather3A_525] in [0] : vector<16xf32>, vector<16xi32> -> vector<16xf32>
        %select_n3A_527 = arith.select %eq3A_38, %select_n3A_479, %gather3A_526 : vector<16xi1>, vector<16xf32>
        %select_n3A_528 = arith.select %eq3A_38, %gather3A_524, %select_n3A_503 : vector<16xi1>, vector<16xf32>
        %gather3A_529 = vector.shape_cast %broadcast_in_dim3A_16 : vector<16x1xi32> to vector<16xi32>
        %gather3A_530 = tpu.dynamic_gather %select_n3A_462[%gather3A_529] in [0] : vector<16xf32>, vector<16xi32> -> vector<16xf32>
        %gather3A_531 = vector.shape_cast %broadcast_in_dim3A_16 : vector<16x1xi32> to vector<16xi32>
        %gather3A_532 = tpu.dynamic_gather %select_n3A_486[%gather3A_531] in [0] : vector<16xf32>, vector<16xi32> -> vector<16xf32>
        %select_n3A_533 = arith.select %eq3A_38, %select_n3A_462, %gather3A_532 : vector<16xi1>, vector<16xf32>
        %select_n3A_534 = arith.select %eq3A_38, %gather3A_530, %select_n3A_486 : vector<16xi1>, vector<16xf32>
        %gather3A_535 = vector.shape_cast %broadcast_in_dim3A_16 : vector<16x1xi32> to vector<16xi32>
        %gather3A_536 = tpu.dynamic_gather %select_n3A_468[%gather3A_535] in [0] : vector<16xf32>, vector<16xi32> -> vector<16xf32>
        %gather3A_537 = vector.shape_cast %broadcast_in_dim3A_16 : vector<16x1xi32> to vector<16xi32>
        %gather3A_538 = tpu.dynamic_gather %select_n3A_492[%gather3A_537] in [0] : vector<16xf32>, vector<16xi32> -> vector<16xf32>
        %select_n3A_539 = arith.select %eq3A_38, %select_n3A_468, %gather3A_538 : vector<16xi1>, vector<16xf32>
        %select_n3A_540 = arith.select %eq3A_38, %gather3A_536, %select_n3A_492 : vector<16xi1>, vector<16xf32>
        %gather3A_541 = vector.shape_cast %broadcast_in_dim3A_16 : vector<16x1xi32> to vector<16xi32>
        %gather3A_542 = tpu.dynamic_gather %select_n3A_474[%gather3A_541] in [0] : vector<16xf32>, vector<16xi32> -> vector<16xf32>
        %gather3A_543 = vector.shape_cast %broadcast_in_dim3A_16 : vector<16x1xi32> to vector<16xi32>
        %gather3A_544 = tpu.dynamic_gather %select_n3A_498[%gather3A_543] in [0] : vector<16xf32>, vector<16xi32> -> vector<16xf32>
        %select_n3A_545 = arith.select %eq3A_38, %select_n3A_474, %gather3A_544 : vector<16xi1>, vector<16xf32>
        %select_n3A_546 = arith.select %eq3A_38, %gather3A_542, %select_n3A_498 : vector<16xi1>, vector<16xf32>
        %gather3A_547 = vector.shape_cast %broadcast_in_dim3A_16 : vector<16x1xi32> to vector<16xi32>
        %gather3A_548 = tpu.dynamic_gather %select_n3A_480[%gather3A_547] in [0] : vector<16xf32>, vector<16xi32> -> vector<16xf32>
        %gather3A_549 = vector.shape_cast %broadcast_in_dim3A_16 : vector<16x1xi32> to vector<16xi32>
        %gather3A_550 = tpu.dynamic_gather %select_n3A_504[%gather3A_549] in [0] : vector<16xf32>, vector<16xi32> -> vector<16xf32>
        %select_n3A_551 = arith.select %eq3A_38, %select_n3A_480, %gather3A_550 : vector<16xi1>, vector<16xf32>
        %select_n3A_552 = arith.select %eq3A_38, %gather3A_548, %select_n3A_504 : vector<16xi1>, vector<16xf32>
        %swap3A = arith.constant 0 : i32
        %swap3A_553 = arith.index_cast %swap3A : i32 to index
        %swap3A_554 = arith.index_cast %mul3A_267 : i32 to index
        %swap3A_555 = tpu.vector_load %arg9[%swap3A_553, %swap3A_554] {strides = array<i32>} : memref<32x512xf32, #tpu.memory_space<vmem>>, vector<1x16xf32>,
        %swap3A_556 = vector.shape_cast %swap3A_555 : vector<1x16xf32> to vector<16xf32>
        %swap3A_557 = vector.shape_cast %select_n3A_509 : vector<16xf32> to vector<1x16xf32>
        tpu.vector_store %arg9[%swap3A_553, %swap3A_554], %swap3A_557 {strides = array<i32>} : memref<32x512xf32, #tpu.memory_space<vmem>>, vector<1x16xf32>,
        %swap3A_558 = arith.constant 1 : i32
        %swap3A_559 = arith.index_cast %swap3A_558 : i32 to index
        %swap3A_560 = arith.index_cast %mul3A_267 : i32 to index
        %swap3A_561 = tpu.vector_load %arg9[%swap3A_559, %swap3A_560] {strides = array<i32>} : memref<32x512xf32, #tpu.memory_space<vmem>>, vector<1x16xf32>,
        %swap3A_562 = vector.shape_cast %swap3A_561 : vector<1x16xf32> to vector<16xf32>
        %swap3A_563 = vector.shape_cast %select_n3A_515 : vector<16xf32> to vector<1x16xf32>
        tpu.vector_store %arg9[%swap3A_559, %swap3A_560], %swap3A_563 {strides = array<i32>} : memref<32x512xf32, #tpu.memory_space<vmem>>, vector<1x16xf32>,
        %swap3A_564 = arith.constant 2 : i32
        %swap3A_565 = arith.index_cast %swap3A_564 : i32 to index
        %swap3A_566 = arith.index_cast %mul3A_267 : i32 to index
        %swap3A_567 = tpu.vector_load %arg9[%swap3A_565, %swap3A_566] {strides = array<i32>} : memref<32x512xf32, #tpu.memory_space<vmem>>, vector<1x16xf32>,
        %swap3A_568 = vector.shape_cast %swap3A_567 : vector<1x16xf32> to vector<16xf32>
        %swap3A_569 = vector.shape_cast %select_n3A_521 : vector<16xf32> to vector<1x16xf32>
        tpu.vector_store %arg9[%swap3A_565, %swap3A_566], %swap3A_569 {strides = array<i32>} : memref<32x512xf32, #tpu.memory_space<vmem>>, vector<1x16xf32>,
        %swap3A_570 = arith.constant 3 : i32
        %swap3A_571 = arith.index_cast %swap3A_570 : i32 to index
        %swap3A_572 = arith.index_cast %mul3A_267 : i32 to index
        %swap3A_573 = tpu.vector_load %arg9[%swap3A_571, %swap3A_572] {strides = array<i32>} : memref<32x512xf32, #tpu.memory_space<vmem>>, vector<1x16xf32>,
        %swap3A_574 = vector.shape_cast %swap3A_573 : vector<1x16xf32> to vector<16xf32>
        %swap3A_575 = vector.shape_cast %select_n3A_527 : vector<16xf32> to vector<1x16xf32>
        tpu.vector_store %arg9[%swap3A_571, %swap3A_572], %swap3A_575 {strides = array<i32>} : memref<32x512xf32, #tpu.memory_space<vmem>>, vector<1x16xf32>,
        %swap3A_576 = arith.constant 4 : i32
        %swap3A_577 = arith.index_cast %swap3A_576 : i32 to index
        %swap3A_578 = arith.index_cast %mul3A_267 : i32 to index
        %swap3A_579 = tpu.vector_load %arg9[%swap3A_577, %swap3A_578] {strides = array<i32>} : memref<32x512xf32, #tpu.memory_space<vmem>>, vector<1x16xf32>,
        %swap3A_580 = vector.shape_cast %swap3A_579 : vector<1x16xf32> to vector<16xf32>
        %swap3A_581 = vector.shape_cast %select_n3A_533 : vector<16xf32> to vector<1x16xf32>
        tpu.vector_store %arg9[%swap3A_577, %swap3A_578], %swap3A_581 {strides = array<i32>} : memref<32x512xf32, #tpu.memory_space<vmem>>, vector<1x16xf32>,
        %swap3A_582 = arith.constant 5 : i32
        %swap3A_583 = arith.index_cast %swap3A_582 : i32 to index
        %swap3A_584 = arith.index_cast %mul3A_267 : i32 to index
        %swap3A_585 = tpu.vector_load %arg9[%swap3A_583, %swap3A_584] {strides = array<i32>} : memref<32x512xf32, #tpu.memory_space<vmem>>, vector<1x16xf32>,
        %swap3A_586 = vector.shape_cast %swap3A_585 : vector<1x16xf32> to vector<16xf32>
        %swap3A_587 = vector.shape_cast %select_n3A_539 : vector<16xf32> to vector<1x16xf32>
        tpu.vector_store %arg9[%swap3A_583, %swap3A_584], %swap3A_587 {strides = array<i32>} : memref<32x512xf32, #tpu.memory_space<vmem>>, vector<1x16xf32>,
        %swap3A_588 = arith.constant 6 : i32
        %swap3A_589 = arith.index_cast %swap3A_588 : i32 to index
        %swap3A_590 = arith.index_cast %mul3A_267 : i32 to index
        %swap3A_591 = tpu.vector_load %arg9[%swap3A_589, %swap3A_590] {strides = array<i32>} : memref<32x512xf32, #tpu.memory_space<vmem>>, vector<1x16xf32>,
        %swap3A_592 = vector.shape_cast %swap3A_591 : vector<1x16xf32> to vector<16xf32>
        %swap3A_593 = vector.shape_cast %select_n3A_545 : vector<16xf32> to vector<1x16xf32>
        tpu.vector_store %arg9[%swap3A_589, %swap3A_590], %swap3A_593 {strides = array<i32>} : memref<32x512xf32, #tpu.memory_space<vmem>>, vector<1x16xf32>,
        %swap3A_594 = arith.constant 7 : i32
        %swap3A_595 = arith.index_cast %swap3A_594 : i32 to index
        %swap3A_596 = arith.index_cast %mul3A_267 : i32 to index
        %swap3A_597 = tpu.vector_load %arg9[%swap3A_595, %swap3A_596] {strides = array<i32>} : memref<32x512xf32, #tpu.memory_space<vmem>>, vector<1x16xf32>,
        %swap3A_598 = vector.shape_cast %swap3A_597 : vector<1x16xf32> to vector<16xf32>
        %swap3A_599 = vector.shape_cast %select_n3A_551 : vector<16xf32> to vector<1x16xf32>
        tpu.vector_store %arg9[%swap3A_595, %swap3A_596], %swap3A_599 {strides = array<i32>} : memref<32x512xf32, #tpu.memory_space<vmem>>, vector<1x16xf32>,
        %swap3A_600 = arith.constant 8 : i32
        %swap3A_601 = arith.index_cast %swap3A_600 : i32 to index
        %swap3A_602 = arith.index_cast %mul3A_267 : i32 to index
        %swap3A_603 = tpu.vector_load %arg9[%swap3A_601, %swap3A_602] {strides = array<i32>} : memref<32x512xf32, #tpu.memory_space<vmem>>, vector<1x16xf32>,
        %swap3A_604 = vector.shape_cast %swap3A_603 : vector<1x16xf32> to vector<16xf32>
        %swap3A_605 = vector.shape_cast %select_n3A_510 : vector<16xf32> to vector<1x16xf32>
        tpu.vector_store %arg9[%swap3A_601, %swap3A_602], %swap3A_605 {strides = array<i32>} : memref<32x512xf32, #tpu.memory_space<vmem>>, vector<1x16xf32>,
        %swap3A_606 = arith.constant 9 : i32
        %swap3A_607 = arith.index_cast %swap3A_606 : i32 to index
        %swap3A_608 = arith.index_cast %mul3A_267 : i32 to index
        %swap3A_609 = tpu.vector_load %arg9[%swap3A_607, %swap3A_608] {strides = array<i32>} : memref<32x512xf32, #tpu.memory_space<vmem>>, vector<1x16xf32>,
        %swap3A_610 = vector.shape_cast %swap3A_609 : vector<1x16xf32> to vector<16xf32>
        %swap3A_611 = vector.shape_cast %select_n3A_516 : vector<16xf32> to vector<1x16xf32>
        tpu.vector_store %arg9[%swap3A_607, %swap3A_608], %swap3A_611 {strides = array<i32>} : memref<32x512xf32, #tpu.memory_space<vmem>>, vector<1x16xf32>,
        %swap3A_612 = arith.constant 10 : i32
        %swap3A_613 = arith.index_cast %swap3A_612 : i32 to index
        %swap3A_614 = arith.index_cast %mul3A_267 : i32 to index
        %swap3A_615 = tpu.vector_load %arg9[%swap3A_613, %swap3A_614] {strides = array<i32>} : memref<32x512xf32, #tpu.memory_space<vmem>>, vector<1x16xf32>,
        %swap3A_616 = vector.shape_cast %swap3A_615 : vector<1x16xf32> to vector<16xf32>
        %swap3A_617 = vector.shape_cast %select_n3A_522 : vector<16xf32> to vector<1x16xf32>
        tpu.vector_store %arg9[%swap3A_613, %swap3A_614], %swap3A_617 {strides = array<i32>} : memref<32x512xf32, #tpu.memory_space<vmem>>, vector<1x16xf32>,
        %swap3A_618 = arith.constant 11 : i32
        %swap3A_619 = arith.index_cast %swap3A_618 : i32 to index
        %swap3A_620 = arith.index_cast %mul3A_267 : i32 to index
        %swap3A_621 = tpu.vector_load %arg9[%swap3A_619, %swap3A_620] {strides = array<i32>} : memref<32x512xf32, #tpu.memory_space<vmem>>, vector<1x16xf32>,
        %swap3A_622 = vector.shape_cast %swap3A_621 : vector<1x16xf32> to vector<16xf32>
        %swap3A_623 = vector.shape_cast %select_n3A_528 : vector<16xf32> to vector<1x16xf32>
        tpu.vector_store %arg9[%swap3A_619, %swap3A_620], %swap3A_623 {strides = array<i32>} : memref<32x512xf32, #tpu.memory_space<vmem>>, vector<1x16xf32>,
        %swap3A_624 = arith.constant 12 : i32
        %swap3A_625 = arith.index_cast %swap3A_624 : i32 to index
        %swap3A_626 = arith.index_cast %mul3A_267 : i32 to index
        %swap3A_627 = tpu.vector_load %arg9[%swap3A_625, %swap3A_626] {strides = array<i32>} : memref<32x512xf32, #tpu.memory_space<vmem>>, vector<1x16xf32>,
        %swap3A_628 = vector.shape_cast %swap3A_627 : vector<1x16xf32> to vector<16xf32>
        %swap3A_629 = vector.shape_cast %select_n3A_534 : vector<16xf32> to vector<1x16xf32>
        tpu.vector_store %arg9[%swap3A_625, %swap3A_626], %swap3A_629 {strides = array<i32>} : memref<32x512xf32, #tpu.memory_space<vmem>>, vector<1x16xf32>,
        %swap3A_630 = arith.constant 13 : i32
        %swap3A_631 = arith.index_cast %swap3A_630 : i32 to index
        %swap3A_632 = arith.index_cast %mul3A_267 : i32 to index
        %swap3A_633 = tpu.vector_load %arg9[%swap3A_631, %swap3A_632] {strides = array<i32>} : memref<32x512xf32, #tpu.memory_space<vmem>>, vector<1x16xf32>,
        %swap3A_634 = vector.shape_cast %swap3A_633 : vector<1x16xf32> to vector<16xf32>
        %swap3A_635 = vector.shape_cast %select_n3A_540 : vector<16xf32> to vector<1x16xf32>
        tpu.vector_store %arg9[%swap3A_631, %swap3A_632], %swap3A_635 {strides = array<i32>} : memref<32x512xf32, #tpu.memory_space<vmem>>, vector<1x16xf32>,
        %swap3A_636 = arith.constant 14 : i32
        %swap3A_637 = arith.index_cast %swap3A_636 : i32 to index
        %swap3A_638 = arith.index_cast %mul3A_267 : i32 to index
        %swap3A_639 = tpu.vector_load %arg9[%swap3A_637, %swap3A_638] {strides = array<i32>} : memref<32x512xf32, #tpu.memory_space<vmem>>, vector<1x16xf32>,
        %swap3A_640 = vector.shape_cast %swap3A_639 : vector<1x16xf32> to vector<16xf32>
        %swap3A_641 = vector.shape_cast %select_n3A_546 : vector<16xf32> to vector<1x16xf32>
        tpu.vector_store %arg9[%swap3A_637, %swap3A_638], %swap3A_641 {strides = array<i32>} : memref<32x512xf32, #tpu.memory_space<vmem>>, vector<1x16xf32>,
        %swap3A_642 = arith.constant 15 : i32
        %swap3A_643 = arith.index_cast %swap3A_642 : i32 to index
        %swap3A_644 = arith.index_cast %mul3A_267 : i32 to index
        %swap3A_645 = tpu.vector_load %arg9[%swap3A_643, %swap3A_644] {strides = array<i32>} : memref<32x512xf32, #tpu.memory_space<vmem>>, vector<1x16xf32>,
        %swap3A_646 = vector.shape_cast %swap3A_645 : vector<1x16xf32> to vector<16xf32>
        %swap3A_647 = vector.shape_cast %select_n3A_552 : vector<16xf32> to vector<1x16xf32>
        tpu.vector_store %arg9[%swap3A_643, %swap3A_644], %swap3A_647 {strides = array<i32>} : memref<32x512xf32, #tpu.memory_space<vmem>>, vector<1x16xf32>,
        %add3A_648 = arith.constant 0 : i32
        %add3A_649 = arith.addi %mul3A_267, %add3A_648 : i32
        %get3A_650 = arith.index_cast %add3A_649 : i32 to index
        %get3A_651 = arith.constant 16 : index
        %get3A_652 = tpu.vector_load %arg7[%get3A_650, %get3A_651] {strides = array<i32>} : memref<512x32xf32, #tpu.memory_space<vmem>>, vector<1x16xf32>,
        %get3A_653 = vector.shape_cast %get3A_652 : vector<1x16xf32> to vector<16xf32>
        %add3A_654 = arith.constant 1 : i32
        %add3A_655 = arith.addi %mul3A_267, %add3A_654 : i32
        %get3A_656 = arith.index_cast %add3A_655 : i32 to index
        %get3A_657 = arith.constant 16 : index
        %get3A_658 = tpu.vector_load %arg7[%get3A_656, %get3A_657] {strides = array<i32>} : memref<512x32xf32, #tpu.memory_space<vmem>>, vector<1x16xf32>,
        %get3A_659 = vector.shape_cast %get3A_658 : vector<1x16xf32> to vector<16xf32>
        %add3A_660 = arith.constant 2 : i32
        %add3A_661 = arith.addi %mul3A_267, %add3A_660 : i32
        %get3A_662 = arith.index_cast %add3A_661 : i32 to index
        %get3A_663 = arith.constant 16 : index
        %get3A_664 = tpu.vector_load %arg7[%get3A_662, %get3A_663] {strides = array<i32>} : memref<512x32xf32, #tpu.memory_space<vmem>>, vector<1x16xf32>,
        %get3A_665 = vector.shape_cast %get3A_664 : vector<1x16xf32> to vector<16xf32>
        %add3A_666 = arith.constant 3 : i32
        %add3A_667 = arith.addi %mul3A_267, %add3A_666 : i32
        %get3A_668 = arith.index_cast %add3A_667 : i32 to index
        %get3A_669 = arith.constant 16 : index
        %get3A_670 = tpu.vector_load %arg7[%get3A_668, %get3A_669] {strides = array<i32>} : memref<512x32xf32, #tpu.memory_space<vmem>>, vector<1x16xf32>,
        %get3A_671 = vector.shape_cast %get3A_670 : vector<1x16xf32> to vector<16xf32>
        %add3A_672 = arith.constant 4 : i32
        %add3A_673 = arith.addi %mul3A_267, %add3A_672 : i32
        %get3A_674 = arith.index_cast %add3A_673 : i32 to index
        %get3A_675 = arith.constant 16 : index
        %get3A_676 = tpu.vector_load %arg7[%get3A_674, %get3A_675] {strides = array<i32>} : memref<512x32xf32, #tpu.memory_space<vmem>>, vector<1x16xf32>,
        %get3A_677 = vector.shape_cast %get3A_676 : vector<1x16xf32> to vector<16xf32>
        %add3A_678 = arith.constant 5 : i32
        %add3A_679 = arith.addi %mul3A_267, %add3A_678 : i32
        %get3A_680 = arith.index_cast %add3A_679 : i32 to index
        %get3A_681 = arith.constant 16 : index
        %get3A_682 = tpu.vector_load %arg7[%get3A_680, %get3A_681] {strides = array<i32>} : memref<512x32xf32, #tpu.memory_space<vmem>>, vector<1x16xf32>,
        %get3A_683 = vector.shape_cast %get3A_682 : vector<1x16xf32> to vector<16xf32>
        %add3A_684 = arith.constant 6 : i32
        %add3A_685 = arith.addi %mul3A_267, %add3A_684 : i32
        %get3A_686 = arith.index_cast %add3A_685 : i32 to index
        %get3A_687 = arith.constant 16 : index
        %get3A_688 = tpu.vector_load %arg7[%get3A_686, %get3A_687] {strides = array<i32>} : memref<512x32xf32, #tpu.memory_space<vmem>>, vector<1x16xf32>,
        %get3A_689 = vector.shape_cast %get3A_688 : vector<1x16xf32> to vector<16xf32>
        %add3A_690 = arith.constant 7 : i32
        %add3A_691 = arith.addi %mul3A_267, %add3A_690 : i32
        %get3A_692 = arith.index_cast %add3A_691 : i32 to index
        %get3A_693 = arith.constant 16 : index
        %get3A_694 = tpu.vector_load %arg7[%get3A_692, %get3A_693] {strides = array<i32>} : memref<512x32xf32, #tpu.memory_space<vmem>>, vector<1x16xf32>,
        %get3A_695 = vector.shape_cast %get3A_694 : vector<1x16xf32> to vector<16xf32>
        %add3A_696 = arith.constant 8 : i32
        %add3A_697 = arith.addi %mul3A_267, %add3A_696 : i32
        %get3A_698 = arith.index_cast %add3A_697 : i32 to index
        %get3A_699 = arith.constant 16 : index
        %get3A_700 = tpu.vector_load %arg7[%get3A_698, %get3A_699] {strides = array<i32>} : memref<512x32xf32, #tpu.memory_space<vmem>>, vector<1x16xf32>,
        %get3A_701 = vector.shape_cast %get3A_700 : vector<1x16xf32> to vector<16xf32>
        %add3A_702 = arith.constant 9 : i32
        %add3A_703 = arith.addi %mul3A_267, %add3A_702 : i32
        %get3A_704 = arith.index_cast %add3A_703 : i32 to index
        %get3A_705 = arith.constant 16 : index
        %get3A_706 = tpu.vector_load %arg7[%get3A_704, %get3A_705] {strides = array<i32>} : memref<512x32xf32, #tpu.memory_space<vmem>>, vector<1x16xf32>,
        %get3A_707 = vector.shape_cast %get3A_706 : vector<1x16xf32> to vector<16xf32>
        %add3A_708 = arith.constant 10 : i32
        %add3A_709 = arith.addi %mul3A_267, %add3A_708 : i32
        %get3A_710 = arith.index_cast %add3A_709 : i32 to index
        %get3A_711 = arith.constant 16 : index
        %get3A_712 = tpu.vector_load %arg7[%get3A_710, %get3A_711] {strides = array<i32>} : memref<512x32xf32, #tpu.memory_space<vmem>>, vector<1x16xf32>,
        %get3A_713 = vector.shape_cast %get3A_712 : vector<1x16xf32> to vector<16xf32>
        %add3A_714 = arith.constant 11 : i32
        %add3A_715 = arith.addi %mul3A_267, %add3A_714 : i32
        %get3A_716 = arith.index_cast %add3A_715 : i32 to index
        %get3A_717 = arith.constant 16 : index
        %get3A_718 = tpu.vector_load %arg7[%get3A_716, %get3A_717] {strides = array<i32>} : memref<512x32xf32, #tpu.memory_space<vmem>>, vector<1x16xf32>,
        %get3A_719 = vector.shape_cast %get3A_718 : vector<1x16xf32> to vector<16xf32>
        %add3A_720 = arith.constant 12 : i32
        %add3A_721 = arith.addi %mul3A_267, %add3A_720 : i32
        %get3A_722 = arith.index_cast %add3A_721 : i32 to index
        %get3A_723 = arith.constant 16 : index
        %get3A_724 = tpu.vector_load %arg7[%get3A_722, %get3A_723] {strides = array<i32>} : memref<512x32xf32, #tpu.memory_space<vmem>>, vector<1x16xf32>,
        %get3A_725 = vector.shape_cast %get3A_724 : vector<1x16xf32> to vector<16xf32>
        %add3A_726 = arith.constant 13 : i32
        %add3A_727 = arith.addi %mul3A_267, %add3A_726 : i32
        %get3A_728 = arith.index_cast %add3A_727 : i32 to index
        %get3A_729 = arith.constant 16 : index
        %get3A_730 = tpu.vector_load %arg7[%get3A_728, %get3A_729] {strides = array<i32>} : memref<512x32xf32, #tpu.memory_space<vmem>>, vector<1x16xf32>,
        %get3A_731 = vector.shape_cast %get3A_730 : vector<1x16xf32> to vector<16xf32>
        %add3A_732 = arith.constant 14 : i32
        %add3A_733 = arith.addi %mul3A_267, %add3A_732 : i32
        %get3A_734 = arith.index_cast %add3A_733 : i32 to index
        %get3A_735 = arith.constant 16 : index
        %get3A_736 = tpu.vector_load %arg7[%get3A_734, %get3A_735] {strides = array<i32>} : memref<512x32xf32, #tpu.memory_space<vmem>>, vector<1x16xf32>,
        %get3A_737 = vector.shape_cast %get3A_736 : vector<1x16xf32> to vector<16xf32>
        %add3A_738 = arith.constant 15 : i32
        %add3A_739 = arith.addi %mul3A_267, %add3A_738 : i32
        %get3A_740 = arith.index_cast %add3A_739 : i32 to index
        %get3A_741 = arith.constant 16 : index
        %get3A_742 = tpu.vector_load %arg7[%get3A_740, %get3A_741] {strides = array<i32>} : memref<512x32xf32, #tpu.memory_space<vmem>>, vector<1x16xf32>,
        %get3A_743 = vector.shape_cast %get3A_742 : vector<1x16xf32> to vector<16xf32>
        %gather3A_744 = vector.shape_cast %broadcast_in_dim3A : vector<16x1xi32> to vector<16xi32>
        %gather3A_745 = tpu.dynamic_gather %get3A_653[%gather3A_744] in [0] : vector<16xf32>, vector<16xi32> -> vector<16xf32>
        %gather3A_746 = vector.shape_cast %broadcast_in_dim3A : vector<16x1xi32> to vector<16xi32>
        %gather3A_747 = tpu.dynamic_gather %get3A_659[%gather3A_746] in [0] : vector<16xf32>, vector<16xi32> -> vector<16xf32>
        %select_n3A_748 = arith.select %eq3A_20, %get3A_653, %gather3A_747 : vector<16xi1>, vector<16xf32>
        %select_n3A_749 = arith.select %eq3A_20, %gather3A_745, %get3A_659 : vector<16xi1>, vector<16xf32>
        %gather3A_750 = vector.shape_cast %broadcast_in_dim3A : vector<16x1xi32> to vector<16xi32>
        %gather3A_751 = tpu.dynamic_gather %get3A_665[%gather3A_750] in [0] : vector<16xf32>, vector<16xi32> -> vector<16xf32>
        %gather3A_752 = vector.shape_cast %broadcast_in_dim3A : vector<16x1xi32> to vector<16xi32>
        %gather3A_753 = tpu.dynamic_gather %get3A_671[%gather3A_752] in [0] : vector<16xf32>, vector<16xi32> -> vector<16xf32>
        %select_n3A_754 = arith.select %eq3A_20, %get3A_665, %gather3A_753 : vector<16xi1>, vector<16xf32>
        %select_n3A_755 = arith.select %eq3A_20, %gather3A_751, %get3A_671 : vector<16xi1>, vector<16xf32>
        %gather3A_756 = vector.shape_cast %broadcast_in_dim3A : vector<16x1xi32> to vector<16xi32>
        %gather3A_757 = tpu.dynamic_gather %get3A_677[%gather3A_756] in [0] : vector<16xf32>, vector<16xi32> -> vector<16xf32>
        %gather3A_758 = vector.shape_cast %broadcast_in_dim3A : vector<16x1xi32> to vector<16xi32>
        %gather3A_759 = tpu.dynamic_gather %get3A_683[%gather3A_758] in [0] : vector<16xf32>, vector<16xi32> -> vector<16xf32>
        %select_n3A_760 = arith.select %eq3A_20, %get3A_677, %gather3A_759 : vector<16xi1>, vector<16xf32>
        %select_n3A_761 = arith.select %eq3A_20, %gather3A_757, %get3A_683 : vector<16xi1>, vector<16xf32>
        %gather3A_762 = vector.shape_cast %broadcast_in_dim3A : vector<16x1xi32> to vector<16xi32>
        %gather3A_763 = tpu.dynamic_gather %get3A_689[%gather3A_762] in [0] : vector<16xf32>, vector<16xi32> -> vector<16xf32>
        %gather3A_764 = vector.shape_cast %broadcast_in_dim3A : vector<16x1xi32> to vector<16xi32>
        %gather3A_765 = tpu.dynamic_gather %get3A_695[%gather3A_764] in [0] : vector<16xf32>, vector<16xi32> -> vector<16xf32>
        %select_n3A_766 = arith.select %eq3A_20, %get3A_689, %gather3A_765 : vector<16xi1>, vector<16xf32>
        %select_n3A_767 = arith.select %eq3A_20, %gather3A_763, %get3A_695 : vector<16xi1>, vector<16xf32>
        %gather3A_768 = vector.shape_cast %broadcast_in_dim3A : vector<16x1xi32> to vector<16xi32>
        %gather3A_769 = tpu.dynamic_gather %get3A_701[%gather3A_768] in [0] : vector<16xf32>, vector<16xi32> -> vector<16xf32>
        %gather3A_770 = vector.shape_cast %broadcast_in_dim3A : vector<16x1xi32> to vector<16xi32>
        %gather3A_771 = tpu.dynamic_gather %get3A_707[%gather3A_770] in [0] : vector<16xf32>, vector<16xi32> -> vector<16xf32>
        %select_n3A_772 = arith.select %eq3A_20, %get3A_701, %gather3A_771 : vector<16xi1>, vector<16xf32>
        %select_n3A_773 = arith.select %eq3A_20, %gather3A_769, %get3A_707 : vector<16xi1>, vector<16xf32>
        %gather3A_774 = vector.shape_cast %broadcast_in_dim3A : vector<16x1xi32> to vector<16xi32>
        %gather3A_775 = tpu.dynamic_gather %get3A_713[%gather3A_774] in [0] : vector<16xf32>, vector<16xi32> -> vector<16xf32>
        %gather3A_776 = vector.shape_cast %broadcast_in_dim3A : vector<16x1xi32> to vector<16xi32>
        %gather3A_777 = tpu.dynamic_gather %get3A_719[%gather3A_776] in [0] : vector<16xf32>, vector<16xi32> -> vector<16xf32>
        %select_n3A_778 = arith.select %eq3A_20, %get3A_713, %gather3A_777 : vector<16xi1>, vector<16xf32>
        %select_n3A_779 = arith.select %eq3A_20, %gather3A_775, %get3A_719 : vector<16xi1>, vector<16xf32>
        %gather3A_780 = vector.shape_cast %broadcast_in_dim3A : vector<16x1xi32> to vector<16xi32>
        %gather3A_781 = tpu.dynamic_gather %get3A_725[%gather3A_780] in [0] : vector<16xf32>, vector<16xi32> -> vector<16xf32>
        %gather3A_782 = vector.shape_cast %broadcast_in_dim3A : vector<16x1xi32> to vector<16xi32>
        %gather3A_783 = tpu.dynamic_gather %get3A_731[%gather3A_782] in [0] : vector<16xf32>, vector<16xi32> -> vector<16xf32>
        %select_n3A_784 = arith.select %eq3A_20, %get3A_725, %gather3A_783 : vector<16xi1>, vector<16xf32>
        %select_n3A_785 = arith.select %eq3A_20, %gather3A_781, %get3A_731 : vector<16xi1>, vector<16xf32>
        %gather3A_786 = vector.shape_cast %broadcast_in_dim3A : vector<16x1xi32> to vector<16xi32>
        %gather3A_787 = tpu.dynamic_gather %get3A_737[%gather3A_786] in [0] : vector<16xf32>, vector<16xi32> -> vector<16xf32>
        %gather3A_788 = vector.shape_cast %broadcast_in_dim3A : vector<16x1xi32> to vector<16xi32>
        %gather3A_789 = tpu.dynamic_gather %get3A_743[%gather3A_788] in [0] : vector<16xf32>, vector<16xi32> -> vector<16xf32>
        %select_n3A_790 = arith.select %eq3A_20, %get3A_737, %gather3A_789 : vector<16xi1>, vector<16xf32>
        %select_n3A_791 = arith.select %eq3A_20, %gather3A_787, %get3A_743 : vector<16xi1>, vector<16xf32>
        %gather3A_792 = vector.shape_cast %broadcast_in_dim3A_8 : vector<16x1xi32> to vector<16xi32>
        %gather3A_793 = tpu.dynamic_gather %select_n3A_748[%gather3A_792] in [0] : vector<16xf32>, vector<16xi32> -> vector<16xf32>
        %gather3A_794 = vector.shape_cast %broadcast_in_dim3A_8 : vector<16x1xi32> to vector<16xi32>
        %gather3A_795 = tpu.dynamic_gather %select_n3A_754[%gather3A_794] in [0] : vector<16xf32>, vector<16xi32> -> vector<16xf32>
        %select_n3A_796 = arith.select %eq3A_26, %select_n3A_748, %gather3A_795 : vector<16xi1>, vector<16xf32>
        %select_n3A_797 = arith.select %eq3A_26, %gather3A_793, %select_n3A_754 : vector<16xi1>, vector<16xf32>
        %gather3A_798 = vector.shape_cast %broadcast_in_dim3A_8 : vector<16x1xi32> to vector<16xi32>
        %gather3A_799 = tpu.dynamic_gather %select_n3A_749[%gather3A_798] in [0] : vector<16xf32>, vector<16xi32> -> vector<16xf32>
        %gather3A_800 = vector.shape_cast %broadcast_in_dim3A_8 : vector<16x1xi32> to vector<16xi32>
        %gather3A_801 = tpu.dynamic_gather %select_n3A_755[%gather3A_800] in [0] : vector<16xf32>, vector<16xi32> -> vector<16xf32>
        %select_n3A_802 = arith.select %eq3A_26, %select_n3A_749, %gather3A_801 : vector<16xi1>, vector<16xf32>
        %select_n3A_803 = arith.select %eq3A_26, %gather3A_799, %select_n3A_755 : vector<16xi1>, vector<16xf32>
        %gather3A_804 = vector.shape_cast %broadcast_in_dim3A_8 : vector<16x1xi32> to vector<16xi32>
        %gather3A_805 = tpu.dynamic_gather %select_n3A_760[%gather3A_804] in [0] : vector<16xf32>, vector<16xi32> -> vector<16xf32>
        %gather3A_806 = vector.shape_cast %broadcast_in_dim3A_8 : vector<16x1xi32> to vector<16xi32>
        %gather3A_807 = tpu.dynamic_gather %select_n3A_766[%gather3A_806] in [0] : vector<16xf32>, vector<16xi32> -> vector<16xf32>
        %select_n3A_808 = arith.select %eq3A_26, %select_n3A_760, %gather3A_807 : vector<16xi1>, vector<16xf32>
        %select_n3A_809 = arith.select %eq3A_26, %gather3A_805, %select_n3A_766 : vector<16xi1>, vector<16xf32>
        %gather3A_810 = vector.shape_cast %broadcast_in_dim3A_8 : vector<16x1xi32> to vector<16xi32>
        %gather3A_811 = tpu.dynamic_gather %select_n3A_761[%gather3A_810] in [0] : vector<16xf32>, vector<16xi32> -> vector<16xf32>
        %gather3A_812 = vector.shape_cast %broadcast_in_dim3A_8 : vector<16x1xi32> to vector<16xi32>
        %gather3A_813 = tpu.dynamic_gather %select_n3A_767[%gather3A_812] in [0] : vector<16xf32>, vector<16xi32> -> vector<16xf32>
        %select_n3A_814 = arith.select %eq3A_26, %select_n3A_761, %gather3A_813 : vector<16xi1>, vector<16xf32>
        %select_n3A_815 = arith.select %eq3A_26, %gather3A_811, %select_n3A_767 : vector<16xi1>, vector<16xf32>
        %gather3A_816 = vector.shape_cast %broadcast_in_dim3A_8 : vector<16x1xi32> to vector<16xi32>
        %gather3A_817 = tpu.dynamic_gather %select_n3A_772[%gather3A_816] in [0] : vector<16xf32>, vector<16xi32> -> vector<16xf32>
        %gather3A_818 = vector.shape_cast %broadcast_in_dim3A_8 : vector<16x1xi32> to vector<16xi32>
        %gather3A_819 = tpu.dynamic_gather %select_n3A_778[%gather3A_818] in [0] : vector<16xf32>, vector<16xi32> -> vector<16xf32>
        %select_n3A_820 = arith.select %eq3A_26, %select_n3A_772, %gather3A_819 : vector<16xi1>, vector<16xf32>
        %select_n3A_821 = arith.select %eq3A_26, %gather3A_817, %select_n3A_778 : vector<16xi1>, vector<16xf32>
        %gather3A_822 = vector.shape_cast %broadcast_in_dim3A_8 : vector<16x1xi32> to vector<16xi32>
        %gather3A_823 = tpu.dynamic_gather %select_n3A_773[%gather3A_822] in [0] : vector<16xf32>, vector<16xi32> -> vector<16xf32>
        %gather3A_824 = vector.shape_cast %broadcast_in_dim3A_8 : vector<16x1xi32> to vector<16xi32>
        %gather3A_825 = tpu.dynamic_gather %select_n3A_779[%gather3A_824] in [0] : vector<16xf32>, vector<16xi32> -> vector<16xf32>
        %select_n3A_826 = arith.select %eq3A_26, %select_n3A_773, %gather3A_825 : vector<16xi1>, vector<16xf32>
        %select_n3A_827 = arith.select %eq3A_26, %gather3A_823, %select_n3A_779 : vector<16xi1>, vector<16xf32>
        %gather3A_828 = vector.shape_cast %broadcast_in_dim3A_8 : vector<16x1xi32> to vector<16xi32>
        %gather3A_829 = tpu.dynamic_gather %select_n3A_784[%gather3A_828] in [0] : vector<16xf32>, vector<16xi32> -> vector<16xf32>
        %gather3A_830 = vector.shape_cast %broadcast_in_dim3A_8 : vector<16x1xi32> to vector<16xi32>
        %gather3A_831 = tpu.dynamic_gather %select_n3A_790[%gather3A_830] in [0] : vector<16xf32>, vector<16xi32> -> vector<16xf32>
        %select_n3A_832 = arith.select %eq3A_26, %select_n3A_784, %gather3A_831 : vector<16xi1>, vector<16xf32>
        %select_n3A_833 = arith.select %eq3A_26, %gather3A_829, %select_n3A_790 : vector<16xi1>, vector<16xf32>
        %gather3A_834 = vector.shape_cast %broadcast_in_dim3A_8 : vector<16x1xi32> to vector<16xi32>
        %gather3A_835 = tpu.dynamic_gather %select_n3A_785[%gather3A_834] in [0] : vector<16xf32>, vector<16xi32> -> vector<16xf32>
        %gather3A_836 = vector.shape_cast %broadcast_in_dim3A_8 : vector<16x1xi32> to vector<16xi32>
        %gather3A_837 = tpu.dynamic_gather %select_n3A_791[%gather3A_836] in [0] : vector<16xf32>, vector<16xi32> -> vector<16xf32>
        %select_n3A_838 = arith.select %eq3A_26, %select_n3A_785, %gather3A_837 : vector<16xi1>, vector<16xf32>
        %select_n3A_839 = arith.select %eq3A_26, %gather3A_835, %select_n3A_791 : vector<16xi1>, vector<16xf32>
        %gather3A_840 = vector.shape_cast %broadcast_in_dim3A_12 : vector<16x1xi32> to vector<16xi32>
        %gather3A_841 = tpu.dynamic_gather %select_n3A_796[%gather3A_840] in [0] : vector<16xf32>, vector<16xi32> -> vector<16xf32>
        %gather3A_842 = vector.shape_cast %broadcast_in_dim3A_12 : vector<16x1xi32> to vector<16xi32>
        %gather3A_843 = tpu.dynamic_gather %select_n3A_808[%gather3A_842] in [0] : vector<16xf32>, vector<16xi32> -> vector<16xf32>
        %select_n3A_844 = arith.select %eq3A_32, %select_n3A_796, %gather3A_843 : vector<16xi1>, vector<16xf32>
        %select_n3A_845 = arith.select %eq3A_32, %gather3A_841, %select_n3A_808 : vector<16xi1>, vector<16xf32>
        %gather3A_846 = vector.shape_cast %broadcast_in_dim3A_12 : vector<16x1xi32> to vector<16xi32>
        %gather3A_847 = tpu.dynamic_gather %select_n3A_802[%gather3A_846] in [0] : vector<16xf32>, vector<16xi32> -> vector<16xf32>
        %gather3A_848 = vector.shape_cast %broadcast_in_dim3A_12 : vector<16x1xi32> to vector<16xi32>
        %gather3A_849 = tpu.dynamic_gather %select_n3A_814[%gather3A_848] in [0] : vector<16xf32>, vector<16xi32> -> vector<16xf32>
        %select_n3A_850 = arith.select %eq3A_32, %select_n3A_802, %gather3A_849 : vector<16xi1>, vector<16xf32>
        %select_n3A_851 = arith.select %eq3A_32, %gather3A_847, %select_n3A_814 : vector<16xi1>, vector<16xf32>
        %gather3A_852 = vector.shape_cast %broadcast_in_dim3A_12 : vector<16x1xi32> to vector<16xi32>
        %gather3A_853 = tpu.dynamic_gather %select_n3A_797[%gather3A_852] in [0] : vector<16xf32>, vector<16xi32> -> vector<16xf32>
        %gather3A_854 = vector.shape_cast %broadcast_in_dim3A_12 : vector<16x1xi32> to vector<16xi32>
        %gather3A_855 = tpu.dynamic_gather %select_n3A_809[%gather3A_854] in [0] : vector<16xf32>, vector<16xi32> -> vector<16xf32>
        %select_n3A_856 = arith.select %eq3A_32, %select_n3A_797, %gather3A_855 : vector<16xi1>, vector<16xf32>
        %select_n3A_857 = arith.select %eq3A_32, %gather3A_853, %select_n3A_809 : vector<16xi1>, vector<16xf32>
        %gather3A_858 = vector.shape_cast %broadcast_in_dim3A_12 : vector<16x1xi32> to vector<16xi32>
        %gather3A_859 = tpu.dynamic_gather %select_n3A_803[%gather3A_858] in [0] : vector<16xf32>, vector<16xi32> -> vector<16xf32>
        %gather3A_860 = vector.shape_cast %broadcast_in_dim3A_12 : vector<16x1xi32> to vector<16xi32>
        %gather3A_861 = tpu.dynamic_gather %select_n3A_815[%gather3A_860] in [0] : vector<16xf32>, vector<16xi32> -> vector<16xf32>
        %select_n3A_862 = arith.select %eq3A_32, %select_n3A_803, %gather3A_861 : vector<16xi1>, vector<16xf32>
        %select_n3A_863 = arith.select %eq3A_32, %gather3A_859, %select_n3A_815 : vector<16xi1>, vector<16xf32>
        %gather3A_864 = vector.shape_cast %broadcast_in_dim3A_12 : vector<16x1xi32> to vector<16xi32>
        %gather3A_865 = tpu.dynamic_gather %select_n3A_820[%gather3A_864] in [0] : vector<16xf32>, vector<16xi32> -> vector<16xf32>
        %gather3A_866 = vector.shape_cast %broadcast_in_dim3A_12 : vector<16x1xi32> to vector<16xi32>
        %gather3A_867 = tpu.dynamic_gather %select_n3A_832[%gather3A_866] in [0] : vector<16xf32>, vector<16xi32> -> vector<16xf32>
        %select_n3A_868 = arith.select %eq3A_32, %select_n3A_820, %gather3A_867 : vector<16xi1>, vector<16xf32>
        %select_n3A_869 = arith.select %eq3A_32, %gather3A_865, %select_n3A_832 : vector<16xi1>, vector<16xf32>
        %gather3A_870 = vector.shape_cast %broadcast_in_dim3A_12 : vector<16x1xi32> to vector<16xi32>
        %gather3A_871 = tpu.dynamic_gather %select_n3A_826[%gather3A_870] in [0] : vector<16xf32>, vector<16xi32> -> vector<16xf32>
        %gather3A_872 = vector.shape_cast %broadcast_in_dim3A_12 : vector<16x1xi32> to vector<16xi32>
        %gather3A_873 = tpu.dynamic_gather %select_n3A_838[%gather3A_872] in [0] : vector<16xf32>, vector<16xi32> -> vector<16xf32>
        %select_n3A_874 = arith.select %eq3A_32, %select_n3A_826, %gather3A_873 : vector<16xi1>, vector<16xf32>
        %select_n3A_875 = arith.select %eq3A_32, %gather3A_871, %select_n3A_838 : vector<16xi1>, vector<16xf32>
        %gather3A_876 = vector.shape_cast %broadcast_in_dim3A_12 : vector<16x1xi32> to vector<16xi32>
        %gather3A_877 = tpu.dynamic_gather %select_n3A_821[%gather3A_876] in [0] : vector<16xf32>, vector<16xi32> -> vector<16xf32>
        %gather3A_878 = vector.shape_cast %broadcast_in_dim3A_12 : vector<16x1xi32> to vector<16xi32>
        %gather3A_879 = tpu.dynamic_gather %select_n3A_833[%gather3A_878] in [0] : vector<16xf32>, vector<16xi32> -> vector<16xf32>
        %select_n3A_880 = arith.select %eq3A_32, %select_n3A_821, %gather3A_879 : vector<16xi1>, vector<16xf32>
        %select_n3A_881 = arith.select %eq3A_32, %gather3A_877, %select_n3A_833 : vector<16xi1>, vector<16xf32>
        %gather3A_882 = vector.shape_cast %broadcast_in_dim3A_12 : vector<16x1xi32> to vector<16xi32>
        %gather3A_883 = tpu.dynamic_gather %select_n3A_827[%gather3A_882] in [0] : vector<16xf32>, vector<16xi32> -> vector<16xf32>
        %gather3A_884 = vector.shape_cast %broadcast_in_dim3A_12 : vector<16x1xi32> to vector<16xi32>
        %gather3A_885 = tpu.dynamic_gather %select_n3A_839[%gather3A_884] in [0] : vector<16xf32>, vector<16xi32> -> vector<16xf32>
        %select_n3A_886 = arith.select %eq3A_32, %select_n3A_827, %gather3A_885 : vector<16xi1>, vector<16xf32>
        %select_n3A_887 = arith.select %eq3A_32, %gather3A_883, %select_n3A_839 : vector<16xi1>, vector<16xf32>
        %gather3A_888 = vector.shape_cast %broadcast_in_dim3A_16 : vector<16x1xi32> to vector<16xi32>
        %gather3A_889 = tpu.dynamic_gather %select_n3A_844[%gather3A_888] in [0] : vector<16xf32>, vector<16xi32> -> vector<16xf32>
        %gather3A_890 = vector.shape_cast %broadcast_in_dim3A_16 : vector<16x1xi32> to vector<16xi32>
        %gather3A_891 = tpu.dynamic_gather %select_n3A_868[%gather3A_890] in [0] : vector<16xf32>, vector<16xi32> -> vector<16xf32>
        %select_n3A_892 = arith.select %eq3A_38, %select_n3A_844, %gather3A_891 : vector<16xi1>, vector<16xf32>
        %select_n3A_893 = arith.select %eq3A_38, %gather3A_889, %select_n3A_868 : vector<16xi1>, vector<16xf32>
        %gather3A_894 = vector.shape_cast %broadcast_in_dim3A_16 : vector<16x1xi32> to vector<16xi32>
        %gather3A_895 = tpu.dynamic_gather %select_n3A_850[%gather3A_894] in [0] : vector<16xf32>, vector<16xi32> -> vector<16xf32>
        %gather3A_896 = vector.shape_cast %broadcast_in_dim3A_16 : vector<16x1xi32> to vector<16xi32>
        %gather3A_897 = tpu.dynamic_gather %select_n3A_874[%gather3A_896] in [0] : vector<16xf32>, vector<16xi32> -> vector<16xf32>
        %select_n3A_898 = arith.select %eq3A_38, %select_n3A_850, %gather3A_897 : vector<16xi1>, vector<16xf32>
        %select_n3A_899 = arith.select %eq3A_38, %gather3A_895, %select_n3A_874 : vector<16xi1>, vector<16xf32>
        %gather3A_900 = vector.shape_cast %broadcast_in_dim3A_16 : vector<16x1xi32> to vector<16xi32>
        %gather3A_901 = tpu.dynamic_gather %select_n3A_856[%gather3A_900] in [0] : vector<16xf32>, vector<16xi32> -> vector<16xf32>
        %gather3A_902 = vector.shape_cast %broadcast_in_dim3A_16 : vector<16x1xi32> to vector<16xi32>
        %gather3A_903 = tpu.dynamic_gather %select_n3A_880[%gather3A_902] in [0] : vector<16xf32>, vector<16xi32> -> vector<16xf32>
        %select_n3A_904 = arith.select %eq3A_38, %select_n3A_856, %gather3A_903 : vector<16xi1>, vector<16xf32>
        %select_n3A_905 = arith.select %eq3A_38, %gather3A_901, %select_n3A_880 : vector<16xi1>, vector<16xf32>
        %gather3A_906 = vector.shape_cast %broadcast_in_dim3A_16 : vector<16x1xi32> to vector<16xi32>
        %gather3A_907 = tpu.dynamic_gather %select_n3A_862[%gather3A_906] in [0] : vector<16xf32>, vector<16xi32> -> vector<16xf32>
        %gather3A_908 = vector.shape_cast %broadcast_in_dim3A_16 : vector<16x1xi32> to vector<16xi32>
        %gather3A_909 = tpu.dynamic_gather %select_n3A_886[%gather3A_908] in [0] : vector<16xf32>, vector<16xi32> -> vector<16xf32>
        %select_n3A_910 = arith.select %eq3A_38, %select_n3A_862, %gather3A_909 : vector<16xi1>, vector<16xf32>
        %select_n3A_911 = arith.select %eq3A_38, %gather3A_907, %select_n3A_886 : vector<16xi1>, vector<16xf32>
        %gather3A_912 = vector.shape_cast %broadcast_in_dim3A_16 : vector<16x1xi32> to vector<16xi32>
        %gather3A_913 = tpu.dynamic_gather %select_n3A_845[%gather3A_912] in [0] : vector<16xf32>, vector<16xi32> -> vector<16xf32>
        %gather3A_914 = vector.shape_cast %broadcast_in_dim3A_16 : vector<16x1xi32> to vector<16xi32>
        %gather3A_915 = tpu.dynamic_gather %select_n3A_869[%gather3A_914] in [0] : vector<16xf32>, vector<16xi32> -> vector<16xf32>
        %select_n3A_916 = arith.select %eq3A_38, %select_n3A_845, %gather3A_915 : vector<16xi1>, vector<16xf32>
        %select_n3A_917 = arith.select %eq3A_38, %gather3A_913, %select_n3A_869 : vector<16xi1>, vector<16xf32>
        %gather3A_918 = vector.shape_cast %broadcast_in_dim3A_16 : vector<16x1xi32> to vector<16xi32>
        %gather3A_919 = tpu.dynamic_gather %select_n3A_851[%gather3A_918] in [0] : vector<16xf32>, vector<16xi32> -> vector<16xf32>
        %gather3A_920 = vector.shape_cast %broadcast_in_dim3A_16 : vector<16x1xi32> to vector<16xi32>
        %gather3A_921 = tpu.dynamic_gather %select_n3A_875[%gather3A_920] in [0] : vector<16xf32>, vector<16xi32> -> vector<16xf32>
        %select_n3A_922 = arith.select %eq3A_38, %select_n3A_851, %gather3A_921 : vector<16xi1>, vector<16xf32>
        %select_n3A_923 = arith.select %eq3A_38, %gather3A_919, %select_n3A_875 : vector<16xi1>, vector<16xf32>
        %gather3A_924 = vector.shape_cast %broadcast_in_dim3A_16 : vector<16x1xi32> to vector<16xi32>
        %gather3A_925 = tpu.dynamic_gather %select_n3A_857[%gather3A_924] in [0] : vector<16xf32>, vector<16xi32> -> vector<16xf32>
        %gather3A_926 = vector.shape_cast %broadcast_in_dim3A_16 : vector<16x1xi32> to vector<16xi32>
        %gather3A_927 = tpu.dynamic_gather %select_n3A_881[%gather3A_926] in [0] : vector<16xf32>, vector<16xi32> -> vector<16xf32>
        %select_n3A_928 = arith.select %eq3A_38, %select_n3A_857, %gather3A_927 : vector<16xi1>, vector<16xf32>
        %select_n3A_929 = arith.select %eq3A_38, %gather3A_925, %select_n3A_881 : vector<16xi1>, vector<16xf32>
        %gather3A_930 = vector.shape_cast %broadcast_in_dim3A_16 : vector<16x1xi32> to vector<16xi32>
        %gather3A_931 = tpu.dynamic_gather %select_n3A_863[%gather3A_930] in [0] : vector<16xf32>, vector<16xi32> -> vector<16xf32>
        %gather3A_932 = vector.shape_cast %broadcast_in_dim3A_16 : vector<16x1xi32> to vector<16xi32>
        %gather3A_933 = tpu.dynamic_gather %select_n3A_887[%gather3A_932] in [0] : vector<16xf32>, vector<16xi32> -> vector<16xf32>
        %select_n3A_934 = arith.select %eq3A_38, %select_n3A_863, %gather3A_933 : vector<16xi1>, vector<16xf32>
        %select_n3A_935 = arith.select %eq3A_38, %gather3A_931, %select_n3A_887 : vector<16xi1>, vector<16xf32>
        %swap3A_936 = arith.constant 16 : i32
        %swap3A_937 = arith.index_cast %swap3A_936 : i32 to index
        %swap3A_938 = arith.index_cast %mul3A_267 : i32 to index
        %swap3A_939 = tpu.vector_load %arg9[%swap3A_937, %swap3A_938] {strides = array<i32>} : memref<32x512xf32, #tpu.memory_space<vmem>>, vector<1x16xf32>,
        %swap3A_940 = vector.shape_cast %swap3A_939 : vector<1x16xf32> to vector<16xf32>
        %swap3A_941 = vector.shape_cast %select_n3A_892 : vector<16xf32> to vector<1x16xf32>
        tpu.vector_store %arg9[%swap3A_937, %swap3A_938], %swap3A_941 {strides = array<i32>} : memref<32x512xf32, #tpu.memory_space<vmem>>, vector<1x16xf32>,
        %swap3A_942 = arith.constant 17 : i32
        %swap3A_943 = arith.index_cast %swap3A_942 : i32 to index
        %swap3A_944 = arith.index_cast %mul3A_267 : i32 to index
        %swap3A_945 = tpu.vector_load %arg9[%swap3A_943, %swap3A_944] {strides = array<i32>} : memref<32x512xf32, #tpu.memory_space<vmem>>, vector<1x16xf32>,
        %swap3A_946 = vector.shape_cast %swap3A_945 : vector<1x16xf32> to vector<16xf32>
        %swap3A_947 = vector.shape_cast %select_n3A_898 : vector<16xf32> to vector<1x16xf32>
        tpu.vector_store %arg9[%swap3A_943, %swap3A_944], %swap3A_947 {strides = array<i32>} : memref<32x512xf32, #tpu.memory_space<vmem>>, vector<1x16xf32>,
        %swap3A_948 = arith.constant 18 : i32
        %swap3A_949 = arith.index_cast %swap3A_948 : i32 to index
        %swap3A_950 = arith.index_cast %mul3A_267 : i32 to index
        %swap3A_951 = tpu.vector_load %arg9[%swap3A_949, %swap3A_950] {strides = array<i32>} : memref<32x512xf32, #tpu.memory_space<vmem>>, vector<1x16xf32>,
        %swap3A_952 = vector.shape_cast %swap3A_951 : vector<1x16xf32> to vector<16xf32>
        %swap3A_953 = vector.shape_cast %select_n3A_904 : vector<16xf32> to vector<1x16xf32>
        tpu.vector_store %arg9[%swap3A_949, %swap3A_950], %swap3A_953 {strides = array<i32>} : memref<32x512xf32, #tpu.memory_space<vmem>>, vector<1x16xf32>,
        %swap3A_954 = arith.constant 19 : i32
        %swap3A_955 = arith.index_cast %swap3A_954 : i32 to index
        %swap3A_956 = arith.index_cast %mul3A_267 : i32 to index
        %swap3A_957 = tpu.vector_load %arg9[%swap3A_955, %swap3A_956] {strides = array<i32>} : memref<32x512xf32, #tpu.memory_space<vmem>>, vector<1x16xf32>,
        %swap3A_958 = vector.shape_cast %swap3A_957 : vector<1x16xf32> to vector<16xf32>
        %swap3A_959 = vector.shape_cast %select_n3A_910 : vector<16xf32> to vector<1x16xf32>
        tpu.vector_store %arg9[%swap3A_955, %swap3A_956], %swap3A_959 {strides = array<i32>} : memref<32x512xf32, #tpu.memory_space<vmem>>, vector<1x16xf32>,
        %swap3A_960 = arith.constant 20 : i32
        %swap3A_961 = arith.index_cast %swap3A_960 : i32 to index
        %swap3A_962 = arith.index_cast %mul3A_267 : i32 to index
        %swap3A_963 = tpu.vector_load %arg9[%swap3A_961, %swap3A_962] {strides = array<i32>} : memref<32x512xf32, #tpu.memory_space<vmem>>, vector<1x16xf32>,
        %swap3A_964 = vector.shape_cast %swap3A_963 : vector<1x16xf32> to vector<16xf32>
        %swap3A_965 = vector.shape_cast %select_n3A_916 : vector<16xf32> to vector<1x16xf32>
        tpu.vector_store %arg9[%swap3A_961, %swap3A_962], %swap3A_965 {strides = array<i32>} : memref<32x512xf32, #tpu.memory_space<vmem>>, vector<1x16xf32>,
        %swap3A_966 = arith.constant 21 : i32
        %swap3A_967 = arith.index_cast %swap3A_966 : i32 to index
        %swap3A_968 = arith.index_cast %mul3A_267 : i32 to index
        %swap3A_969 = tpu.vector_load %arg9[%swap3A_967, %swap3A_968] {strides = array<i32>} : memref<32x512xf32, #tpu.memory_space<vmem>>, vector<1x16xf32>,
        %swap3A_970 = vector.shape_cast %swap3A_969 : vector<1x16xf32> to vector<16xf32>
        %swap3A_971 = vector.shape_cast %select_n3A_922 : vector<16xf32> to vector<1x16xf32>
        tpu.vector_store %arg9[%swap3A_967, %swap3A_968], %swap3A_971 {strides = array<i32>} : memref<32x512xf32, #tpu.memory_space<vmem>>, vector<1x16xf32>,
        %swap3A_972 = arith.constant 22 : i32
        %swap3A_973 = arith.index_cast %swap3A_972 : i32 to index
        %swap3A_974 = arith.index_cast %mul3A_267 : i32 to index
        %swap3A_975 = tpu.vector_load %arg9[%swap3A_973, %swap3A_974] {strides = array<i32>} : memref<32x512xf32, #tpu.memory_space<vmem>>, vector<1x16xf32>,
        %swap3A_976 = vector.shape_cast %swap3A_975 : vector<1x16xf32> to vector<16xf32>
        %swap3A_977 = vector.shape_cast %select_n3A_928 : vector<16xf32> to vector<1x16xf32>
        tpu.vector_store %arg9[%swap3A_973, %swap3A_974], %swap3A_977 {strides = array<i32>} : memref<32x512xf32, #tpu.memory_space<vmem>>, vector<1x16xf32>,
        %swap3A_978 = arith.constant 23 : i32
        %swap3A_979 = arith.index_cast %swap3A_978 : i32 to index
        %swap3A_980 = arith.index_cast %mul3A_267 : i32 to index
        %swap3A_981 = tpu.vector_load %arg9[%swap3A_979, %swap3A_980] {strides = array<i32>} : memref<32x512xf32, #tpu.memory_space<vmem>>, vector<1x16xf32>,
        %swap3A_982 = vector.shape_cast %swap3A_981 : vector<1x16xf32> to vector<16xf32>
        %swap3A_983 = vector.shape_cast %select_n3A_934 : vector<16xf32> to vector<1x16xf32>
        tpu.vector_store %arg9[%swap3A_979, %swap3A_980], %swap3A_983 {strides = array<i32>} : memref<32x512xf32, #tpu.memory_space<vmem>>, vector<1x16xf32>,
        %swap3A_984 = arith.constant 24 : i32
        %swap3A_985 = arith.index_cast %swap3A_984 : i32 to index
        %swap3A_986 = arith.index_cast %mul3A_267 : i32 to index
        %swap3A_987 = tpu.vector_load %arg9[%swap3A_985, %swap3A_986] {strides = array<i32>} : memref<32x512xf32, #tpu.memory_space<vmem>>, vector<1x16xf32>,
        %swap3A_988 = vector.shape_cast %swap3A_987 : vector<1x16xf32> to vector<16xf32>
        %swap3A_989 = vector.shape_cast %select_n3A_893 : vector<16xf32> to vector<1x16xf32>
        tpu.vector_store %arg9[%swap3A_985, %swap3A_986], %swap3A_989 {strides = array<i32>} : memref<32x512xf32, #tpu.memory_space<vmem>>, vector<1x16xf32>,
        %swap3A_990 = arith.constant 25 : i32
        %swap3A_991 = arith.index_cast %swap3A_990 : i32 to index
        %swap3A_992 = arith.index_cast %mul3A_267 : i32 to index
        %swap3A_993 = tpu.vector_load %arg9[%swap3A_991, %swap3A_992] {strides = array<i32>} : memref<32x512xf32, #tpu.memory_space<vmem>>, vector<1x16xf32>,
        %swap3A_994 = vector.shape_cast %swap3A_993 : vector<1x16xf32> to vector<16xf32>
        %swap3A_995 = vector.shape_cast %select_n3A_899 : vector<16xf32> to vector<1x16xf32>
        tpu.vector_store %arg9[%swap3A_991, %swap3A_992], %swap3A_995 {strides = array<i32>} : memref<32x512xf32, #tpu.memory_space<vmem>>, vector<1x16xf32>,
        %swap3A_996 = arith.constant 26 : i32
        %swap3A_997 = arith.index_cast %swap3A_996 : i32 to index
        %swap3A_998 = arith.index_cast %mul3A_267 : i32 to index
        %swap3A_999 = tpu.vector_load %arg9[%swap3A_997, %swap3A_998] {strides = array<i32>} : memref<32x512xf32, #tpu.memory_space<vmem>>, vector<1x16xf32>,
        %swap3A_1000 = vector.shape_cast %swap3A_999 : vector<1x16xf32> to vector<16xf32>
        %swap3A_1001 = vector.shape_cast %select_n3A_905 : vector<16xf32> to vector<1x16xf32>
        tpu.vector_store %arg9[%swap3A_997, %swap3A_998], %swap3A_1001 {strides = array<i32>} : memref<32x512xf32, #tpu.memory_space<vmem>>, vector<1x16xf32>,
        %swap3A_1002 = arith.constant 27 : i32
        %swap3A_1003 = arith.index_cast %swap3A_1002 : i32 to index
        %swap3A_1004 = arith.index_cast %mul3A_267 : i32 to index
        %swap3A_1005 = tpu.vector_load %arg9[%swap3A_1003, %swap3A_1004] {strides = array<i32>} : memref<32x512xf32, #tpu.memory_space<vmem>>, vector<1x16xf32>,
        %swap3A_1006 = vector.shape_cast %swap3A_1005 : vector<1x16xf32> to vector<16xf32>
        %swap3A_1007 = vector.shape_cast %select_n3A_911 : vector<16xf32> to vector<1x16xf32>
        tpu.vector_store %arg9[%swap3A_1003, %swap3A_1004], %swap3A_1007 {strides = array<i32>} : memref<32x512xf32, #tpu.memory_space<vmem>>, vector<1x16xf32>,
        %swap3A_1008 = arith.constant 28 : i32
        %swap3A_1009 = arith.index_cast %swap3A_1008 : i32 to index
        %swap3A_1010 = arith.index_cast %mul3A_267 : i32 to index
        %swap3A_1011 = tpu.vector_load %arg9[%swap3A_1009, %swap3A_1010] {strides = array<i32>} : memref<32x512xf32, #tpu.memory_space<vmem>>, vector<1x16xf32>,
        %swap3A_1012 = vector.shape_cast %swap3A_1011 : vector<1x16xf32> to vector<16xf32>
        %swap3A_1013 = vector.shape_cast %select_n3A_917 : vector<16xf32> to vector<1x16xf32>
        tpu.vector_store %arg9[%swap3A_1009, %swap3A_1010], %swap3A_1013 {strides = array<i32>} : memref<32x512xf32, #tpu.memory_space<vmem>>, vector<1x16xf32>,
        %swap3A_1014 = arith.constant 29 : i32
        %swap3A_1015 = arith.index_cast %swap3A_1014 : i32 to index
        %swap3A_1016 = arith.index_cast %mul3A_267 : i32 to index
        %swap3A_1017 = tpu.vector_load %arg9[%swap3A_1015, %swap3A_1016] {strides = array<i32>} : memref<32x512xf32, #tpu.memory_space<vmem>>, vector<1x16xf32>,
        %swap3A_1018 = vector.shape_cast %swap3A_1017 : vector<1x16xf32> to vector<16xf32>
        %swap3A_1019 = vector.shape_cast %select_n3A_923 : vector<16xf32> to vector<1x16xf32>
        tpu.vector_store %arg9[%swap3A_1015, %swap3A_1016], %swap3A_1019 {strides = array<i32>} : memref<32x512xf32, #tpu.memory_space<vmem>>, vector<1x16xf32>,
        %swap3A_1020 = arith.constant 30 : i32
        %swap3A_1021 = arith.index_cast %swap3A_1020 : i32 to index
        %swap3A_1022 = arith.index_cast %mul3A_267 : i32 to index
        %swap3A_1023 = tpu.vector_load %arg9[%swap3A_1021, %swap3A_1022] {strides = array<i32>} : memref<32x512xf32, #tpu.memory_space<vmem>>, vector<1x16xf32>,
        %swap3A_1024 = vector.shape_cast %swap3A_1023 : vector<1x16xf32> to vector<16xf32>
        %swap3A_1025 = vector.shape_cast %select_n3A_929 : vector<16xf32> to vector<1x16xf32>
        tpu.vector_store %arg9[%swap3A_1021, %swap3A_1022], %swap3A_1025 {strides = array<i32>} : memref<32x512xf32, #tpu.memory_space<vmem>>, vector<1x16xf32>,
        %swap3A_1026 = arith.constant 31 : i32
        %swap3A_1027 = arith.index_cast %swap3A_1026 : i32 to index
        %swap3A_1028 = arith.index_cast %mul3A_267 : i32 to index
        %swap3A_1029 = tpu.vector_load %arg9[%swap3A_1027, %swap3A_1028] {strides = array<i32>} : memref<32x512xf32, #tpu.memory_space<vmem>>, vector<1x16xf32>,
        %swap3A_1030 = vector.shape_cast %swap3A_1029 : vector<1x16xf32> to vector<16xf32>
        %swap3A_1031 = vector.shape_cast %select_n3A_935 : vector<16xf32> to vector<1x16xf32>
        tpu.vector_store %arg9[%swap3A_1027, %swap3A_1028], %swap3A_1031 {strides = array<i32>} : memref<32x512xf32, #tpu.memory_space<vmem>>, vector<1x16xf32>,
      }
      %scan3A_196 = arith.constant 32 : i32
      %dma_start3A_197 = arith.constant 0 : i32
      %dma_start3A_198 = tpu.memref_slice %arg4[%mul3A_111, %dma_start3A_197, %mul3A_2] : memref<50x32x16384xf32, #tpu.memory_space<hbm>> -> memref<1x32x512xf32, #tpu.memory_space<hbm>>
      %dma_start3A_199 = tpu.memref_squeeze %dma_start3A_198 : memref<1x32x512xf32, #tpu.memory_space<hbm>> -> memref<32x512xf32, #tpu.memory_space<hbm>>
      %dma_start3A_200 = arith.constant 0 : i32
      %dma_start3A_201 = tpu.memref_slice %arg4[%mul3A_111, %dma_start3A_200, %mul3A_2] : memref<50x32x16384xf32, #tpu.memory_space<hbm>> -> memref<1x32x512xf32, #tpu.memory_space<hbm>>
      %dma_start3A_202 = tpu.memref_squeeze %dma_start3A_201 : memref<1x32x512xf32, #tpu.memory_space<hbm>> -> memref<32x512xf32, #tpu.memory_space<hbm>>
      tpu.enqueue_dma source(%arg9 : memref<32x512xf32, #tpu.memory_space<vmem>>) target(%dma_start3A_202 : memref<32x512xf32, #tpu.memory_space<hbm>>) target_semaphore(%arg15 : memref<!tpu.dma_semaphore, #tpu.memory_space<semaphore_mem>>)
      %add3A_203 = arith.constant 2 : i32
      %add3A_204 = arith.addi %mul3A_111, %add3A_203 : i32
      %lt3A = arith.constant 50 : i32
      %lt3A_205 = arith.cmpi slt, %add3A_204, %lt3A : i32
      %convert_element_type3A_206 = arith.extui %lt3A_205 : i1 to i32
      %cond3A_207 = arith.constant 0 : i32
      %cond3A_208 = arith.cmpi ne, %convert_element_type3A_206, %cond3A_207 : i32
      scf.if %cond3A_208 {
        %add3A_265 = arith.constant 2 : i32
        %add3A_266 = arith.addi %mul3A_111, %add3A_265 : i32
        %dma_start3A_267 = tpu.memref_slice %arg2[%add3A_266, %mul3A_2] : memref<50x16384xi32, #tpu.memory_space<hbm>> -> memref<1x512xi32, #tpu.memory_space<hbm>>
        %dma_start3A_268 = tpu.memref_squeeze %dma_start3A_267 : memref<1x512xi32, #tpu.memory_space<hbm>> -> memref<512xi32, #tpu.memory_space<hbm>>
        %dma_start3A_269 = tpu.memref_slice %arg2[%add3A_266, %mul3A_2] : memref<50x16384xi32, #tpu.memory_space<hbm>> -> memref<1x512xi32, #tpu.memory_space<hbm>>
        %dma_start3A_270 = tpu.memref_squeeze %dma_start3A_269 : memref<1x512xi32, #tpu.memory_space<hbm>> -> memref<512xi32, #tpu.memory_space<hbm>>
        tpu.enqueue_dma source(%dma_start3A_270 : memref<512xi32, #tpu.memory_space<hbm>>) target(%arg5 : memref<512xi32, #tpu.memory_space<vmem>>) target_semaphore(%arg11 : memref<!tpu.dma_semaphore, #tpu.memory_space<semaphore_mem>>)
      } else {
      }
      %dma_wait3A_209 = arith.constant 0 : i32
      %dma_wait3A_210 = arith.constant 0 : i32
      %dma_wait3A_211 = tpu.memref_slice %arg8[%dma_wait3A_209, %dma_wait3A_210] : memref<512x32xf32, #tpu.memory_space<vmem>> -> memref<128x32xf32, #tpu.memory_space<vmem>>
      %dma_wait3A_212 = arith.constant 0 : i32
      %dma_wait3A_213 = tpu.memref_slice %arg6[%dma_wait3A_212] : memref<512xi32, #tpu.memory_space<vmem>> -> memref<128xi32, #tpu.memory_space<vmem>>
      %dma_wait3A_214 = arith.constant 0 : i32
      %dma_wait3A_215 = arith.constant 0 : i32
      %dma_wait3A_216 = tpu.memref_slice %arg3[%dma_wait3A_214, %dma_wait3A_215] : memref<1003520x32xf32, #tpu.memory_space<hbm>> -> memref<1003520x32xf32, #tpu.memory_space<hbm>>
      tpu.wait_indirect_dma semaphore(%arg14 : memref<!tpu.dma_semaphore, #tpu.memory_space<semaphore_mem>>) src(%dma_wait3A_216 : memref<1003520x32xf32, #tpu.memory_space<hbm>>) dst(%dma_wait3A_211 : memref<128x32xf32, #tpu.memory_space<vmem>>)
      %dma_wait3A_217 = arith.constant 128 : i32
      %dma_wait3A_218 = arith.constant 0 : i32
      %dma_wait3A_219 = tpu.memref_slice %arg8[%dma_wait3A_217, %dma_wait3A_218] : memref<512x32xf32, #tpu.memory_space<vmem>> -> memref<128x32xf32, #tpu.memory_space<vmem>>
      %dma_wait3A_220 = arith.constant 128 : i32
      %dma_wait3A_221 = tpu.memref_slice %arg6[%dma_wait3A_220] : memref<512xi32, #tpu.memory_space<vmem>> -> memref<128xi32, #tpu.memory_space<vmem>>
      %dma_wait3A_222 = arith.constant 0 : i32
      %dma_wait3A_223 = arith.constant 0 : i32
      %dma_wait3A_224 = tpu.memref_slice %arg3[%dma_wait3A_222, %dma_wait3A_223] : memref<1003520x32xf32, #tpu.memory_space<hbm>> -> memref<1003520x32xf32, #tpu.memory_space<hbm>>
      tpu.wait_indirect_dma semaphore(%arg14 : memref<!tpu.dma_semaphore, #tpu.memory_space<semaphore_mem>>) src(%dma_wait3A_224 : memref<1003520x32xf32, #tpu.memory_space<hbm>>) dst(%dma_wait3A_219 : memref<128x32xf32, #tpu.memory_space<vmem>>)
      %dma_wait3A_225 = arith.constant 256 : i32
      %dma_wait3A_226 = arith.constant 0 : i32
      %dma_wait3A_227 = tpu.memref_slice %arg8[%dma_wait3A_225, %dma_wait3A_226] : memref<512x32xf32, #tpu.memory_space<vmem>> -> memref<128x32xf32, #tpu.memory_space<vmem>>
      %dma_wait3A_228 = arith.constant 256 : i32
      %dma_wait3A_229 = tpu.memref_slice %arg6[%dma_wait3A_228] : memref<512xi32, #tpu.memory_space<vmem>> -> memref<128xi32, #tpu.memory_space<vmem>>
      %dma_wait3A_230 = arith.constant 0 : i32
      %dma_wait3A_231 = arith.constant 0 : i32
      %dma_wait3A_232 = tpu.memref_slice %arg3[%dma_wait3A_230, %dma_wait3A_231] : memref<1003520x32xf32, #tpu.memory_space<hbm>> -> memref<1003520x32xf32, #tpu.memory_space<hbm>>
      tpu.wait_indirect_dma semaphore(%arg14 : memref<!tpu.dma_semaphore, #tpu.memory_space<semaphore_mem>>) src(%dma_wait3A_232 : memref<1003520x32xf32, #tpu.memory_space<hbm>>) dst(%dma_wait3A_227 : memref<128x32xf32, #tpu.memory_space<vmem>>)
      %dma_wait3A_233 = arith.constant 384 : i32
      %dma_wait3A_234 = arith.constant 0 : i32
      %dma_wait3A_235 = tpu.memref_slice %arg8[%dma_wait3A_233, %dma_wait3A_234] : memref<512x32xf32, #tpu.memory_space<vmem>> -> memref<128x32xf32, #tpu.memory_space<vmem>>
      %dma_wait3A_236 = arith.constant 384 : i32
      %dma_wait3A_237 = tpu.memref_slice %arg6[%dma_wait3A_236] : memref<512xi32, #tpu.memory_space<vmem>> -> memref<128xi32, #tpu.memory_space<vmem>>
      %dma_wait3A_238 = arith.constant 0 : i32
      %dma_wait3A_239 = arith.constant 0 : i32
      %dma_wait3A_240 = tpu.memref_slice %arg3[%dma_wait3A_238, %dma_wait3A_239] : memref<1003520x32xf32, #tpu.memory_space<hbm>> -> memref<1003520x32xf32, #tpu.memory_space<hbm>>
      tpu.wait_indirect_dma semaphore(%arg14 : memref<!tpu.dma_semaphore, #tpu.memory_space<semaphore_mem>>) src(%dma_wait3A_240 : memref<1003520x32xf32, #tpu.memory_space<hbm>>) dst(%dma_wait3A_235 : memref<128x32xf32, #tpu.memory_space<vmem>>)
      %add3A_241 = arith.constant 2 : i32
      %add3A_242 = arith.addi %mul3A_111, %add3A_241 : i32
      %lt3A_243 = arith.constant 50 : i32
      %lt3A_244 = arith.cmpi slt, %add3A_242, %lt3A_243 : i32
      %convert_element_type3A_245 = arith.extui %lt3A_244 : i1 to i32
      %cond3A_246 = arith.constant 0 : i32
      %cond3A_247 = arith.cmpi ne, %convert_element_type3A_245, %cond3A_246 : i32
      scf.if %cond3A_247 {
        %dma_wait3A_265 = arith.constant 0 : i32
        %dma_wait3A_266 = tpu.memref_slice %arg2[%dma_wait3A_265, %mul3A_2] : memref<50x16384xi32, #tpu.memory_space<hbm>> -> memref<1x512xi32, #tpu.memory_space<hbm>>
        %dma_wait3A_267 = tpu.memref_squeeze %dma_wait3A_266 : memref<1x512xi32, #tpu.memory_space<hbm>> -> memref<512xi32, #tpu.memory_space<hbm>>
        %dma_wait3A_268 = tpu.memref_slice %arg2[%dma_wait3A_265, %mul3A_2] : memref<50x16384xi32, #tpu.memory_space<hbm>> -> memref<1x512xi32, #tpu.memory_space<hbm>>
        %dma_wait3A_269 = tpu.memref_squeeze %dma_wait3A_268 : memref<1x512xi32, #tpu.memory_space<hbm>> -> memref<512xi32, #tpu.memory_space<hbm>>
        tpu.wait_dma2 semaphore(%arg11 : memref<!tpu.dma_semaphore, #tpu.memory_space<semaphore_mem>>) src(%dma_wait3A_269 : memref<512xi32, #tpu.memory_space<hbm>>) dst(%arg5 : memref<512xi32, #tpu.memory_space<vmem>>)
        %scan3A_270 = arith.constant 0 : i32
        %scan3A_271 = arith.constant 0 : i32
        %scan3A_272 = arith.constant 32 : i32
        %scan3A_273 = arith.addi %scan3A_271, %scan3A_272 : i32
        %scan3A_274 = arith.constant 1 : i32
        scf.for %scan3A_314 = %scan3A_271 to %scan3A_273 step %scan3A_274  : i32 {
          %mul3A_315 = arith.constant 16 : i32
          %mul3A_316 = arith.muli %scan3A_314, %mul3A_315 : i32
          %get3A = arith.index_cast %mul3A_316 : i32 to index
          %get3A_317 = tpu.vector_load %arg5[%get3A] {strides = array<i32>} : memref<512xi32, #tpu.memory_space<vmem>>, vector<16xi32>,
          %get3A_318 = vector.shape_cast %get3A_317 : vector<16xi32> to vector<16xi32>
          %and3A_319 = arith.constant -4096 : i32
          %and3A_320 = vector.broadcast %and3A_319 : i32 to vector<16xi32>
          %and3A_321 = arith.andi %get3A_318, %and3A_320 : vector<16xi32>
          %and3A_322 = arith.constant 1023 : i32
          %and3A_323 = vector.broadcast %and3A_322 : i32 to vector<16xi32>
          %and3A_324 = arith.andi %get3A_318, %and3A_323 : vector<16xi32>
          %shift_left3A = arith.constant 2 : i32
          %shift_left3A_325 = vector.broadcast %shift_left3A : i32 to vector<16xi32>
          %shift_left3A_326 = arith.shli %and3A_324, %shift_left3A_325 : vector<16xi32>
          %or3A = arith.ori %and3A_321, %shift_left3A_326 : vector<16xi32>
          %shift_right_arithmetic3A = arith.constant 10 : i32
          %shift_right_arithmetic3A_327 = vector.broadcast %shift_right_arithmetic3A : i32 to vector<16xi32>
          %shift_right_arithmetic3A_328 = arith.shrsi %get3A_318, %shift_right_arithmetic3A_327 : vector<16xi32>
          %and3A_329 = arith.constant 3 : i32
          %and3A_330 = vector.broadcast %and3A_329 : i32 to vector<16xi32>
          %and3A_331 = arith.andi %shift_right_arithmetic3A_328, %and3A_330 : vector<16xi32>
          %or3A_332 = arith.ori %or3A, %and3A_331 : vector<16xi32>
          %mul3A_333 = arith.constant 16 : i32
          %mul3A_334 = arith.muli %scan3A_314, %mul3A_333 : i32
          %swap3A = arith.index_cast %mul3A_334 : i32 to index
          %swap3A_335 = tpu.vector_load %arg5[%swap3A] {strides = array<i32>} : memref<512xi32, #tpu.memory_space<vmem>>, vector<16xi32>,
          %swap3A_336 = vector.shape_cast %swap3A_335 : vector<16xi32> to vector<16xi32>
          %swap3A_337 = vector.shape_cast %or3A_332 : vector<16xi32> to vector<16xi32>
          tpu.vector_store %arg5[%swap3A], %swap3A_337 {strides = array<i32>} : memref<512xi32, #tpu.memory_space<vmem>>, vector<16xi32>,
        }
        %scan3A_275 = arith.constant 32 : i32
        %dma_start3A_276 = arith.constant 0 : i32
        %dma_start3A_277 = arith.constant 0 : i32
        %dma_start3A_278 = tpu.memref_slice %arg7[%dma_start3A_276, %dma_start3A_277] : memref<512x32xf32, #tpu.memory_space<vmem>> -> memref<128x32xf32, #tpu.memory_space<vmem>>
        %dma_start3A_279 = arith.constant 0 : i32
        %dma_start3A_280 = tpu.memref_slice %arg5[%dma_start3A_279] : memref<512xi32, #tpu.memory_space<vmem>> -> memref<128xi32, #tpu.memory_space<vmem>>
        %dma_start3A_281 = arith.constant 0 : i32
        %dma_start3A_282 = arith.constant 0 : i32
        %dma_start3A_283 = tpu.memref_slice %arg3[%dma_start3A_281, %dma_start3A_282] : memref<1003520x32xf32, #tpu.memory_space<hbm>> -> memref<1003520x32xf32, #tpu.memory_space<hbm>>
        tpu.enqueue_indirect_dma source(%dma_start3A_283 : memref<1003520x32xf32, #tpu.memory_space<hbm>>) target(%dma_start3A_278 : memref<128x32xf32, #tpu.memory_space<vmem>>) offsets(%dma_start3A_280 : memref<128xi32, #tpu.memory_space<vmem>>) semaphore(%arg13 : memref<!tpu.dma_semaphore, #tpu.memory_space<semaphore_mem>>)
        %dma_start3A_284 = arith.constant 128 : i32
        %dma_start3A_285 = arith.constant 0 : i32
        %dma_start3A_286 = tpu.memref_slice %arg7[%dma_start3A_284, %dma_start3A_285] : memref<512x32xf32, #tpu.memory_space<vmem>> -> memref<128x32xf32, #tpu.memory_space<vmem>>
        %dma_start3A_287 = arith.constant 128 : i32
        %dma_start3A_288 = tpu.memref_slice %arg5[%dma_start3A_287] : memref<512xi32, #tpu.memory_space<vmem>> -> memref<128xi32, #tpu.memory_space<vmem>>
        %dma_start3A_289 = arith.constant 0 : i32
        %dma_start3A_290 = arith.constant 0 : i32
        %dma_start3A_291 = tpu.memref_slice %arg3[%dma_start3A_289, %dma_start3A_290] : memref<1003520x32xf32, #tpu.memory_space<hbm>> -> memref<1003520x32xf32, #tpu.memory_space<hbm>>
        tpu.enqueue_indirect_dma source(%dma_start3A_291 : memref<1003520x32xf32, #tpu.memory_space<hbm>>) target(%dma_start3A_286 : memref<128x32xf32, #tpu.memory_space<vmem>>) offsets(%dma_start3A_288 : memref<128xi32, #tpu.memory_space<vmem>>) semaphore(%arg13 : memref<!tpu.dma_semaphore, #tpu.memory_space<semaphore_mem>>)
        %dma_start3A_292 = arith.constant 256 : i32
        %dma_start3A_293 = arith.constant 0 : i32
        %dma_start3A_294 = tpu.memref_slice %arg7[%dma_start3A_292, %dma_start3A_293] : memref<512x32xf32, #tpu.memory_space<vmem>> -> memref<128x32xf32, #tpu.memory_space<vmem>>
        %dma_start3A_295 = arith.constant 256 : i32
        %dma_start3A_296 = tpu.memref_slice %arg5[%dma_start3A_295] : memref<512xi32, #tpu.memory_space<vmem>> -> memref<128xi32, #tpu.memory_space<vmem>>
        %dma_start3A_297 = arith.constant 0 : i32
        %dma_start3A_298 = arith.constant 0 : i32
        %dma_start3A_299 = tpu.memref_slice %arg3[%dma_start3A_297, %dma_start3A_298] : memref<1003520x32xf32, #tpu.memory_space<hbm>> -> memref<1003520x32xf32, #tpu.memory_space<hbm>>
        tpu.enqueue_indirect_dma source(%dma_start3A_299 : memref<1003520x32xf32, #tpu.memory_space<hbm>>) target(%dma_start3A_294 : memref<128x32xf32, #tpu.memory_space<vmem>>) offsets(%dma_start3A_296 : memref<128xi32, #tpu.memory_space<vmem>>) semaphore(%arg13 : memref<!tpu.dma_semaphore, #tpu.memory_space<semaphore_mem>>)
        %dma_start3A_300 = arith.constant 384 : i32
        %dma_start3A_301 = arith.constant 0 : i32
        %dma_start3A_302 = tpu.memref_slice %arg7[%dma_start3A_300, %dma_start3A_301] : memref<512x32xf32, #tpu.memory_space<vmem>> -> memref<128x32xf32, #tpu.memory_space<vmem>>
        %dma_start3A_303 = arith.constant 384 : i32
        %dma_start3A_304 = tpu.memref_slice %arg5[%dma_start3A_303] : memref<512xi32, #tpu.memory_space<vmem>> -> memref<128xi32, #tpu.memory_space<vmem>>
        %dma_start3A_305 = arith.constant 0 : i32
        %dma_start3A_306 = arith.constant 0 : i32
        %dma_start3A_307 = tpu.memref_slice %arg3[%dma_start3A_305, %dma_start3A_306] : memref<1003520x32xf32, #tpu.memory_space<hbm>> -> memref<1003520x32xf32, #tpu.memory_space<hbm>>
        tpu.enqueue_indirect_dma source(%dma_start3A_307 : memref<1003520x32xf32, #tpu.memory_space<hbm>>) target(%dma_start3A_302 : memref<128x32xf32, #tpu.memory_space<vmem>>) offsets(%dma_start3A_304 : memref<128xi32, #tpu.memory_space<vmem>>) semaphore(%arg13 : memref<!tpu.dma_semaphore, #tpu.memory_space<semaphore_mem>>)
        %add3A_308 = arith.constant 3 : i32
        %add3A_309 = arith.addi %mul3A_111, %add3A_308 : i32
        %dma_start3A_310 = tpu.memref_slice %arg2[%add3A_309, %mul3A_2] : memref<50x16384xi32, #tpu.memory_space<hbm>> -> memref<1x512xi32, #tpu.memory_space<hbm>>
        %dma_start3A_311 = tpu.memref_squeeze %dma_start3A_310 : memref<1x512xi32, #tpu.memory_space<hbm>> -> memref<512xi32, #tpu.memory_space<hbm>>
        %dma_start3A_312 = tpu.memref_slice %arg2[%add3A_309, %mul3A_2] : memref<50x16384xi32, #tpu.memory_space<hbm>> -> memref<1x512xi32, #tpu.memory_space<hbm>>
        %dma_start3A_313 = tpu.memref_squeeze %dma_start3A_312 : memref<1x512xi32, #tpu.memory_space<hbm>> -> memref<512xi32, #tpu.memory_space<hbm>>
        tpu.enqueue_dma source(%dma_start3A_313 : memref<512xi32, #tpu.memory_space<hbm>>) target(%arg6 : memref<512xi32, #tpu.memory_space<vmem>>) target_semaphore(%arg12 : memref<!tpu.dma_semaphore, #tpu.memory_space<semaphore_mem>>)
      } else {
      }
      %ge3A_248 = arith.constant 1 : i32
      %ge3A_249 = arith.cmpi sge, %scan3A_109, %ge3A_248 : i32
      %convert_element_type3A_250 = arith.extui %ge3A_249 : i1 to i32
      %cond3A_251 = arith.constant 0 : i32
      %cond3A_252 = arith.cmpi ne, %convert_element_type3A_250, %cond3A_251 : i32
      scf.if %cond3A_252 {
        %dma_wait3A_265 = arith.constant 0 : i32
        %dma_wait3A_266 = arith.constant 0 : i32
        %dma_wait3A_267 = tpu.memref_slice %arg4[%dma_wait3A_265, %dma_wait3A_266, %mul3A_2] : memref<50x32x16384xf32, #tpu.memory_space<hbm>> -> memref<1x32x512xf32, #tpu.memory_space<hbm>>
        %dma_wait3A_268 = tpu.memref_squeeze %dma_wait3A_267 : memref<1x32x512xf32, #tpu.memory_space<hbm>> -> memref<32x512xf32, #tpu.memory_space<hbm>>
        %dma_wait3A_269 = arith.constant 0 : i32
        %dma_wait3A_270 = tpu.memref_slice %arg4[%dma_wait3A_265, %dma_wait3A_269, %mul3A_2] : memref<50x32x16384xf32, #tpu.memory_space<hbm>> -> memref<1x32x512xf32, #tpu.memory_space<hbm>>
        %dma_wait3A_271 = tpu.memref_squeeze %dma_wait3A_270 : memref<1x32x512xf32, #tpu.memory_space<hbm>> -> memref<32x512xf32, #tpu.memory_space<hbm>>
        tpu.wait_dma2 semaphore(%arg16 : memref<!tpu.dma_semaphore, #tpu.memory_space<semaphore_mem>>) src(%arg10 : memref<32x512xf32, #tpu.memory_space<vmem>>) dst(%dma_wait3A_271 : memref<32x512xf32, #tpu.memory_space<hbm>>)
      } else {
      }
      %scan3A_253 = arith.constant 0 : i32
      %scan3A_254 = arith.constant 0 : i32
      %scan3A_255 = arith.constant 32 : i32
      %scan3A_256 = arith.addi %scan3A_254, %scan3A_255 : i32
      %scan3A_257 = arith.constant 1 : i32
      scf.for %scan3A_265 = %scan3A_254 to %scan3A_256 step %scan3A_257  : i32 {
        %mul3A_266 = arith.constant 16 : i32
        %mul3A_267 = arith.muli %scan3A_265, %mul3A_266 : i32
        %add3A_268 = arith.constant 0 : i32
        %add3A_269 = arith.addi %mul3A_267, %add3A_268 : i32
        %get3A = arith.index_cast %add3A_269 : i32 to index
        %get3A_270 = arith.constant 0 : index
        %get3A_271 = tpu.vector_load %arg8[%get3A, %get3A_270] {strides = array<i32>} : memref<512x32xf32, #tpu.memory_space<vmem>>, vector<1x16xf32>,
        %get3A_272 = vector.shape_cast %get3A_271 : vector<1x16xf32> to vector<16xf32>
        %add3A_273 = arith.constant 1 : i32
        %add3A_274 = arith.addi %mul3A_267, %add3A_273 : i32
        %get3A_275 = arith.index_cast %add3A_274 : i32 to index
        %get3A_276 = arith.constant 0 : index
        %get3A_277 = tpu.vector_load %arg8[%get3A_275, %get3A_276] {strides = array<i32>} : memref<512x32xf32, #tpu.memory_space<vmem>>, vector<1x16xf32>,
        %get3A_278 = vector.shape_cast %get3A_277 : vector<1x16xf32> to vector<16xf32>
        %add3A_279 = arith.constant 2 : i32
        %add3A_280 = arith.addi %mul3A_267, %add3A_279 : i32
        %get3A_281 = arith.index_cast %add3A_280 : i32 to index
        %get3A_282 = arith.constant 0 : index
        %get3A_283 = tpu.vector_load %arg8[%get3A_281, %get3A_282] {strides = array<i32>} : memref<512x32xf32, #tpu.memory_space<vmem>>, vector<1x16xf32>,
        %get3A_284 = vector.shape_cast %get3A_283 : vector<1x16xf32> to vector<16xf32>
        %add3A_285 = arith.constant 3 : i32
        %add3A_286 = arith.addi %mul3A_267, %add3A_285 : i32
        %get3A_287 = arith.index_cast %add3A_286 : i32 to index
        %get3A_288 = arith.constant 0 : index
        %get3A_289 = tpu.vector_load %arg8[%get3A_287, %get3A_288] {strides = array<i32>} : memref<512x32xf32, #tpu.memory_space<vmem>>, vector<1x16xf32>,
        %get3A_290 = vector.shape_cast %get3A_289 : vector<1x16xf32> to vector<16xf32>
        %add3A_291 = arith.constant 4 : i32
        %add3A_292 = arith.addi %mul3A_267, %add3A_291 : i32
        %get3A_293 = arith.index_cast %add3A_292 : i32 to index
        %get3A_294 = arith.constant 0 : index
        %get3A_295 = tpu.vector_load %arg8[%get3A_293, %get3A_294] {strides = array<i32>} : memref<512x32xf32, #tpu.memory_space<vmem>>, vector<1x16xf32>,
        %get3A_296 = vector.shape_cast %get3A_295 : vector<1x16xf32> to vector<16xf32>
        %add3A_297 = arith.constant 5 : i32
        %add3A_298 = arith.addi %mul3A_267, %add3A_297 : i32
        %get3A_299 = arith.index_cast %add3A_298 : i32 to index
        %get3A_300 = arith.constant 0 : index
        %get3A_301 = tpu.vector_load %arg8[%get3A_299, %get3A_300] {strides = array<i32>} : memref<512x32xf32, #tpu.memory_space<vmem>>, vector<1x16xf32>,
        %get3A_302 = vector.shape_cast %get3A_301 : vector<1x16xf32> to vector<16xf32>
        %add3A_303 = arith.constant 6 : i32
        %add3A_304 = arith.addi %mul3A_267, %add3A_303 : i32
        %get3A_305 = arith.index_cast %add3A_304 : i32 to index
        %get3A_306 = arith.constant 0 : index
        %get3A_307 = tpu.vector_load %arg8[%get3A_305, %get3A_306] {strides = array<i32>} : memref<512x32xf32, #tpu.memory_space<vmem>>, vector<1x16xf32>,
        %get3A_308 = vector.shape_cast %get3A_307 : vector<1x16xf32> to vector<16xf32>
        %add3A_309 = arith.constant 7 : i32
        %add3A_310 = arith.addi %mul3A_267, %add3A_309 : i32
        %get3A_311 = arith.index_cast %add3A_310 : i32 to index
        %get3A_312 = arith.constant 0 : index
        %get3A_313 = tpu.vector_load %arg8[%get3A_311, %get3A_312] {strides = array<i32>} : memref<512x32xf32, #tpu.memory_space<vmem>>, vector<1x16xf32>,
        %get3A_314 = vector.shape_cast %get3A_313 : vector<1x16xf32> to vector<16xf32>
        %add3A_315 = arith.constant 8 : i32
        %add3A_316 = arith.addi %mul3A_267, %add3A_315 : i32
        %get3A_317 = arith.index_cast %add3A_316 : i32 to index
        %get3A_318 = arith.constant 0 : index
        %get3A_319 = tpu.vector_load %arg8[%get3A_317, %get3A_318] {strides = array<i32>} : memref<512x32xf32, #tpu.memory_space<vmem>>, vector<1x16xf32>,
        %get3A_320 = vector.shape_cast %get3A_319 : vector<1x16xf32> to vector<16xf32>
        %add3A_321 = arith.constant 9 : i32
        %add3A_322 = arith.addi %mul3A_267, %add3A_321 : i32
        %get3A_323 = arith.index_cast %add3A_322 : i32 to index
        %get3A_324 = arith.constant 0 : index
        %get3A_325 = tpu.vector_load %arg8[%get3A_323, %get3A_324] {strides = array<i32>} : memref<512x32xf32, #tpu.memory_space<vmem>>, vector<1x16xf32>,
        %get3A_326 = vector.shape_cast %get3A_325 : vector<1x16xf32> to vector<16xf32>
        %add3A_327 = arith.constant 10 : i32
        %add3A_328 = arith.addi %mul3A_267, %add3A_327 : i32
        %get3A_329 = arith.index_cast %add3A_328 : i32 to index
        %get3A_330 = arith.constant 0 : index
        %get3A_331 = tpu.vector_load %arg8[%get3A_329, %get3A_330] {strides = array<i32>} : memref<512x32xf32, #tpu.memory_space<vmem>>, vector<1x16xf32>,
        %get3A_332 = vector.shape_cast %get3A_331 : vector<1x16xf32> to vector<16xf32>
        %add3A_333 = arith.constant 11 : i32
        %add3A_334 = arith.addi %mul3A_267, %add3A_333 : i32
        %get3A_335 = arith.index_cast %add3A_334 : i32 to index
        %get3A_336 = arith.constant 0 : index
        %get3A_337 = tpu.vector_load %arg8[%get3A_335, %get3A_336] {strides = array<i32>} : memref<512x32xf32, #tpu.memory_space<vmem>>, vector<1x16xf32>,
        %get3A_338 = vector.shape_cast %get3A_337 : vector<1x16xf32> to vector<16xf32>
        %add3A_339 = arith.constant 12 : i32
        %add3A_340 = arith.addi %mul3A_267, %add3A_339 : i32
        %get3A_341 = arith.index_cast %add3A_340 : i32 to index
        %get3A_342 = arith.constant 0 : index
        %get3A_343 = tpu.vector_load %arg8[%get3A_341, %get3A_342] {strides = array<i32>} : memref<512x32xf32, #tpu.memory_space<vmem>>, vector<1x16xf32>,
        %get3A_344 = vector.shape_cast %get3A_343 : vector<1x16xf32> to vector<16xf32>
        %add3A_345 = arith.constant 13 : i32
        %add3A_346 = arith.addi %mul3A_267, %add3A_345 : i32
        %get3A_347 = arith.index_cast %add3A_346 : i32 to index
        %get3A_348 = arith.constant 0 : index
        %get3A_349 = tpu.vector_load %arg8[%get3A_347, %get3A_348] {strides = array<i32>} : memref<512x32xf32, #tpu.memory_space<vmem>>, vector<1x16xf32>,
        %get3A_350 = vector.shape_cast %get3A_349 : vector<1x16xf32> to vector<16xf32>
        %add3A_351 = arith.constant 14 : i32
        %add3A_352 = arith.addi %mul3A_267, %add3A_351 : i32
        %get3A_353 = arith.index_cast %add3A_352 : i32 to index
        %get3A_354 = arith.constant 0 : index
        %get3A_355 = tpu.vector_load %arg8[%get3A_353, %get3A_354] {strides = array<i32>} : memref<512x32xf32, #tpu.memory_space<vmem>>, vector<1x16xf32>,
        %get3A_356 = vector.shape_cast %get3A_355 : vector<1x16xf32> to vector<16xf32>
        %add3A_357 = arith.constant 15 : i32
        %add3A_358 = arith.addi %mul3A_267, %add3A_357 : i32
        %get3A_359 = arith.index_cast %add3A_358 : i32 to index
        %get3A_360 = arith.constant 0 : index
        %get3A_361 = tpu.vector_load %arg8[%get3A_359, %get3A_360] {strides = array<i32>} : memref<512x32xf32, #tpu.memory_space<vmem>>, vector<1x16xf32>,
        %get3A_362 = vector.shape_cast %get3A_361 : vector<1x16xf32> to vector<16xf32>
        %gather3A = vector.shape_cast %broadcast_in_dim3A : vector<16x1xi32> to vector<16xi32>
        %gather3A_363 = tpu.dynamic_gather %get3A_272[%gather3A] in [0] : vector<16xf32>, vector<16xi32> -> vector<16xf32>
        %gather3A_364 = vector.shape_cast %broadcast_in_dim3A : vector<16x1xi32> to vector<16xi32>
        %gather3A_365 = tpu.dynamic_gather %get3A_278[%gather3A_364] in [0] : vector<16xf32>, vector<16xi32> -> vector<16xf32>
        %select_n3A = arith.select %eq3A_20, %get3A_272, %gather3A_365 : vector<16xi1>, vector<16xf32>
        %select_n3A_366 = arith.select %eq3A_20, %gather3A_363, %get3A_278 : vector<16xi1>, vector<16xf32>
        %gather3A_367 = vector.shape_cast %broadcast_in_dim3A : vector<16x1xi32> to vector<16xi32>
        %gather3A_368 = tpu.dynamic_gather %get3A_284[%gather3A_367] in [0] : vector<16xf32>, vector<16xi32> -> vector<16xf32>
        %gather3A_369 = vector.shape_cast %broadcast_in_dim3A : vector<16x1xi32> to vector<16xi32>
        %gather3A_370 = tpu.dynamic_gather %get3A_290[%gather3A_369] in [0] : vector<16xf32>, vector<16xi32> -> vector<16xf32>
        %select_n3A_371 = arith.select %eq3A_20, %get3A_284, %gather3A_370 : vector<16xi1>, vector<16xf32>
        %select_n3A_372 = arith.select %eq3A_20, %gather3A_368, %get3A_290 : vector<16xi1>, vector<16xf32>
        %gather3A_373 = vector.shape_cast %broadcast_in_dim3A : vector<16x1xi32> to vector<16xi32>
        %gather3A_374 = tpu.dynamic_gather %get3A_296[%gather3A_373] in [0] : vector<16xf32>, vector<16xi32> -> vector<16xf32>
        %gather3A_375 = vector.shape_cast %broadcast_in_dim3A : vector<16x1xi32> to vector<16xi32>
        %gather3A_376 = tpu.dynamic_gather %get3A_302[%gather3A_375] in [0] : vector<16xf32>, vector<16xi32> -> vector<16xf32>
        %select_n3A_377 = arith.select %eq3A_20, %get3A_296, %gather3A_376 : vector<16xi1>, vector<16xf32>
        %select_n3A_378 = arith.select %eq3A_20, %gather3A_374, %get3A_302 : vector<16xi1>, vector<16xf32>
        %gather3A_379 = vector.shape_cast %broadcast_in_dim3A : vector<16x1xi32> to vector<16xi32>
        %gather3A_380 = tpu.dynamic_gather %get3A_308[%gather3A_379] in [0] : vector<16xf32>, vector<16xi32> -> vector<16xf32>
        %gather3A_381 = vector.shape_cast %broadcast_in_dim3A : vector<16x1xi32> to vector<16xi32>
        %gather3A_382 = tpu.dynamic_gather %get3A_314[%gather3A_381] in [0] : vector<16xf32>, vector<16xi32> -> vector<16xf32>
        %select_n3A_383 = arith.select %eq3A_20, %get3A_308, %gather3A_382 : vector<16xi1>, vector<16xf32>
        %select_n3A_384 = arith.select %eq3A_20, %gather3A_380, %get3A_314 : vector<16xi1>, vector<16xf32>
        %gather3A_385 = vector.shape_cast %broadcast_in_dim3A : vector<16x1xi32> to vector<16xi32>
        %gather3A_386 = tpu.dynamic_gather %get3A_320[%gather3A_385] in [0] : vector<16xf32>, vector<16xi32> -> vector<16xf32>
        %gather3A_387 = vector.shape_cast %broadcast_in_dim3A : vector<16x1xi32> to vector<16xi32>
        %gather3A_388 = tpu.dynamic_gather %get3A_326[%gather3A_387] in [0] : vector<16xf32>, vector<16xi32> -> vector<16xf32>
        %select_n3A_389 = arith.select %eq3A_20, %get3A_320, %gather3A_388 : vector<16xi1>, vector<16xf32>
        %select_n3A_390 = arith.select %eq3A_20, %gather3A_386, %get3A_326 : vector<16xi1>, vector<16xf32>
        %gather3A_391 = vector.shape_cast %broadcast_in_dim3A : vector<16x1xi32> to vector<16xi32>
        %gather3A_392 = tpu.dynamic_gather %get3A_332[%gather3A_391] in [0] : vector<16xf32>, vector<16xi32> -> vector<16xf32>
        %gather3A_393 = vector.shape_cast %broadcast_in_dim3A : vector<16x1xi32> to vector<16xi32>
        %gather3A_394 = tpu.dynamic_gather %get3A_338[%gather3A_393] in [0] : vector<16xf32>, vector<16xi32> -> vector<16xf32>
        %select_n3A_395 = arith.select %eq3A_20, %get3A_332, %gather3A_394 : vector<16xi1>, vector<16xf32>
        %select_n3A_396 = arith.select %eq3A_20, %gather3A_392, %get3A_338 : vector<16xi1>, vector<16xf32>
        %gather3A_397 = vector.shape_cast %broadcast_in_dim3A : vector<16x1xi32> to vector<16xi32>
        %gather3A_398 = tpu.dynamic_gather %get3A_344[%gather3A_397] in [0] : vector<16xf32>, vector<16xi32> -> vector<16xf32>
        %gather3A_399 = vector.shape_cast %broadcast_in_dim3A : vector<16x1xi32> to vector<16xi32>
        %gather3A_400 = tpu.dynamic_gather %get3A_350[%gather3A_399] in [0] : vector<16xf32>, vector<16xi32> -> vector<16xf32>
        %select_n3A_401 = arith.select %eq3A_20, %get3A_344, %gather3A_400 : vector<16xi1>, vector<16xf32>
        %select_n3A_402 = arith.select %eq3A_20, %gather3A_398, %get3A_350 : vector<16xi1>, vector<16xf32>
        %gather3A_403 = vector.shape_cast %broadcast_in_dim3A : vector<16x1xi32> to vector<16xi32>
        %gather3A_404 = tpu.dynamic_gather %get3A_356[%gather3A_403] in [0] : vector<16xf32>, vector<16xi32> -> vector<16xf32>
        %gather3A_405 = vector.shape_cast %broadcast_in_dim3A : vector<16x1xi32> to vector<16xi32>
        %gather3A_406 = tpu.dynamic_gather %get3A_362[%gather3A_405] in [0] : vector<16xf32>, vector<16xi32> -> vector<16xf32>
        %select_n3A_407 = arith.select %eq3A_20, %get3A_356, %gather3A_406 : vector<16xi1>, vector<16xf32>
        %select_n3A_408 = arith.select %eq3A_20, %gather3A_404, %get3A_362 : vector<16xi1>, vector<16xf32>
        %gather3A_409 = vector.shape_cast %broadcast_in_dim3A_8 : vector<16x1xi32> to vector<16xi32>
        %gather3A_410 = tpu.dynamic_gather %select_n3A[%gather3A_409] in [0] : vector<16xf32>, vector<16xi32> -> vector<16xf32>
        %gather3A_411 = vector.shape_cast %broadcast_in_dim3A_8 : vector<16x1xi32> to vector<16xi32>
        %gather3A_412 = tpu.dynamic_gather %select_n3A_371[%gather3A_411] in [0] : vector<16xf32>, vector<16xi32> -> vector<16xf32>
        %select_n3A_413 = arith.select %eq3A_26, %select_n3A, %gather3A_412 : vector<16xi1>, vector<16xf32>
        %select_n3A_414 = arith.select %eq3A_26, %gather3A_410, %select_n3A_371 : vector<16xi1>, vector<16xf32>
        %gather3A_415 = vector.shape_cast %broadcast_in_dim3A_8 : vector<16x1xi32> to vector<16xi32>
        %gather3A_416 = tpu.dynamic_gather %select_n3A_366[%gather3A_415] in [0] : vector<16xf32>, vector<16xi32> -> vector<16xf32>
        %gather3A_417 = vector.shape_cast %broadcast_in_dim3A_8 : vector<16x1xi32> to vector<16xi32>
        %gather3A_418 = tpu.dynamic_gather %select_n3A_372[%gather3A_417] in [0] : vector<16xf32>, vector<16xi32> -> vector<16xf32>
        %select_n3A_419 = arith.select %eq3A_26, %select_n3A_366, %gather3A_418 : vector<16xi1>, vector<16xf32>
        %select_n3A_420 = arith.select %eq3A_26, %gather3A_416, %select_n3A_372 : vector<16xi1>, vector<16xf32>
        %gather3A_421 = vector.shape_cast %broadcast_in_dim3A_8 : vector<16x1xi32> to vector<16xi32>
        %gather3A_422 = tpu.dynamic_gather %select_n3A_377[%gather3A_421] in [0] : vector<16xf32>, vector<16xi32> -> vector<16xf32>
        %gather3A_423 = vector.shape_cast %broadcast_in_dim3A_8 : vector<16x1xi32> to vector<16xi32>
        %gather3A_424 = tpu.dynamic_gather %select_n3A_383[%gather3A_423] in [0] : vector<16xf32>, vector<16xi32> -> vector<16xf32>
        %select_n3A_425 = arith.select %eq3A_26, %select_n3A_377, %gather3A_424 : vector<16xi1>, vector<16xf32>
        %select_n3A_426 = arith.select %eq3A_26, %gather3A_422, %select_n3A_383 : vector<16xi1>, vector<16xf32>
        %gather3A_427 = vector.shape_cast %broadcast_in_dim3A_8 : vector<16x1xi32> to vector<16xi32>
        %gather3A_428 = tpu.dynamic_gather %select_n3A_378[%gather3A_427] in [0] : vector<16xf32>, vector<16xi32> -> vector<16xf32>
        %gather3A_429 = vector.shape_cast %broadcast_in_dim3A_8 : vector<16x1xi32> to vector<16xi32>
        %gather3A_430 = tpu.dynamic_gather %select_n3A_384[%gather3A_429] in [0] : vector<16xf32>, vector<16xi32> -> vector<16xf32>
        %select_n3A_431 = arith.select %eq3A_26, %select_n3A_378, %gather3A_430 : vector<16xi1>, vector<16xf32>
        %select_n3A_432 = arith.select %eq3A_26, %gather3A_428, %select_n3A_384 : vector<16xi1>, vector<16xf32>
        %gather3A_433 = vector.shape_cast %broadcast_in_dim3A_8 : vector<16x1xi32> to vector<16xi32>
        %gather3A_434 = tpu.dynamic_gather %select_n3A_389[%gather3A_433] in [0] : vector<16xf32>, vector<16xi32> -> vector<16xf32>
        %gather3A_435 = vector.shape_cast %broadcast_in_dim3A_8 : vector<16x1xi32> to vector<16xi32>
        %gather3A_436 = tpu.dynamic_gather %select_n3A_395[%gather3A_435] in [0] : vector<16xf32>, vector<16xi32> -> vector<16xf32>
        %select_n3A_437 = arith.select %eq3A_26, %select_n3A_389, %gather3A_436 : vector<16xi1>, vector<16xf32>
        %select_n3A_438 = arith.select %eq3A_26, %gather3A_434, %select_n3A_395 : vector<16xi1>, vector<16xf32>
        %gather3A_439 = vector.shape_cast %broadcast_in_dim3A_8 : vector<16x1xi32> to vector<16xi32>
        %gather3A_440 = tpu.dynamic_gather %select_n3A_390[%gather3A_439] in [0] : vector<16xf32>, vector<16xi32> -> vector<16xf32>
        %gather3A_441 = vector.shape_cast %broadcast_in_dim3A_8 : vector<16x1xi32> to vector<16xi32>
        %gather3A_442 = tpu.dynamic_gather %select_n3A_396[%gather3A_441] in [0] : vector<16xf32>, vector<16xi32> -> vector<16xf32>
        %select_n3A_443 = arith.select %eq3A_26, %select_n3A_390, %gather3A_442 : vector<16xi1>, vector<16xf32>
        %select_n3A_444 = arith.select %eq3A_26, %gather3A_440, %select_n3A_396 : vector<16xi1>, vector<16xf32>
        %gather3A_445 = vector.shape_cast %broadcast_in_dim3A_8 : vector<16x1xi32> to vector<16xi32>
        %gather3A_446 = tpu.dynamic_gather %select_n3A_401[%gather3A_445] in [0] : vector<16xf32>, vector<16xi32> -> vector<16xf32>
        %gather3A_447 = vector.shape_cast %broadcast_in_dim3A_8 : vector<16x1xi32> to vector<16xi32>
        %gather3A_448 = tpu.dynamic_gather %select_n3A_407[%gather3A_447] in [0] : vector<16xf32>, vector<16xi32> -> vector<16xf32>
        %select_n3A_449 = arith.select %eq3A_26, %select_n3A_401, %gather3A_448 : vector<16xi1>, vector<16xf32>
        %select_n3A_450 = arith.select %eq3A_26, %gather3A_446, %select_n3A_407 : vector<16xi1>, vector<16xf32>
        %gather3A_451 = vector.shape_cast %broadcast_in_dim3A_8 : vector<16x1xi32> to vector<16xi32>
        %gather3A_452 = tpu.dynamic_gather %select_n3A_402[%gather3A_451] in [0] : vector<16xf32>, vector<16xi32> -> vector<16xf32>
        %gather3A_453 = vector.shape_cast %broadcast_in_dim3A_8 : vector<16x1xi32> to vector<16xi32>
        %gather3A_454 = tpu.dynamic_gather %select_n3A_408[%gather3A_453] in [0] : vector<16xf32>, vector<16xi32> -> vector<16xf32>
        %select_n3A_455 = arith.select %eq3A_26, %select_n3A_402, %gather3A_454 : vector<16xi1>, vector<16xf32>
        %select_n3A_456 = arith.select %eq3A_26, %gather3A_452, %select_n3A_408 : vector<16xi1>, vector<16xf32>
        %gather3A_457 = vector.shape_cast %broadcast_in_dim3A_12 : vector<16x1xi32> to vector<16xi32>
        %gather3A_458 = tpu.dynamic_gather %select_n3A_413[%gather3A_457] in [0] : vector<16xf32>, vector<16xi32> -> vector<16xf32>
        %gather3A_459 = vector.shape_cast %broadcast_in_dim3A_12 : vector<16x1xi32> to vector<16xi32>
        %gather3A_460 = tpu.dynamic_gather %select_n3A_425[%gather3A_459] in [0] : vector<16xf32>, vector<16xi32> -> vector<16xf32>
        %select_n3A_461 = arith.select %eq3A_32, %select_n3A_413, %gather3A_460 : vector<16xi1>, vector<16xf32>
        %select_n3A_462 = arith.select %eq3A_32, %gather3A_458, %select_n3A_425 : vector<16xi1>, vector<16xf32>
        %gather3A_463 = vector.shape_cast %broadcast_in_dim3A_12 : vector<16x1xi32> to vector<16xi32>
        %gather3A_464 = tpu.dynamic_gather %select_n3A_419[%gather3A_463] in [0] : vector<16xf32>, vector<16xi32> -> vector<16xf32>
        %gather3A_465 = vector.shape_cast %broadcast_in_dim3A_12 : vector<16x1xi32> to vector<16xi32>
        %gather3A_466 = tpu.dynamic_gather %select_n3A_431[%gather3A_465] in [0] : vector<16xf32>, vector<16xi32> -> vector<16xf32>
        %select_n3A_467 = arith.select %eq3A_32, %select_n3A_419, %gather3A_466 : vector<16xi1>, vector<16xf32>
        %select_n3A_468 = arith.select %eq3A_32, %gather3A_464, %select_n3A_431 : vector<16xi1>, vector<16xf32>
        %gather3A_469 = vector.shape_cast %broadcast_in_dim3A_12 : vector<16x1xi32> to vector<16xi32>
        %gather3A_470 = tpu.dynamic_gather %select_n3A_414[%gather3A_469] in [0] : vector<16xf32>, vector<16xi32> -> vector<16xf32>
        %gather3A_471 = vector.shape_cast %broadcast_in_dim3A_12 : vector<16x1xi32> to vector<16xi32>
        %gather3A_472 = tpu.dynamic_gather %select_n3A_426[%gather3A_471] in [0] : vector<16xf32>, vector<16xi32> -> vector<16xf32>
        %select_n3A_473 = arith.select %eq3A_32, %select_n3A_414, %gather3A_472 : vector<16xi1>, vector<16xf32>
        %select_n3A_474 = arith.select %eq3A_32, %gather3A_470, %select_n3A_426 : vector<16xi1>, vector<16xf32>
        %gather3A_475 = vector.shape_cast %broadcast_in_dim3A_12 : vector<16x1xi32> to vector<16xi32>
        %gather3A_476 = tpu.dynamic_gather %select_n3A_420[%gather3A_475] in [0] : vector<16xf32>, vector<16xi32> -> vector<16xf32>
        %gather3A_477 = vector.shape_cast %broadcast_in_dim3A_12 : vector<16x1xi32> to vector<16xi32>
        %gather3A_478 = tpu.dynamic_gather %select_n3A_432[%gather3A_477] in [0] : vector<16xf32>, vector<16xi32> -> vector<16xf32>
        %select_n3A_479 = arith.select %eq3A_32, %select_n3A_420, %gather3A_478 : vector<16xi1>, vector<16xf32>
        %select_n3A_480 = arith.select %eq3A_32, %gather3A_476, %select_n3A_432 : vector<16xi1>, vector<16xf32>
        %gather3A_481 = vector.shape_cast %broadcast_in_dim3A_12 : vector<16x1xi32> to vector<16xi32>
        %gather3A_482 = tpu.dynamic_gather %select_n3A_437[%gather3A_481] in [0] : vector<16xf32>, vector<16xi32> -> vector<16xf32>
        %gather3A_483 = vector.shape_cast %broadcast_in_dim3A_12 : vector<16x1xi32> to vector<16xi32>
        %gather3A_484 = tpu.dynamic_gather %select_n3A_449[%gather3A_483] in [0] : vector<16xf32>, vector<16xi32> -> vector<16xf32>
        %select_n3A_485 = arith.select %eq3A_32, %select_n3A_437, %gather3A_484 : vector<16xi1>, vector<16xf32>
        %select_n3A_486 = arith.select %eq3A_32, %gather3A_482, %select_n3A_449 : vector<16xi1>, vector<16xf32>
        %gather3A_487 = vector.shape_cast %broadcast_in_dim3A_12 : vector<16x1xi32> to vector<16xi32>
        %gather3A_488 = tpu.dynamic_gather %select_n3A_443[%gather3A_487] in [0] : vector<16xf32>, vector<16xi32> -> vector<16xf32>
        %gather3A_489 = vector.shape_cast %broadcast_in_dim3A_12 : vector<16x1xi32> to vector<16xi32>
        %gather3A_490 = tpu.dynamic_gather %select_n3A_455[%gather3A_489] in [0] : vector<16xf32>, vector<16xi32> -> vector<16xf32>
        %select_n3A_491 = arith.select %eq3A_32, %select_n3A_443, %gather3A_490 : vector<16xi1>, vector<16xf32>
        %select_n3A_492 = arith.select %eq3A_32, %gather3A_488, %select_n3A_455 : vector<16xi1>, vector<16xf32>
        %gather3A_493 = vector.shape_cast %broadcast_in_dim3A_12 : vector<16x1xi32> to vector<16xi32>
        %gather3A_494 = tpu.dynamic_gather %select_n3A_438[%gather3A_493] in [0] : vector<16xf32>, vector<16xi32> -> vector<16xf32>
        %gather3A_495 = vector.shape_cast %broadcast_in_dim3A_12 : vector<16x1xi32> to vector<16xi32>
        %gather3A_496 = tpu.dynamic_gather %select_n3A_450[%gather3A_495] in [0] : vector<16xf32>, vector<16xi32> -> vector<16xf32>
        %select_n3A_497 = arith.select %eq3A_32, %select_n3A_438, %gather3A_496 : vector<16xi1>, vector<16xf32>
        %select_n3A_498 = arith.select %eq3A_32, %gather3A_494, %select_n3A_450 : vector<16xi1>, vector<16xf32>
        %gather3A_499 = vector.shape_cast %broadcast_in_dim3A_12 : vector<16x1xi32> to vector<16xi32>
        %gather3A_500 = tpu.dynamic_gather %select_n3A_444[%gather3A_499] in [0] : vector<16xf32>, vector<16xi32> -> vector<16xf32>
        %gather3A_501 = vector.shape_cast %broadcast_in_dim3A_12 : vector<16x1xi32> to vector<16xi32>
        %gather3A_502 = tpu.dynamic_gather %select_n3A_456[%gather3A_501] in [0] : vector<16xf32>, vector<16xi32> -> vector<16xf32>
        %select_n3A_503 = arith.select %eq3A_32, %select_n3A_444, %gather3A_502 : vector<16xi1>, vector<16xf32>
        %select_n3A_504 = arith.select %eq3A_32, %gather3A_500, %select_n3A_456 : vector<16xi1>, vector<16xf32>
        %gather3A_505 = vector.shape_cast %broadcast_in_dim3A_16 : vector<16x1xi32> to vector<16xi32>
        %gather3A_506 = tpu.dynamic_gather %select_n3A_461[%gather3A_505] in [0] : vector<16xf32>, vector<16xi32> -> vector<16xf32>
        %gather3A_507 = vector.shape_cast %broadcast_in_dim3A_16 : vector<16x1xi32> to vector<16xi32>
        %gather3A_508 = tpu.dynamic_gather %select_n3A_485[%gather3A_507] in [0] : vector<16xf32>, vector<16xi32> -> vector<16xf32>
        %select_n3A_509 = arith.select %eq3A_38, %select_n3A_461, %gather3A_508 : vector<16xi1>, vector<16xf32>
        %select_n3A_510 = arith.select %eq3A_38, %gather3A_506, %select_n3A_485 : vector<16xi1>, vector<16xf32>
        %gather3A_511 = vector.shape_cast %broadcast_in_dim3A_16 : vector<16x1xi32> to vector<16xi32>
        %gather3A_512 = tpu.dynamic_gather %select_n3A_467[%gather3A_511] in [0] : vector<16xf32>, vector<16xi32> -> vector<16xf32>
        %gather3A_513 = vector.shape_cast %broadcast_in_dim3A_16 : vector<16x1xi32> to vector<16xi32>
        %gather3A_514 = tpu.dynamic_gather %select_n3A_491[%gather3A_513] in [0] : vector<16xf32>, vector<16xi32> -> vector<16xf32>
        %select_n3A_515 = arith.select %eq3A_38, %select_n3A_467, %gather3A_514 : vector<16xi1>, vector<16xf32>
        %select_n3A_516 = arith.select %eq3A_38, %gather3A_512, %select_n3A_491 : vector<16xi1>, vector<16xf32>
        %gather3A_517 = vector.shape_cast %broadcast_in_dim3A_16 : vector<16x1xi32> to vector<16xi32>
        %gather3A_518 = tpu.dynamic_gather %select_n3A_473[%gather3A_517] in [0] : vector<16xf32>, vector<16xi32> -> vector<16xf32>
        %gather3A_519 = vector.shape_cast %broadcast_in_dim3A_16 : vector<16x1xi32> to vector<16xi32>
        %gather3A_520 = tpu.dynamic_gather %select_n3A_497[%gather3A_519] in [0] : vector<16xf32>, vector<16xi32> -> vector<16xf32>
        %select_n3A_521 = arith.select %eq3A_38, %select_n3A_473, %gather3A_520 : vector<16xi1>, vector<16xf32>
        %select_n3A_522 = arith.select %eq3A_38, %gather3A_518, %select_n3A_497 : vector<16xi1>, vector<16xf32>
        %gather3A_523 = vector.shape_cast %broadcast_in_dim3A_16 : vector<16x1xi32> to vector<16xi32>
        %gather3A_524 = tpu.dynamic_gather %select_n3A_479[%gather3A_523] in [0] : vector<16xf32>, vector<16xi32> -> vector<16xf32>
        %gather3A_525 = vector.shape_cast %broadcast_in_dim3A_16 : vector<16x1xi32> to vector<16xi32>
        %gather3A_526 = tpu.dynamic_gather %select_n3A_503[%gather3A_525] in [0] : vector<16xf32>, vector<16xi32> -> vector<16xf32>
        %select_n3A_527 = arith.select %eq3A_38, %select_n3A_479, %gather3A_526 : vector<16xi1>, vector<16xf32>
        %select_n3A_528 = arith.select %eq3A_38, %gather3A_524, %select_n3A_503 : vector<16xi1>, vector<16xf32>
        %gather3A_529 = vector.shape_cast %broadcast_in_dim3A_16 : vector<16x1xi32> to vector<16xi32>
        %gather3A_530 = tpu.dynamic_gather %select_n3A_462[%gather3A_529] in [0] : vector<16xf32>, vector<16xi32> -> vector<16xf32>
        %gather3A_531 = vector.shape_cast %broadcast_in_dim3A_16 : vector<16x1xi32> to vector<16xi32>
        %gather3A_532 = tpu.dynamic_gather %select_n3A_486[%gather3A_531] in [0] : vector<16xf32>, vector<16xi32> -> vector<16xf32>
        %select_n3A_533 = arith.select %eq3A_38, %select_n3A_462, %gather3A_532 : vector<16xi1>, vector<16xf32>
        %select_n3A_534 = arith.select %eq3A_38, %gather3A_530, %select_n3A_486 : vector<16xi1>, vector<16xf32>
        %gather3A_535 = vector.shape_cast %broadcast_in_dim3A_16 : vector<16x1xi32> to vector<16xi32>
        %gather3A_536 = tpu.dynamic_gather %select_n3A_468[%gather3A_535] in [0] : vector<16xf32>, vector<16xi32> -> vector<16xf32>
        %gather3A_537 = vector.shape_cast %broadcast_in_dim3A_16 : vector<16x1xi32> to vector<16xi32>
        %gather3A_538 = tpu.dynamic_gather %select_n3A_492[%gather3A_537] in [0] : vector<16xf32>, vector<16xi32> -> vector<16xf32>
        %select_n3A_539 = arith.select %eq3A_38, %select_n3A_468, %gather3A_538 : vector<16xi1>, vector<16xf32>
        %select_n3A_540 = arith.select %eq3A_38, %gather3A_536, %select_n3A_492 : vector<16xi1>, vector<16xf32>
        %gather3A_541 = vector.shape_cast %broadcast_in_dim3A_16 : vector<16x1xi32> to vector<16xi32>
        %gather3A_542 = tpu.dynamic_gather %select_n3A_474[%gather3A_541] in [0] : vector<16xf32>, vector<16xi32> -> vector<16xf32>
        %gather3A_543 = vector.shape_cast %broadcast_in_dim3A_16 : vector<16x1xi32> to vector<16xi32>
        %gather3A_544 = tpu.dynamic_gather %select_n3A_498[%gather3A_543] in [0] : vector<16xf32>, vector<16xi32> -> vector<16xf32>
        %select_n3A_545 = arith.select %eq3A_38, %select_n3A_474, %gather3A_544 : vector<16xi1>, vector<16xf32>
        %select_n3A_546 = arith.select %eq3A_38, %gather3A_542, %select_n3A_498 : vector<16xi1>, vector<16xf32>
        %gather3A_547 = vector.shape_cast %broadcast_in_dim3A_16 : vector<16x1xi32> to vector<16xi32>
        %gather3A_548 = tpu.dynamic_gather %select_n3A_480[%gather3A_547] in [0] : vector<16xf32>, vector<16xi32> -> vector<16xf32>
        %gather3A_549 = vector.shape_cast %broadcast_in_dim3A_16 : vector<16x1xi32> to vector<16xi32>
        %gather3A_550 = tpu.dynamic_gather %select_n3A_504[%gather3A_549] in [0] : vector<16xf32>, vector<16xi32> -> vector<16xf32>
        %select_n3A_551 = arith.select %eq3A_38, %select_n3A_480, %gather3A_550 : vector<16xi1>, vector<16xf32>
        %select_n3A_552 = arith.select %eq3A_38, %gather3A_548, %select_n3A_504 : vector<16xi1>, vector<16xf32>
        %swap3A = arith.constant 0 : i32
        %swap3A_553 = arith.index_cast %swap3A : i32 to index
        %swap3A_554 = arith.index_cast %mul3A_267 : i32 to index
        %swap3A_555 = tpu.vector_load %arg10[%swap3A_553, %swap3A_554] {strides = array<i32>} : memref<32x512xf32, #tpu.memory_space<vmem>>, vector<1x16xf32>,
        %swap3A_556 = vector.shape_cast %swap3A_555 : vector<1x16xf32> to vector<16xf32>
        %swap3A_557 = vector.shape_cast %select_n3A_509 : vector<16xf32> to vector<1x16xf32>
        tpu.vector_store %arg10[%swap3A_553, %swap3A_554], %swap3A_557 {strides = array<i32>} : memref<32x512xf32, #tpu.memory_space<vmem>>, vector<1x16xf32>,
        %swap3A_558 = arith.constant 1 : i32
        %swap3A_559 = arith.index_cast %swap3A_558 : i32 to index
        %swap3A_560 = arith.index_cast %mul3A_267 : i32 to index
        %swap3A_561 = tpu.vector_load %arg10[%swap3A_559, %swap3A_560] {strides = array<i32>} : memref<32x512xf32, #tpu.memory_space<vmem>>, vector<1x16xf32>,
        %swap3A_562 = vector.shape_cast %swap3A_561 : vector<1x16xf32> to vector<16xf32>
        %swap3A_563 = vector.shape_cast %select_n3A_515 : vector<16xf32> to vector<1x16xf32>
        tpu.vector_store %arg10[%swap3A_559, %swap3A_560], %swap3A_563 {strides = array<i32>} : memref<32x512xf32, #tpu.memory_space<vmem>>, vector<1x16xf32>,
        %swap3A_564 = arith.constant 2 : i32
        %swap3A_565 = arith.index_cast %swap3A_564 : i32 to index
        %swap3A_566 = arith.index_cast %mul3A_267 : i32 to index
        %swap3A_567 = tpu.vector_load %arg10[%swap3A_565, %swap3A_566] {strides = array<i32>} : memref<32x512xf32, #tpu.memory_space<vmem>>, vector<1x16xf32>,
        %swap3A_568 = vector.shape_cast %swap3A_567 : vector<1x16xf32> to vector<16xf32>
        %swap3A_569 = vector.shape_cast %select_n3A_521 : vector<16xf32> to vector<1x16xf32>
        tpu.vector_store %arg10[%swap3A_565, %swap3A_566], %swap3A_569 {strides = array<i32>} : memref<32x512xf32, #tpu.memory_space<vmem>>, vector<1x16xf32>,
        %swap3A_570 = arith.constant 3 : i32
        %swap3A_571 = arith.index_cast %swap3A_570 : i32 to index
        %swap3A_572 = arith.index_cast %mul3A_267 : i32 to index
        %swap3A_573 = tpu.vector_load %arg10[%swap3A_571, %swap3A_572] {strides = array<i32>} : memref<32x512xf32, #tpu.memory_space<vmem>>, vector<1x16xf32>,
        %swap3A_574 = vector.shape_cast %swap3A_573 : vector<1x16xf32> to vector<16xf32>
        %swap3A_575 = vector.shape_cast %select_n3A_527 : vector<16xf32> to vector<1x16xf32>
        tpu.vector_store %arg10[%swap3A_571, %swap3A_572], %swap3A_575 {strides = array<i32>} : memref<32x512xf32, #tpu.memory_space<vmem>>, vector<1x16xf32>,
        %swap3A_576 = arith.constant 4 : i32
        %swap3A_577 = arith.index_cast %swap3A_576 : i32 to index
        %swap3A_578 = arith.index_cast %mul3A_267 : i32 to index
        %swap3A_579 = tpu.vector_load %arg10[%swap3A_577, %swap3A_578] {strides = array<i32>} : memref<32x512xf32, #tpu.memory_space<vmem>>, vector<1x16xf32>,
        %swap3A_580 = vector.shape_cast %swap3A_579 : vector<1x16xf32> to vector<16xf32>
        %swap3A_581 = vector.shape_cast %select_n3A_533 : vector<16xf32> to vector<1x16xf32>
        tpu.vector_store %arg10[%swap3A_577, %swap3A_578], %swap3A_581 {strides = array<i32>} : memref<32x512xf32, #tpu.memory_space<vmem>>, vector<1x16xf32>,
        %swap3A_582 = arith.constant 5 : i32
        %swap3A_583 = arith.index_cast %swap3A_582 : i32 to index
        %swap3A_584 = arith.index_cast %mul3A_267 : i32 to index
        %swap3A_585 = tpu.vector_load %arg10[%swap3A_583, %swap3A_584] {strides = array<i32>} : memref<32x512xf32, #tpu.memory_space<vmem>>, vector<1x16xf32>,
        %swap3A_586 = vector.shape_cast %swap3A_585 : vector<1x16xf32> to vector<16xf32>
        %swap3A_587 = vector.shape_cast %select_n3A_539 : vector<16xf32> to vector<1x16xf32>
        tpu.vector_store %arg10[%swap3A_583, %swap3A_584], %swap3A_587 {strides = array<i32>} : memref<32x512xf32, #tpu.memory_space<vmem>>, vector<1x16xf32>,
        %swap3A_588 = arith.constant 6 : i32
        %swap3A_589 = arith.index_cast %swap3A_588 : i32 to index
        %swap3A_590 = arith.index_cast %mul3A_267 : i32 to index
        %swap3A_591 = tpu.vector_load %arg10[%swap3A_589, %swap3A_590] {strides = array<i32>} : memref<32x512xf32, #tpu.memory_space<vmem>>, vector<1x16xf32>,
        %swap3A_592 = vector.shape_cast %swap3A_591 : vector<1x16xf32> to vector<16xf32>
        %swap3A_593 = vector.shape_cast %select_n3A_545 : vector<16xf32> to vector<1x16xf32>
        tpu.vector_store %arg10[%swap3A_589, %swap3A_590], %swap3A_593 {strides = array<i32>} : memref<32x512xf32, #tpu.memory_space<vmem>>, vector<1x16xf32>,
        %swap3A_594 = arith.constant 7 : i32
        %swap3A_595 = arith.index_cast %swap3A_594 : i32 to index
        %swap3A_596 = arith.index_cast %mul3A_267 : i32 to index
        %swap3A_597 = tpu.vector_load %arg10[%swap3A_595, %swap3A_596] {strides = array<i32>} : memref<32x512xf32, #tpu.memory_space<vmem>>, vector<1x16xf32>,
        %swap3A_598 = vector.shape_cast %swap3A_597 : vector<1x16xf32> to vector<16xf32>
        %swap3A_599 = vector.shape_cast %select_n3A_551 : vector<16xf32> to vector<1x16xf32>
        tpu.vector_store %arg10[%swap3A_595, %swap3A_596], %swap3A_599 {strides = array<i32>} : memref<32x512xf32, #tpu.memory_space<vmem>>, vector<1x16xf32>,
        %swap3A_600 = arith.constant 8 : i32
        %swap3A_601 = arith.index_cast %swap3A_600 : i32 to index
        %swap3A_602 = arith.index_cast %mul3A_267 : i32 to index
        %swap3A_603 = tpu.vector_load %arg10[%swap3A_601, %swap3A_602] {strides = array<i32>} : memref<32x512xf32, #tpu.memory_space<vmem>>, vector<1x16xf32>,
        %swap3A_604 = vector.shape_cast %swap3A_603 : vector<1x16xf32> to vector<16xf32>
        %swap3A_605 = vector.shape_cast %select_n3A_510 : vector<16xf32> to vector<1x16xf32>
        tpu.vector_store %arg10[%swap3A_601, %swap3A_602], %swap3A_605 {strides = array<i32>} : memref<32x512xf32, #tpu.memory_space<vmem>>, vector<1x16xf32>,
        %swap3A_606 = arith.constant 9 : i32
        %swap3A_607 = arith.index_cast %swap3A_606 : i32 to index
        %swap3A_608 = arith.index_cast %mul3A_267 : i32 to index
        %swap3A_609 = tpu.vector_load %arg10[%swap3A_607, %swap3A_608] {strides = array<i32>} : memref<32x512xf32, #tpu.memory_space<vmem>>, vector<1x16xf32>,
        %swap3A_610 = vector.shape_cast %swap3A_609 : vector<1x16xf32> to vector<16xf32>
        %swap3A_611 = vector.shape_cast %select_n3A_516 : vector<16xf32> to vector<1x16xf32>
        tpu.vector_store %arg10[%swap3A_607, %swap3A_608], %swap3A_611 {strides = array<i32>} : memref<32x512xf32, #tpu.memory_space<vmem>>, vector<1x16xf32>,
        %swap3A_612 = arith.constant 10 : i32
        %swap3A_613 = arith.index_cast %swap3A_612 : i32 to index
        %swap3A_614 = arith.index_cast %mul3A_267 : i32 to index
        %swap3A_615 = tpu.vector_load %arg10[%swap3A_613, %swap3A_614] {strides = array<i32>} : memref<32x512xf32, #tpu.memory_space<vmem>>, vector<1x16xf32>,
        %swap3A_616 = vector.shape_cast %swap3A_615 : vector<1x16xf32> to vector<16xf32>
        %swap3A_617 = vector.shape_cast %select_n3A_522 : vector<16xf32> to vector<1x16xf32>
        tpu.vector_store %arg10[%swap3A_613, %swap3A_614], %swap3A_617 {strides = array<i32>} : memref<32x512xf32, #tpu.memory_space<vmem>>, vector<1x16xf32>,
        %swap3A_618 = arith.constant 11 : i32
        %swap3A_619 = arith.index_cast %swap3A_618 : i32 to index
        %swap3A_620 = arith.index_cast %mul3A_267 : i32 to index
        %swap3A_621 = tpu.vector_load %arg10[%swap3A_619, %swap3A_620] {strides = array<i32>} : memref<32x512xf32, #tpu.memory_space<vmem>>, vector<1x16xf32>,
        %swap3A_622 = vector.shape_cast %swap3A_621 : vector<1x16xf32> to vector<16xf32>
        %swap3A_623 = vector.shape_cast %select_n3A_528 : vector<16xf32> to vector<1x16xf32>
        tpu.vector_store %arg10[%swap3A_619, %swap3A_620], %swap3A_623 {strides = array<i32>} : memref<32x512xf32, #tpu.memory_space<vmem>>, vector<1x16xf32>,
        %swap3A_624 = arith.constant 12 : i32
        %swap3A_625 = arith.index_cast %swap3A_624 : i32 to index
        %swap3A_626 = arith.index_cast %mul3A_267 : i32 to index
        %swap3A_627 = tpu.vector_load %arg10[%swap3A_625, %swap3A_626] {strides = array<i32>} : memref<32x512xf32, #tpu.memory_space<vmem>>, vector<1x16xf32>,
        %swap3A_628 = vector.shape_cast %swap3A_627 : vector<1x16xf32> to vector<16xf32>
        %swap3A_629 = vector.shape_cast %select_n3A_534 : vector<16xf32> to vector<1x16xf32>
        tpu.vector_store %arg10[%swap3A_625, %swap3A_626], %swap3A_629 {strides = array<i32>} : memref<32x512xf32, #tpu.memory_space<vmem>>, vector<1x16xf32>,
        %swap3A_630 = arith.constant 13 : i32
        %swap3A_631 = arith.index_cast %swap3A_630 : i32 to index
        %swap3A_632 = arith.index_cast %mul3A_267 : i32 to index
        %swap3A_633 = tpu.vector_load %arg10[%swap3A_631, %swap3A_632] {strides = array<i32>} : memref<32x512xf32, #tpu.memory_space<vmem>>, vector<1x16xf32>,
        %swap3A_634 = vector.shape_cast %swap3A_633 : vector<1x16xf32> to vector<16xf32>
        %swap3A_635 = vector.shape_cast %select_n3A_540 : vector<16xf32> to vector<1x16xf32>
        tpu.vector_store %arg10[%swap3A_631, %swap3A_632], %swap3A_635 {strides = array<i32>} : memref<32x512xf32, #tpu.memory_space<vmem>>, vector<1x16xf32>,
        %swap3A_636 = arith.constant 14 : i32
        %swap3A_637 = arith.index_cast %swap3A_636 : i32 to index
        %swap3A_638 = arith.index_cast %mul3A_267 : i32 to index
        %swap3A_639 = tpu.vector_load %arg10[%swap3A_637, %swap3A_638] {strides = array<i32>} : memref<32x512xf32, #tpu.memory_space<vmem>>, vector<1x16xf32>,
        %swap3A_640 = vector.shape_cast %swap3A_639 : vector<1x16xf32> to vector<16xf32>
        %swap3A_641 = vector.shape_cast %select_n3A_546 : vector<16xf32> to vector<1x16xf32>
        tpu.vector_store %arg10[%swap3A_637, %swap3A_638], %swap3A_641 {strides = array<i32>} : memref<32x512xf32, #tpu.memory_space<vmem>>, vector<1x16xf32>,
        %swap3A_642 = arith.constant 15 : i32
        %swap3A_643 = arith.index_cast %swap3A_642 : i32 to index
        %swap3A_644 = arith.index_cast %mul3A_267 : i32 to index
        %swap3A_645 = tpu.vector_load %arg10[%swap3A_643, %swap3A_644] {strides = array<i32>} : memref<32x512xf32, #tpu.memory_space<vmem>>, vector<1x16xf32>,
        %swap3A_646 = vector.shape_cast %swap3A_645 : vector<1x16xf32> to vector<16xf32>
        %swap3A_647 = vector.shape_cast %select_n3A_552 : vector<16xf32> to vector<1x16xf32>
        tpu.vector_store %arg10[%swap3A_643, %swap3A_644], %swap3A_647 {strides = array<i32>} : memref<32x512xf32, #tpu.memory_space<vmem>>, vector<1x16xf32>,
        %add3A_648 = arith.constant 0 : i32
        %add3A_649 = arith.addi %mul3A_267, %add3A_648 : i32
        %get3A_650 = arith.index_cast %add3A_649 : i32 to index
        %get3A_651 = arith.constant 16 : index
        %get3A_652 = tpu.vector_load %arg8[%get3A_650, %get3A_651] {strides = array<i32>} : memref<512x32xf32, #tpu.memory_space<vmem>>, vector<1x16xf32>,
        %get3A_653 = vector.shape_cast %get3A_652 : vector<1x16xf32> to vector<16xf32>
        %add3A_654 = arith.constant 1 : i32
        %add3A_655 = arith.addi %mul3A_267, %add3A_654 : i32
        %get3A_656 = arith.index_cast %add3A_655 : i32 to index
        %get3A_657 = arith.constant 16 : index
        %get3A_658 = tpu.vector_load %arg8[%get3A_656, %get3A_657] {strides = array<i32>} : memref<512x32xf32, #tpu.memory_space<vmem>>, vector<1x16xf32>,
        %get3A_659 = vector.shape_cast %get3A_658 : vector<1x16xf32> to vector<16xf32>
        %add3A_660 = arith.constant 2 : i32
        %add3A_661 = arith.addi %mul3A_267, %add3A_660 : i32
        %get3A_662 = arith.index_cast %add3A_661 : i32 to index
        %get3A_663 = arith.constant 16 : index
        %get3A_664 = tpu.vector_load %arg8[%get3A_662, %get3A_663] {strides = array<i32>} : memref<512x32xf32, #tpu.memory_space<vmem>>, vector<1x16xf32>,
        %get3A_665 = vector.shape_cast %get3A_664 : vector<1x16xf32> to vector<16xf32>
        %add3A_666 = arith.constant 3 : i32
        %add3A_667 = arith.addi %mul3A_267, %add3A_666 : i32
        %get3A_668 = arith.index_cast %add3A_667 : i32 to index
        %get3A_669 = arith.constant 16 : index
        %get3A_670 = tpu.vector_load %arg8[%get3A_668, %get3A_669] {strides = array<i32>} : memref<512x32xf32, #tpu.memory_space<vmem>>, vector<1x16xf32>,
        %get3A_671 = vector.shape_cast %get3A_670 : vector<1x16xf32> to vector<16xf32>
        %add3A_672 = arith.constant 4 : i32
        %add3A_673 = arith.addi %mul3A_267, %add3A_672 : i32
        %get3A_674 = arith.index_cast %add3A_673 : i32 to index
        %get3A_675 = arith.constant 16 : index
        %get3A_676 = tpu.vector_load %arg8[%get3A_674, %get3A_675] {strides = array<i32>} : memref<512x32xf32, #tpu.memory_space<vmem>>, vector<1x16xf32>,
        %get3A_677 = vector.shape_cast %get3A_676 : vector<1x16xf32> to vector<16xf32>
        %add3A_678 = arith.constant 5 : i32
        %add3A_679 = arith.addi %mul3A_267, %add3A_678 : i32
        %get3A_680 = arith.index_cast %add3A_679 : i32 to index
        %get3A_681 = arith.constant 16 : index
        %get3A_682 = tpu.vector_load %arg8[%get3A_680, %get3A_681] {strides = array<i32>} : memref<512x32xf32, #tpu.memory_space<vmem>>, vector<1x16xf32>,
        %get3A_683 = vector.shape_cast %get3A_682 : vector<1x16xf32> to vector<16xf32>
        %add3A_684 = arith.constant 6 : i32
        %add3A_685 = arith.addi %mul3A_267, %add3A_684 : i32
        %get3A_686 = arith.index_cast %add3A_685 : i32 to index
        %get3A_687 = arith.constant 16 : index
        %get3A_688 = tpu.vector_load %arg8[%get3A_686, %get3A_687] {strides = array<i32>} : memref<512x32xf32, #tpu.memory_space<vmem>>, vector<1x16xf32>,
        %get3A_689 = vector.shape_cast %get3A_688 : vector<1x16xf32> to vector<16xf32>
        %add3A_690 = arith.constant 7 : i32
        %add3A_691 = arith.addi %mul3A_267, %add3A_690 : i32
        %get3A_692 = arith.index_cast %add3A_691 : i32 to index
        %get3A_693 = arith.constant 16 : index
        %get3A_694 = tpu.vector_load %arg8[%get3A_692, %get3A_693] {strides = array<i32>} : memref<512x32xf32, #tpu.memory_space<vmem>>, vector<1x16xf32>,
        %get3A_695 = vector.shape_cast %get3A_694 : vector<1x16xf32> to vector<16xf32>
        %add3A_696 = arith.constant 8 : i32
        %add3A_697 = arith.addi %mul3A_267, %add3A_696 : i32
        %get3A_698 = arith.index_cast %add3A_697 : i32 to index
        %get3A_699 = arith.constant 16 : index
        %get3A_700 = tpu.vector_load %arg8[%get3A_698, %get3A_699] {strides = array<i32>} : memref<512x32xf32, #tpu.memory_space<vmem>>, vector<1x16xf32>,
        %get3A_701 = vector.shape_cast %get3A_700 : vector<1x16xf32> to vector<16xf32>
        %add3A_702 = arith.constant 9 : i32
        %add3A_703 = arith.addi %mul3A_267, %add3A_702 : i32
        %get3A_704 = arith.index_cast %add3A_703 : i32 to index
        %get3A_705 = arith.constant 16 : index
        %get3A_706 = tpu.vector_load %arg8[%get3A_704, %get3A_705] {strides = array<i32>} : memref<512x32xf32, #tpu.memory_space<vmem>>, vector<1x16xf32>,
        %get3A_707 = vector.shape_cast %get3A_706 : vector<1x16xf32> to vector<16xf32>
        %add3A_708 = arith.constant 10 : i32
        %add3A_709 = arith.addi %mul3A_267, %add3A_708 : i32
        %get3A_710 = arith.index_cast %add3A_709 : i32 to index
        %get3A_711 = arith.constant 16 : index
        %get3A_712 = tpu.vector_load %arg8[%get3A_710, %get3A_711] {strides = array<i32>} : memref<512x32xf32, #tpu.memory_space<vmem>>, vector<1x16xf32>,
        %get3A_713 = vector.shape_cast %get3A_712 : vector<1x16xf32> to vector<16xf32>
        %add3A_714 = arith.constant 11 : i32
        %add3A_715 = arith.addi %mul3A_267, %add3A_714 : i32
        %get3A_716 = arith.index_cast %add3A_715 : i32 to index
        %get3A_717 = arith.constant 16 : index
        %get3A_718 = tpu.vector_load %arg8[%get3A_716, %get3A_717] {strides = array<i32>} : memref<512x32xf32, #tpu.memory_space<vmem>>, vector<1x16xf32>,
        %get3A_719 = vector.shape_cast %get3A_718 : vector<1x16xf32> to vector<16xf32>
        %add3A_720 = arith.constant 12 : i32
        %add3A_721 = arith.addi %mul3A_267, %add3A_720 : i32
        %get3A_722 = arith.index_cast %add3A_721 : i32 to index
        %get3A_723 = arith.constant 16 : index
        %get3A_724 = tpu.vector_load %arg8[%get3A_722, %get3A_723] {strides = array<i32>} : memref<512x32xf32, #tpu.memory_space<vmem>>, vector<1x16xf32>,
        %get3A_725 = vector.shape_cast %get3A_724 : vector<1x16xf32> to vector<16xf32>
        %add3A_726 = arith.constant 13 : i32
        %add3A_727 = arith.addi %mul3A_267, %add3A_726 : i32
        %get3A_728 = arith.index_cast %add3A_727 : i32 to index
        %get3A_729 = arith.constant 16 : index
        %get3A_730 = tpu.vector_load %arg8[%get3A_728, %get3A_729] {strides = array<i32>} : memref<512x32xf32, #tpu.memory_space<vmem>>, vector<1x16xf32>,
        %get3A_731 = vector.shape_cast %get3A_730 : vector<1x16xf32> to vector<16xf32>
        %add3A_732 = arith.constant 14 : i32
        %add3A_733 = arith.addi %mul3A_267, %add3A_732 : i32
        %get3A_734 = arith.index_cast %add3A_733 : i32 to index
        %get3A_735 = arith.constant 16 : index
        %get3A_736 = tpu.vector_load %arg8[%get3A_734, %get3A_735] {strides = array<i32>} : memref<512x32xf32, #tpu.memory_space<vmem>>, vector<1x16xf32>,
        %get3A_737 = vector.shape_cast %get3A_736 : vector<1x16xf32> to vector<16xf32>
        %add3A_738 = arith.constant 15 : i32
        %add3A_739 = arith.addi %mul3A_267, %add3A_738 : i32
        %get3A_740 = arith.index_cast %add3A_739 : i32 to index
        %get3A_741 = arith.constant 16 : index
        %get3A_742 = tpu.vector_load %arg8[%get3A_740, %get3A_741] {strides = array<i32>} : memref<512x32xf32, #tpu.memory_space<vmem>>, vector<1x16xf32>,
        %get3A_743 = vector.shape_cast %get3A_742 : vector<1x16xf32> to vector<16xf32>
        %gather3A_744 = vector.shape_cast %broadcast_in_dim3A : vector<16x1xi32> to vector<16xi32>
        %gather3A_745 = tpu.dynamic_gather %get3A_653[%gather3A_744] in [0] : vector<16xf32>, vector<16xi32> -> vector<16xf32>
        %gather3A_746 = vector.shape_cast %broadcast_in_dim3A : vector<16x1xi32> to vector<16xi32>
        %gather3A_747 = tpu.dynamic_gather %get3A_659[%gather3A_746] in [0] : vector<16xf32>, vector<16xi32> -> vector<16xf32>
        %select_n3A_748 = arith.select %eq3A_20, %get3A_653, %gather3A_747 : vector<16xi1>, vector<16xf32>
        %select_n3A_749 = arith.select %eq3A_20, %gather3A_745, %get3A_659 : vector<16xi1>, vector<16xf32>
        %gather3A_750 = vector.shape_cast %broadcast_in_dim3A : vector<16x1xi32> to vector<16xi32>
        %gather3A_751 = tpu.dynamic_gather %get3A_665[%gather3A_750] in [0] : vector<16xf32>, vector<16xi32> -> vector<16xf32>
        %gather3A_752 = vector.shape_cast %broadcast_in_dim3A : vector<16x1xi32> to vector<16xi32>
        %gather3A_753 = tpu.dynamic_gather %get3A_671[%gather3A_752] in [0] : vector<16xf32>, vector<16xi32> -> vector<16xf32>
        %select_n3A_754 = arith.select %eq3A_20, %get3A_665, %gather3A_753 : vector<16xi1>, vector<16xf32>
        %select_n3A_755 = arith.select %eq3A_20, %gather3A_751, %get3A_671 : vector<16xi1>, vector<16xf32>
        %gather3A_756 = vector.shape_cast %broadcast_in_dim3A : vector<16x1xi32> to vector<16xi32>
        %gather3A_757 = tpu.dynamic_gather %get3A_677[%gather3A_756] in [0] : vector<16xf32>, vector<16xi32> -> vector<16xf32>
        %gather3A_758 = vector.shape_cast %broadcast_in_dim3A : vector<16x1xi32> to vector<16xi32>
        %gather3A_759 = tpu.dynamic_gather %get3A_683[%gather3A_758] in [0] : vector<16xf32>, vector<16xi32> -> vector<16xf32>
        %select_n3A_760 = arith.select %eq3A_20, %get3A_677, %gather3A_759 : vector<16xi1>, vector<16xf32>
        %select_n3A_761 = arith.select %eq3A_20, %gather3A_757, %get3A_683 : vector<16xi1>, vector<16xf32>
        %gather3A_762 = vector.shape_cast %broadcast_in_dim3A : vector<16x1xi32> to vector<16xi32>
        %gather3A_763 = tpu.dynamic_gather %get3A_689[%gather3A_762] in [0] : vector<16xf32>, vector<16xi32> -> vector<16xf32>
        %gather3A_764 = vector.shape_cast %broadcast_in_dim3A : vector<16x1xi32> to vector<16xi32>
        %gather3A_765 = tpu.dynamic_gather %get3A_695[%gather3A_764] in [0] : vector<16xf32>, vector<16xi32> -> vector<16xf32>
        %select_n3A_766 = arith.select %eq3A_20, %get3A_689, %gather3A_765 : vector<16xi1>, vector<16xf32>
        %select_n3A_767 = arith.select %eq3A_20, %gather3A_763, %get3A_695 : vector<16xi1>, vector<16xf32>
        %gather3A_768 = vector.shape_cast %broadcast_in_dim3A : vector<16x1xi32> to vector<16xi32>
        %gather3A_769 = tpu.dynamic_gather %get3A_701[%gather3A_768] in [0] : vector<16xf32>, vector<16xi32> -> vector<16xf32>
        %gather3A_770 = vector.shape_cast %broadcast_in_dim3A : vector<16x1xi32> to vector<16xi32>
        %gather3A_771 = tpu.dynamic_gather %get3A_707[%gather3A_770] in [0] : vector<16xf32>, vector<16xi32> -> vector<16xf32>
        %select_n3A_772 = arith.select %eq3A_20, %get3A_701, %gather3A_771 : vector<16xi1>, vector<16xf32>
        %select_n3A_773 = arith.select %eq3A_20, %gather3A_769, %get3A_707 : vector<16xi1>, vector<16xf32>
        %gather3A_774 = vector.shape_cast %broadcast_in_dim3A : vector<16x1xi32> to vector<16xi32>
        %gather3A_775 = tpu.dynamic_gather %get3A_713[%gather3A_774] in [0] : vector<16xf32>, vector<16xi32> -> vector<16xf32>
        %gather3A_776 = vector.shape_cast %broadcast_in_dim3A : vector<16x1xi32> to vector<16xi32>
        %gather3A_777 = tpu.dynamic_gather %get3A_719[%gather3A_776] in [0] : vector<16xf32>, vector<16xi32> -> vector<16xf32>
        %select_n3A_778 = arith.select %eq3A_20, %get3A_713, %gather3A_777 : vector<16xi1>, vector<16xf32>
        %select_n3A_779 = arith.select %eq3A_20, %gather3A_775, %get3A_719 : vector<16xi1>, vector<16xf32>
        %gather3A_780 = vector.shape_cast %broadcast_in_dim3A : vector<16x1xi32> to vector<16xi32>
        %gather3A_781 = tpu.dynamic_gather %get3A_725[%gather3A_780] in [0] : vector<16xf32>, vector<16xi32> -> vector<16xf32>
        %gather3A_782 = vector.shape_cast %broadcast_in_dim3A : vector<16x1xi32> to vector<16xi32>
        %gather3A_783 = tpu.dynamic_gather %get3A_731[%gather3A_782] in [0] : vector<16xf32>, vector<16xi32> -> vector<16xf32>
        %select_n3A_784 = arith.select %eq3A_20, %get3A_725, %gather3A_783 : vector<16xi1>, vector<16xf32>
        %select_n3A_785 = arith.select %eq3A_20, %gather3A_781, %get3A_731 : vector<16xi1>, vector<16xf32>
        %gather3A_786 = vector.shape_cast %broadcast_in_dim3A : vector<16x1xi32> to vector<16xi32>
        %gather3A_787 = tpu.dynamic_gather %get3A_737[%gather3A_786] in [0] : vector<16xf32>, vector<16xi32> -> vector<16xf32>
        %gather3A_788 = vector.shape_cast %broadcast_in_dim3A : vector<16x1xi32> to vector<16xi32>
        %gather3A_789 = tpu.dynamic_gather %get3A_743[%gather3A_788] in [0] : vector<16xf32>, vector<16xi32> -> vector<16xf32>
        %select_n3A_790 = arith.select %eq3A_20, %get3A_737, %gather3A_789 : vector<16xi1>, vector<16xf32>
        %select_n3A_791 = arith.select %eq3A_20, %gather3A_787, %get3A_743 : vector<16xi1>, vector<16xf32>
        %gather3A_792 = vector.shape_cast %broadcast_in_dim3A_8 : vector<16x1xi32> to vector<16xi32>
        %gather3A_793 = tpu.dynamic_gather %select_n3A_748[%gather3A_792] in [0] : vector<16xf32>, vector<16xi32> -> vector<16xf32>
        %gather3A_794 = vector.shape_cast %broadcast_in_dim3A_8 : vector<16x1xi32> to vector<16xi32>
        %gather3A_795 = tpu.dynamic_gather %select_n3A_754[%gather3A_794] in [0] : vector<16xf32>, vector<16xi32> -> vector<16xf32>
        %select_n3A_796 = arith.select %eq3A_26, %select_n3A_748, %gather3A_795 : vector<16xi1>, vector<16xf32>
        %select_n3A_797 = arith.select %eq3A_26, %gather3A_793, %select_n3A_754 : vector<16xi1>, vector<16xf32>
        %gather3A_798 = vector.shape_cast %broadcast_in_dim3A_8 : vector<16x1xi32> to vector<16xi32>
        %gather3A_799 = tpu.dynamic_gather %select_n3A_749[%gather3A_798] in [0] : vector<16xf32>, vector<16xi32> -> vector<16xf32>
        %gather3A_800 = vector.shape_cast %broadcast_in_dim3A_8 : vector<16x1xi32> to vector<16xi32>
        %gather3A_801 = tpu.dynamic_gather %select_n3A_755[%gather3A_800] in [0] : vector<16xf32>, vector<16xi32> -> vector<16xf32>
        %select_n3A_802 = arith.select %eq3A_26, %select_n3A_749, %gather3A_801 : vector<16xi1>, vector<16xf32>
        %select_n3A_803 = arith.select %eq3A_26, %gather3A_799, %select_n3A_755 : vector<16xi1>, vector<16xf32>
        %gather3A_804 = vector.shape_cast %broadcast_in_dim3A_8 : vector<16x1xi32> to vector<16xi32>
        %gather3A_805 = tpu.dynamic_gather %select_n3A_760[%gather3A_804] in [0] : vector<16xf32>, vector<16xi32> -> vector<16xf32>
        %gather3A_806 = vector.shape_cast %broadcast_in_dim3A_8 : vector<16x1xi32> to vector<16xi32>
        %gather3A_807 = tpu.dynamic_gather %select_n3A_766[%gather3A_806] in [0] : vector<16xf32>, vector<16xi32> -> vector<16xf32>
        %select_n3A_808 = arith.select %eq3A_26, %select_n3A_760, %gather3A_807 : vector<16xi1>, vector<16xf32>
        %select_n3A_809 = arith.select %eq3A_26, %gather3A_805, %select_n3A_766 : vector<16xi1>, vector<16xf32>
        %gather3A_810 = vector.shape_cast %broadcast_in_dim3A_8 : vector<16x1xi32> to vector<16xi32>
        %gather3A_811 = tpu.dynamic_gather %select_n3A_761[%gather3A_810] in [0] : vector<16xf32>, vector<16xi32> -> vector<16xf32>
        %gather3A_812 = vector.shape_cast %broadcast_in_dim3A_8 : vector<16x1xi32> to vector<16xi32>
        %gather3A_813 = tpu.dynamic_gather %select_n3A_767[%gather3A_812] in [0] : vector<16xf32>, vector<16xi32> -> vector<16xf32>
        %select_n3A_814 = arith.select %eq3A_26, %select_n3A_761, %gather3A_813 : vector<16xi1>, vector<16xf32>
        %select_n3A_815 = arith.select %eq3A_26, %gather3A_811, %select_n3A_767 : vector<16xi1>, vector<16xf32>
        %gather3A_816 = vector.shape_cast %broadcast_in_dim3A_8 : vector<16x1xi32> to vector<16xi32>
        %gather3A_817 = tpu.dynamic_gather %select_n3A_772[%gather3A_816] in [0] : vector<16xf32>, vector<16xi32> -> vector<16xf32>
        %gather3A_818 = vector.shape_cast %broadcast_in_dim3A_8 : vector<16x1xi32> to vector<16xi32>
        %gather3A_819 = tpu.dynamic_gather %select_n3A_778[%gather3A_818] in [0] : vector<16xf32>, vector<16xi32> -> vector<16xf32>
        %select_n3A_820 = arith.select %eq3A_26, %select_n3A_772, %gather3A_819 : vector<16xi1>, vector<16xf32>
        %select_n3A_821 = arith.select %eq3A_26, %gather3A_817, %select_n3A_778 : vector<16xi1>, vector<16xf32>
        %gather3A_822 = vector.shape_cast %broadcast_in_dim3A_8 : vector<16x1xi32> to vector<16xi32>
        %gather3A_823 = tpu.dynamic_gather %select_n3A_773[%gather3A_822] in [0] : vector<16xf32>, vector<16xi32> -> vector<16xf32>
        %gather3A_824 = vector.shape_cast %broadcast_in_dim3A_8 : vector<16x1xi32> to vector<16xi32>
        %gather3A_825 = tpu.dynamic_gather %select_n3A_779[%gather3A_824] in [0] : vector<16xf32>, vector<16xi32> -> vector<16xf32>
        %select_n3A_826 = arith.select %eq3A_26, %select_n3A_773, %gather3A_825 : vector<16xi1>, vector<16xf32>
        %select_n3A_827 = arith.select %eq3A_26, %gather3A_823, %select_n3A_779 : vector<16xi1>, vector<16xf32>
        %gather3A_828 = vector.shape_cast %broadcast_in_dim3A_8 : vector<16x1xi32> to vector<16xi32>
        %gather3A_829 = tpu.dynamic_gather %select_n3A_784[%gather3A_828] in [0] : vector<16xf32>, vector<16xi32> -> vector<16xf32>
        %gather3A_830 = vector.shape_cast %broadcast_in_dim3A_8 : vector<16x1xi32> to vector<16xi32>
        %gather3A_831 = tpu.dynamic_gather %select_n3A_790[%gather3A_830] in [0] : vector<16xf32>, vector<16xi32> -> vector<16xf32>
        %select_n3A_832 = arith.select %eq3A_26, %select_n3A_784, %gather3A_831 : vector<16xi1>, vector<16xf32>
        %select_n3A_833 = arith.select %eq3A_26, %gather3A_829, %select_n3A_790 : vector<16xi1>, vector<16xf32>
        %gather3A_834 = vector.shape_cast %broadcast_in_dim3A_8 : vector<16x1xi32> to vector<16xi32>
        %gather3A_835 = tpu.dynamic_gather %select_n3A_785[%gather3A_834] in [0] : vector<16xf32>, vector<16xi32> -> vector<16xf32>
        %gather3A_836 = vector.shape_cast %broadcast_in_dim3A_8 : vector<16x1xi32> to vector<16xi32>
        %gather3A_837 = tpu.dynamic_gather %select_n3A_791[%gather3A_836] in [0] : vector<16xf32>, vector<16xi32> -> vector<16xf32>
        %select_n3A_838 = arith.select %eq3A_26, %select_n3A_785, %gather3A_837 : vector<16xi1>, vector<16xf32>
        %select_n3A_839 = arith.select %eq3A_26, %gather3A_835, %select_n3A_791 : vector<16xi1>, vector<16xf32>
        %gather3A_840 = vector.shape_cast %broadcast_in_dim3A_12 : vector<16x1xi32> to vector<16xi32>
        %gather3A_841 = tpu.dynamic_gather %select_n3A_796[%gather3A_840] in [0] : vector<16xf32>, vector<16xi32> -> vector<16xf32>
        %gather3A_842 = vector.shape_cast %broadcast_in_dim3A_12 : vector<16x1xi32> to vector<16xi32>
        %gather3A_843 = tpu.dynamic_gather %select_n3A_808[%gather3A_842] in [0] : vector<16xf32>, vector<16xi32> -> vector<16xf32>
        %select_n3A_844 = arith.select %eq3A_32, %select_n3A_796, %gather3A_843 : vector<16xi1>, vector<16xf32>
        %select_n3A_845 = arith.select %eq3A_32, %gather3A_841, %select_n3A_808 : vector<16xi1>, vector<16xf32>
        %gather3A_846 = vector.shape_cast %broadcast_in_dim3A_12 : vector<16x1xi32> to vector<16xi32>
        %gather3A_847 = tpu.dynamic_gather %select_n3A_802[%gather3A_846] in [0] : vector<16xf32>, vector<16xi32> -> vector<16xf32>
        %gather3A_848 = vector.shape_cast %broadcast_in_dim3A_12 : vector<16x1xi32> to vector<16xi32>
        %gather3A_849 = tpu.dynamic_gather %select_n3A_814[%gather3A_848] in [0] : vector<16xf32>, vector<16xi32> -> vector<16xf32>
        %select_n3A_850 = arith.select %eq3A_32, %select_n3A_802, %gather3A_849 : vector<16xi1>, vector<16xf32>
        %select_n3A_851 = arith.select %eq3A_32, %gather3A_847, %select_n3A_814 : vector<16xi1>, vector<16xf32>
        %gather3A_852 = vector.shape_cast %broadcast_in_dim3A_12 : vector<16x1xi32> to vector<16xi32>
        %gather3A_853 = tpu.dynamic_gather %select_n3A_797[%gather3A_852] in [0] : vector<16xf32>, vector<16xi32> -> vector<16xf32>
        %gather3A_854 = vector.shape_cast %broadcast_in_dim3A_12 : vector<16x1xi32> to vector<16xi32>
        %gather3A_855 = tpu.dynamic_gather %select_n3A_809[%gather3A_854] in [0] : vector<16xf32>, vector<16xi32> -> vector<16xf32>
        %select_n3A_856 = arith.select %eq3A_32, %select_n3A_797, %gather3A_855 : vector<16xi1>, vector<16xf32>
        %select_n3A_857 = arith.select %eq3A_32, %gather3A_853, %select_n3A_809 : vector<16xi1>, vector<16xf32>
        %gather3A_858 = vector.shape_cast %broadcast_in_dim3A_12 : vector<16x1xi32> to vector<16xi32>
        %gather3A_859 = tpu.dynamic_gather %select_n3A_803[%gather3A_858] in [0] : vector<16xf32>, vector<16xi32> -> vector<16xf32>
        %gather3A_860 = vector.shape_cast %broadcast_in_dim3A_12 : vector<16x1xi32> to vector<16xi32>
        %gather3A_861 = tpu.dynamic_gather %select_n3A_815[%gather3A_860] in [0] : vector<16xf32>, vector<16xi32> -> vector<16xf32>
        %select_n3A_862 = arith.select %eq3A_32, %select_n3A_803, %gather3A_861 : vector<16xi1>, vector<16xf32>
        %select_n3A_863 = arith.select %eq3A_32, %gather3A_859, %select_n3A_815 : vector<16xi1>, vector<16xf32>
        %gather3A_864 = vector.shape_cast %broadcast_in_dim3A_12 : vector<16x1xi32> to vector<16xi32>
        %gather3A_865 = tpu.dynamic_gather %select_n3A_820[%gather3A_864] in [0] : vector<16xf32>, vector<16xi32> -> vector<16xf32>
        %gather3A_866 = vector.shape_cast %broadcast_in_dim3A_12 : vector<16x1xi32> to vector<16xi32>
        %gather3A_867 = tpu.dynamic_gather %select_n3A_832[%gather3A_866] in [0] : vector<16xf32>, vector<16xi32> -> vector<16xf32>
        %select_n3A_868 = arith.select %eq3A_32, %select_n3A_820, %gather3A_867 : vector<16xi1>, vector<16xf32>
        %select_n3A_869 = arith.select %eq3A_32, %gather3A_865, %select_n3A_832 : vector<16xi1>, vector<16xf32>
        %gather3A_870 = vector.shape_cast %broadcast_in_dim3A_12 : vector<16x1xi32> to vector<16xi32>
        %gather3A_871 = tpu.dynamic_gather %select_n3A_826[%gather3A_870] in [0] : vector<16xf32>, vector<16xi32> -> vector<16xf32>
        %gather3A_872 = vector.shape_cast %broadcast_in_dim3A_12 : vector<16x1xi32> to vector<16xi32>
        %gather3A_873 = tpu.dynamic_gather %select_n3A_838[%gather3A_872] in [0] : vector<16xf32>, vector<16xi32> -> vector<16xf32>
        %select_n3A_874 = arith.select %eq3A_32, %select_n3A_826, %gather3A_873 : vector<16xi1>, vector<16xf32>
        %select_n3A_875 = arith.select %eq3A_32, %gather3A_871, %select_n3A_838 : vector<16xi1>, vector<16xf32>
        %gather3A_876 = vector.shape_cast %broadcast_in_dim3A_12 : vector<16x1xi32> to vector<16xi32>
        %gather3A_877 = tpu.dynamic_gather %select_n3A_821[%gather3A_876] in [0] : vector<16xf32>, vector<16xi32> -> vector<16xf32>
        %gather3A_878 = vector.shape_cast %broadcast_in_dim3A_12 : vector<16x1xi32> to vector<16xi32>
        %gather3A_879 = tpu.dynamic_gather %select_n3A_833[%gather3A_878] in [0] : vector<16xf32>, vector<16xi32> -> vector<16xf32>
        %select_n3A_880 = arith.select %eq3A_32, %select_n3A_821, %gather3A_879 : vector<16xi1>, vector<16xf32>
        %select_n3A_881 = arith.select %eq3A_32, %gather3A_877, %select_n3A_833 : vector<16xi1>, vector<16xf32>
        %gather3A_882 = vector.shape_cast %broadcast_in_dim3A_12 : vector<16x1xi32> to vector<16xi32>
        %gather3A_883 = tpu.dynamic_gather %select_n3A_827[%gather3A_882] in [0] : vector<16xf32>, vector<16xi32> -> vector<16xf32>
        %gather3A_884 = vector.shape_cast %broadcast_in_dim3A_12 : vector<16x1xi32> to vector<16xi32>
        %gather3A_885 = tpu.dynamic_gather %select_n3A_839[%gather3A_884] in [0] : vector<16xf32>, vector<16xi32> -> vector<16xf32>
        %select_n3A_886 = arith.select %eq3A_32, %select_n3A_827, %gather3A_885 : vector<16xi1>, vector<16xf32>
        %select_n3A_887 = arith.select %eq3A_32, %gather3A_883, %select_n3A_839 : vector<16xi1>, vector<16xf32>
        %gather3A_888 = vector.shape_cast %broadcast_in_dim3A_16 : vector<16x1xi32> to vector<16xi32>
        %gather3A_889 = tpu.dynamic_gather %select_n3A_844[%gather3A_888] in [0] : vector<16xf32>, vector<16xi32> -> vector<16xf32>
        %gather3A_890 = vector.shape_cast %broadcast_in_dim3A_16 : vector<16x1xi32> to vector<16xi32>
        %gather3A_891 = tpu.dynamic_gather %select_n3A_868[%gather3A_890] in [0] : vector<16xf32>, vector<16xi32> -> vector<16xf32>
        %select_n3A_892 = arith.select %eq3A_38, %select_n3A_844, %gather3A_891 : vector<16xi1>, vector<16xf32>
        %select_n3A_893 = arith.select %eq3A_38, %gather3A_889, %select_n3A_868 : vector<16xi1>, vector<16xf32>
        %gather3A_894 = vector.shape_cast %broadcast_in_dim3A_16 : vector<16x1xi32> to vector<16xi32>
        %gather3A_895 = tpu.dynamic_gather %select_n3A_850[%gather3A_894] in [0] : vector<16xf32>, vector<16xi32> -> vector<16xf32>
        %gather3A_896 = vector.shape_cast %broadcast_in_dim3A_16 : vector<16x1xi32> to vector<16xi32>
        %gather3A_897 = tpu.dynamic_gather %select_n3A_874[%gather3A_896] in [0] : vector<16xf32>, vector<16xi32> -> vector<16xf32>
        %select_n3A_898 = arith.select %eq3A_38, %select_n3A_850, %gather3A_897 : vector<16xi1>, vector<16xf32>
        %select_n3A_899 = arith.select %eq3A_38, %gather3A_895, %select_n3A_874 : vector<16xi1>, vector<16xf32>
        %gather3A_900 = vector.shape_cast %broadcast_in_dim3A_16 : vector<16x1xi32> to vector<16xi32>
        %gather3A_901 = tpu.dynamic_gather %select_n3A_856[%gather3A_900] in [0] : vector<16xf32>, vector<16xi32> -> vector<16xf32>
        %gather3A_902 = vector.shape_cast %broadcast_in_dim3A_16 : vector<16x1xi32> to vector<16xi32>
        %gather3A_903 = tpu.dynamic_gather %select_n3A_880[%gather3A_902] in [0] : vector<16xf32>, vector<16xi32> -> vector<16xf32>
        %select_n3A_904 = arith.select %eq3A_38, %select_n3A_856, %gather3A_903 : vector<16xi1>, vector<16xf32>
        %select_n3A_905 = arith.select %eq3A_38, %gather3A_901, %select_n3A_880 : vector<16xi1>, vector<16xf32>
        %gather3A_906 = vector.shape_cast %broadcast_in_dim3A_16 : vector<16x1xi32> to vector<16xi32>
        %gather3A_907 = tpu.dynamic_gather %select_n3A_862[%gather3A_906] in [0] : vector<16xf32>, vector<16xi32> -> vector<16xf32>
        %gather3A_908 = vector.shape_cast %broadcast_in_dim3A_16 : vector<16x1xi32> to vector<16xi32>
        %gather3A_909 = tpu.dynamic_gather %select_n3A_886[%gather3A_908] in [0] : vector<16xf32>, vector<16xi32> -> vector<16xf32>
        %select_n3A_910 = arith.select %eq3A_38, %select_n3A_862, %gather3A_909 : vector<16xi1>, vector<16xf32>
        %select_n3A_911 = arith.select %eq3A_38, %gather3A_907, %select_n3A_886 : vector<16xi1>, vector<16xf32>
        %gather3A_912 = vector.shape_cast %broadcast_in_dim3A_16 : vector<16x1xi32> to vector<16xi32>
        %gather3A_913 = tpu.dynamic_gather %select_n3A_845[%gather3A_912] in [0] : vector<16xf32>, vector<16xi32> -> vector<16xf32>
        %gather3A_914 = vector.shape_cast %broadcast_in_dim3A_16 : vector<16x1xi32> to vector<16xi32>
        %gather3A_915 = tpu.dynamic_gather %select_n3A_869[%gather3A_914] in [0] : vector<16xf32>, vector<16xi32> -> vector<16xf32>
        %select_n3A_916 = arith.select %eq3A_38, %select_n3A_845, %gather3A_915 : vector<16xi1>, vector<16xf32>
        %select_n3A_917 = arith.select %eq3A_38, %gather3A_913, %select_n3A_869 : vector<16xi1>, vector<16xf32>
        %gather3A_918 = vector.shape_cast %broadcast_in_dim3A_16 : vector<16x1xi32> to vector<16xi32>
        %gather3A_919 = tpu.dynamic_gather %select_n3A_851[%gather3A_918] in [0] : vector<16xf32>, vector<16xi32> -> vector<16xf32>
        %gather3A_920 = vector.shape_cast %broadcast_in_dim3A_16 : vector<16x1xi32> to vector<16xi32>
        %gather3A_921 = tpu.dynamic_gather %select_n3A_875[%gather3A_920] in [0] : vector<16xf32>, vector<16xi32> -> vector<16xf32>
        %select_n3A_922 = arith.select %eq3A_38, %select_n3A_851, %gather3A_921 : vector<16xi1>, vector<16xf32>
        %select_n3A_923 = arith.select %eq3A_38, %gather3A_919, %select_n3A_875 : vector<16xi1>, vector<16xf32>
        %gather3A_924 = vector.shape_cast %broadcast_in_dim3A_16 : vector<16x1xi32> to vector<16xi32>
        %gather3A_925 = tpu.dynamic_gather %select_n3A_857[%gather3A_924] in [0] : vector<16xf32>, vector<16xi32> -> vector<16xf32>
        %gather3A_926 = vector.shape_cast %broadcast_in_dim3A_16 : vector<16x1xi32> to vector<16xi32>
        %gather3A_927 = tpu.dynamic_gather %select_n3A_881[%gather3A_926] in [0] : vector<16xf32>, vector<16xi32> -> vector<16xf32>
        %select_n3A_928 = arith.select %eq3A_38, %select_n3A_857, %gather3A_927 : vector<16xi1>, vector<16xf32>
        %select_n3A_929 = arith.select %eq3A_38, %gather3A_925, %select_n3A_881 : vector<16xi1>, vector<16xf32>
        %gather3A_930 = vector.shape_cast %broadcast_in_dim3A_16 : vector<16x1xi32> to vector<16xi32>
        %gather3A_931 = tpu.dynamic_gather %select_n3A_863[%gather3A_930] in [0] : vector<16xf32>, vector<16xi32> -> vector<16xf32>
        %gather3A_932 = vector.shape_cast %broadcast_in_dim3A_16 : vector<16x1xi32> to vector<16xi32>
        %gather3A_933 = tpu.dynamic_gather %select_n3A_887[%gather3A_932] in [0] : vector<16xf32>, vector<16xi32> -> vector<16xf32>
        %select_n3A_934 = arith.select %eq3A_38, %select_n3A_863, %gather3A_933 : vector<16xi1>, vector<16xf32>
        %select_n3A_935 = arith.select %eq3A_38, %gather3A_931, %select_n3A_887 : vector<16xi1>, vector<16xf32>
        %swap3A_936 = arith.constant 16 : i32
        %swap3A_937 = arith.index_cast %swap3A_936 : i32 to index
        %swap3A_938 = arith.index_cast %mul3A_267 : i32 to index
        %swap3A_939 = tpu.vector_load %arg10[%swap3A_937, %swap3A_938] {strides = array<i32>} : memref<32x512xf32, #tpu.memory_space<vmem>>, vector<1x16xf32>,
        %swap3A_940 = vector.shape_cast %swap3A_939 : vector<1x16xf32> to vector<16xf32>
        %swap3A_941 = vector.shape_cast %select_n3A_892 : vector<16xf32> to vector<1x16xf32>
        tpu.vector_store %arg10[%swap3A_937, %swap3A_938], %swap3A_941 {strides = array<i32>} : memref<32x512xf32, #tpu.memory_space<vmem>>, vector<1x16xf32>,
        %swap3A_942 = arith.constant 17 : i32
        %swap3A_943 = arith.index_cast %swap3A_942 : i32 to index
        %swap3A_944 = arith.index_cast %mul3A_267 : i32 to index
        %swap3A_945 = tpu.vector_load %arg10[%swap3A_943, %swap3A_944] {strides = array<i32>} : memref<32x512xf32, #tpu.memory_space<vmem>>, vector<1x16xf32>,
        %swap3A_946 = vector.shape_cast %swap3A_945 : vector<1x16xf32> to vector<16xf32>
        %swap3A_947 = vector.shape_cast %select_n3A_898 : vector<16xf32> to vector<1x16xf32>
        tpu.vector_store %arg10[%swap3A_943, %swap3A_944], %swap3A_947 {strides = array<i32>} : memref<32x512xf32, #tpu.memory_space<vmem>>, vector<1x16xf32>,
        %swap3A_948 = arith.constant 18 : i32
        %swap3A_949 = arith.index_cast %swap3A_948 : i32 to index
        %swap3A_950 = arith.index_cast %mul3A_267 : i32 to index
        %swap3A_951 = tpu.vector_load %arg10[%swap3A_949, %swap3A_950] {strides = array<i32>} : memref<32x512xf32, #tpu.memory_space<vmem>>, vector<1x16xf32>,
        %swap3A_952 = vector.shape_cast %swap3A_951 : vector<1x16xf32> to vector<16xf32>
        %swap3A_953 = vector.shape_cast %select_n3A_904 : vector<16xf32> to vector<1x16xf32>
        tpu.vector_store %arg10[%swap3A_949, %swap3A_950], %swap3A_953 {strides = array<i32>} : memref<32x512xf32, #tpu.memory_space<vmem>>, vector<1x16xf32>,
        %swap3A_954 = arith.constant 19 : i32
        %swap3A_955 = arith.index_cast %swap3A_954 : i32 to index
        %swap3A_956 = arith.index_cast %mul3A_267 : i32 to index
        %swap3A_957 = tpu.vector_load %arg10[%swap3A_955, %swap3A_956] {strides = array<i32>} : memref<32x512xf32, #tpu.memory_space<vmem>>, vector<1x16xf32>,
        %swap3A_958 = vector.shape_cast %swap3A_957 : vector<1x16xf32> to vector<16xf32>
        %swap3A_959 = vector.shape_cast %select_n3A_910 : vector<16xf32> to vector<1x16xf32>
        tpu.vector_store %arg10[%swap3A_955, %swap3A_956], %swap3A_959 {strides = array<i32>} : memref<32x512xf32, #tpu.memory_space<vmem>>, vector<1x16xf32>,
        %swap3A_960 = arith.constant 20 : i32
        %swap3A_961 = arith.index_cast %swap3A_960 : i32 to index
        %swap3A_962 = arith.index_cast %mul3A_267 : i32 to index
        %swap3A_963 = tpu.vector_load %arg10[%swap3A_961, %swap3A_962] {strides = array<i32>} : memref<32x512xf32, #tpu.memory_space<vmem>>, vector<1x16xf32>,
        %swap3A_964 = vector.shape_cast %swap3A_963 : vector<1x16xf32> to vector<16xf32>
        %swap3A_965 = vector.shape_cast %select_n3A_916 : vector<16xf32> to vector<1x16xf32>
        tpu.vector_store %arg10[%swap3A_961, %swap3A_962], %swap3A_965 {strides = array<i32>} : memref<32x512xf32, #tpu.memory_space<vmem>>, vector<1x16xf32>,
        %swap3A_966 = arith.constant 21 : i32
        %swap3A_967 = arith.index_cast %swap3A_966 : i32 to index
        %swap3A_968 = arith.index_cast %mul3A_267 : i32 to index
        %swap3A_969 = tpu.vector_load %arg10[%swap3A_967, %swap3A_968] {strides = array<i32>} : memref<32x512xf32, #tpu.memory_space<vmem>>, vector<1x16xf32>,
        %swap3A_970 = vector.shape_cast %swap3A_969 : vector<1x16xf32> to vector<16xf32>
        %swap3A_971 = vector.shape_cast %select_n3A_922 : vector<16xf32> to vector<1x16xf32>
        tpu.vector_store %arg10[%swap3A_967, %swap3A_968], %swap3A_971 {strides = array<i32>} : memref<32x512xf32, #tpu.memory_space<vmem>>, vector<1x16xf32>,
        %swap3A_972 = arith.constant 22 : i32
        %swap3A_973 = arith.index_cast %swap3A_972 : i32 to index
        %swap3A_974 = arith.index_cast %mul3A_267 : i32 to index
        %swap3A_975 = tpu.vector_load %arg10[%swap3A_973, %swap3A_974] {strides = array<i32>} : memref<32x512xf32, #tpu.memory_space<vmem>>, vector<1x16xf32>,
        %swap3A_976 = vector.shape_cast %swap3A_975 : vector<1x16xf32> to vector<16xf32>
        %swap3A_977 = vector.shape_cast %select_n3A_928 : vector<16xf32> to vector<1x16xf32>
        tpu.vector_store %arg10[%swap3A_973, %swap3A_974], %swap3A_977 {strides = array<i32>} : memref<32x512xf32, #tpu.memory_space<vmem>>, vector<1x16xf32>,
        %swap3A_978 = arith.constant 23 : i32
        %swap3A_979 = arith.index_cast %swap3A_978 : i32 to index
        %swap3A_980 = arith.index_cast %mul3A_267 : i32 to index
        %swap3A_981 = tpu.vector_load %arg10[%swap3A_979, %swap3A_980] {strides = array<i32>} : memref<32x512xf32, #tpu.memory_space<vmem>>, vector<1x16xf32>,
        %swap3A_982 = vector.shape_cast %swap3A_981 : vector<1x16xf32> to vector<16xf32>
        %swap3A_983 = vector.shape_cast %select_n3A_934 : vector<16xf32> to vector<1x16xf32>
        tpu.vector_store %arg10[%swap3A_979, %swap3A_980], %swap3A_983 {strides = array<i32>} : memref<32x512xf32, #tpu.memory_space<vmem>>, vector<1x16xf32>,
        %swap3A_984 = arith.constant 24 : i32
        %swap3A_985 = arith.index_cast %swap3A_984 : i32 to index
        %swap3A_986 = arith.index_cast %mul3A_267 : i32 to index
        %swap3A_987 = tpu.vector_load %arg10[%swap3A_985, %swap3A_986] {strides = array<i32>} : memref<32x512xf32, #tpu.memory_space<vmem>>, vector<1x16xf32>,
        %swap3A_988 = vector.shape_cast %swap3A_987 : vector<1x16xf32> to vector<16xf32>
        %swap3A_989 = vector.shape_cast %select_n3A_893 : vector<16xf32> to vector<1x16xf32>
        tpu.vector_store %arg10[%swap3A_985, %swap3A_986], %swap3A_989 {strides = array<i32>} : memref<32x512xf32, #tpu.memory_space<vmem>>, vector<1x16xf32>,
        %swap3A_990 = arith.constant 25 : i32
        %swap3A_991 = arith.index_cast %swap3A_990 : i32 to index
        %swap3A_992 = arith.index_cast %mul3A_267 : i32 to index
        %swap3A_993 = tpu.vector_load %arg10[%swap3A_991, %swap3A_992] {strides = array<i32>} : memref<32x512xf32, #tpu.memory_space<vmem>>, vector<1x16xf32>,
        %swap3A_994 = vector.shape_cast %swap3A_993 : vector<1x16xf32> to vector<16xf32>
        %swap3A_995 = vector.shape_cast %select_n3A_899 : vector<16xf32> to vector<1x16xf32>
        tpu.vector_store %arg10[%swap3A_991, %swap3A_992], %swap3A_995 {strides = array<i32>} : memref<32x512xf32, #tpu.memory_space<vmem>>, vector<1x16xf32>,
        %swap3A_996 = arith.constant 26 : i32
        %swap3A_997 = arith.index_cast %swap3A_996 : i32 to index
        %swap3A_998 = arith.index_cast %mul3A_267 : i32 to index
        %swap3A_999 = tpu.vector_load %arg10[%swap3A_997, %swap3A_998] {strides = array<i32>} : memref<32x512xf32, #tpu.memory_space<vmem>>, vector<1x16xf32>,
        %swap3A_1000 = vector.shape_cast %swap3A_999 : vector<1x16xf32> to vector<16xf32>
        %swap3A_1001 = vector.shape_cast %select_n3A_905 : vector<16xf32> to vector<1x16xf32>
        tpu.vector_store %arg10[%swap3A_997, %swap3A_998], %swap3A_1001 {strides = array<i32>} : memref<32x512xf32, #tpu.memory_space<vmem>>, vector<1x16xf32>,
        %swap3A_1002 = arith.constant 27 : i32
        %swap3A_1003 = arith.index_cast %swap3A_1002 : i32 to index
        %swap3A_1004 = arith.index_cast %mul3A_267 : i32 to index
        %swap3A_1005 = tpu.vector_load %arg10[%swap3A_1003, %swap3A_1004] {strides = array<i32>} : memref<32x512xf32, #tpu.memory_space<vmem>>, vector<1x16xf32>,
        %swap3A_1006 = vector.shape_cast %swap3A_1005 : vector<1x16xf32> to vector<16xf32>
        %swap3A_1007 = vector.shape_cast %select_n3A_911 : vector<16xf32> to vector<1x16xf32>
        tpu.vector_store %arg10[%swap3A_1003, %swap3A_1004], %swap3A_1007 {strides = array<i32>} : memref<32x512xf32, #tpu.memory_space<vmem>>, vector<1x16xf32>,
        %swap3A_1008 = arith.constant 28 : i32
        %swap3A_1009 = arith.index_cast %swap3A_1008 : i32 to index
        %swap3A_1010 = arith.index_cast %mul3A_267 : i32 to index
        %swap3A_1011 = tpu.vector_load %arg10[%swap3A_1009, %swap3A_1010] {strides = array<i32>} : memref<32x512xf32, #tpu.memory_space<vmem>>, vector<1x16xf32>,
        %swap3A_1012 = vector.shape_cast %swap3A_1011 : vector<1x16xf32> to vector<16xf32>
        %swap3A_1013 = vector.shape_cast %select_n3A_917 : vector<16xf32> to vector<1x16xf32>
        tpu.vector_store %arg10[%swap3A_1009, %swap3A_1010], %swap3A_1013 {strides = array<i32>} : memref<32x512xf32, #tpu.memory_space<vmem>>, vector<1x16xf32>,
        %swap3A_1014 = arith.constant 29 : i32
        %swap3A_1015 = arith.index_cast %swap3A_1014 : i32 to index
        %swap3A_1016 = arith.index_cast %mul3A_267 : i32 to index
        %swap3A_1017 = tpu.vector_load %arg10[%swap3A_1015, %swap3A_1016] {strides = array<i32>} : memref<32x512xf32, #tpu.memory_space<vmem>>, vector<1x16xf32>,
        %swap3A_1018 = vector.shape_cast %swap3A_1017 : vector<1x16xf32> to vector<16xf32>
        %swap3A_1019 = vector.shape_cast %select_n3A_923 : vector<16xf32> to vector<1x16xf32>
        tpu.vector_store %arg10[%swap3A_1015, %swap3A_1016], %swap3A_1019 {strides = array<i32>} : memref<32x512xf32, #tpu.memory_space<vmem>>, vector<1x16xf32>,
        %swap3A_1020 = arith.constant 30 : i32
        %swap3A_1021 = arith.index_cast %swap3A_1020 : i32 to index
        %swap3A_1022 = arith.index_cast %mul3A_267 : i32 to index
        %swap3A_1023 = tpu.vector_load %arg10[%swap3A_1021, %swap3A_1022] {strides = array<i32>} : memref<32x512xf32, #tpu.memory_space<vmem>>, vector<1x16xf32>,
        %swap3A_1024 = vector.shape_cast %swap3A_1023 : vector<1x16xf32> to vector<16xf32>
        %swap3A_1025 = vector.shape_cast %select_n3A_929 : vector<16xf32> to vector<1x16xf32>
        tpu.vector_store %arg10[%swap3A_1021, %swap3A_1022], %swap3A_1025 {strides = array<i32>} : memref<32x512xf32, #tpu.memory_space<vmem>>, vector<1x16xf32>,
        %swap3A_1026 = arith.constant 31 : i32
        %swap3A_1027 = arith.index_cast %swap3A_1026 : i32 to index
        %swap3A_1028 = arith.index_cast %mul3A_267 : i32 to index
        %swap3A_1029 = tpu.vector_load %arg10[%swap3A_1027, %swap3A_1028] {strides = array<i32>} : memref<32x512xf32, #tpu.memory_space<vmem>>, vector<1x16xf32>,
        %swap3A_1030 = vector.shape_cast %swap3A_1029 : vector<1x16xf32> to vector<16xf32>
        %swap3A_1031 = vector.shape_cast %select_n3A_935 : vector<16xf32> to vector<1x16xf32>
        tpu.vector_store %arg10[%swap3A_1027, %swap3A_1028], %swap3A_1031 {strides = array<i32>} : memref<32x512xf32, #tpu.memory_space<vmem>>, vector<1x16xf32>,
      }
      %scan3A_258 = arith.constant 32 : i32
      %dma_start3A_259 = arith.constant 0 : i32
      %dma_start3A_260 = tpu.memref_slice %arg4[%add3A_113, %dma_start3A_259, %mul3A_2] : memref<50x32x16384xf32, #tpu.memory_space<hbm>> -> memref<1x32x512xf32, #tpu.memory_space<hbm>>
      %dma_start3A_261 = tpu.memref_squeeze %dma_start3A_260 : memref<1x32x512xf32, #tpu.memory_space<hbm>> -> memref<32x512xf32, #tpu.memory_space<hbm>>
      %dma_start3A_262 = arith.constant 0 : i32
      %dma_start3A_263 = tpu.memref_slice %arg4[%add3A_113, %dma_start3A_262, %mul3A_2] : memref<50x32x16384xf32, #tpu.memory_space<hbm>> -> memref<1x32x512xf32, #tpu.memory_space<hbm>>
      %dma_start3A_264 = tpu.memref_squeeze %dma_start3A_263 : memref<1x32x512xf32, #tpu.memory_space<hbm>> -> memref<32x512xf32, #tpu.memory_space<hbm>>
      tpu.enqueue_dma source(%arg10 : memref<32x512xf32, #tpu.memory_space<vmem>>) target(%dma_start3A_264 : memref<32x512xf32, #tpu.memory_space<hbm>>) target_semaphore(%arg16 : memref<!tpu.dma_semaphore, #tpu.memory_space<semaphore_mem>>)
    }
    %scan3A_94 = arith.constant 25 : i32
    %dma_wait3A_95 = arith.constant 0 : i32
    %dma_wait3A_96 = arith.constant 0 : i32
    %dma_wait3A_97 = tpu.memref_slice %arg4[%dma_wait3A_95, %dma_wait3A_96, %mul3A_2] : memref<50x32x16384xf32, #tpu.memory_space<hbm>> -> memref<1x32x512xf32, #tpu.memory_space<hbm>>
    %dma_wait3A_98 = tpu.memref_squeeze %dma_wait3A_97 : memref<1x32x512xf32, #tpu.memory_space<hbm>> -> memref<32x512xf32, #tpu.memory_space<hbm>>
    %dma_wait3A_99 = arith.constant 0 : i32
    %dma_wait3A_100 = tpu.memref_slice %arg4[%dma_wait3A_95, %dma_wait3A_99, %mul3A_2] : memref<50x32x16384xf32, #tpu.memory_space<hbm>> -> memref<1x32x512xf32, #tpu.memory_space<hbm>>
    %dma_wait3A_101 = tpu.memref_squeeze %dma_wait3A_100 : memref<1x32x512xf32, #tpu.memory_space<hbm>> -> memref<32x512xf32, #tpu.memory_space<hbm>>
    tpu.wait_dma2 semaphore(%arg15 : memref<!tpu.dma_semaphore, #tpu.memory_space<semaphore_mem>>) src(%arg9 : memref<32x512xf32, #tpu.memory_space<vmem>>) dst(%dma_wait3A_101 : memref<32x512xf32, #tpu.memory_space<hbm>>)
    %dma_wait3A_102 = arith.constant 0 : i32
    %dma_wait3A_103 = arith.constant 0 : i32
    %dma_wait3A_104 = tpu.memref_slice %arg4[%dma_wait3A_102, %dma_wait3A_103, %mul3A_2] : memref<50x32x16384xf32, #tpu.memory_space<hbm>> -> memref<1x32x512xf32, #tpu.memory_space<hbm>>
    %dma_wait3A_105 = tpu.memref_squeeze %dma_wait3A_104 : memref<1x32x512xf32, #tpu.memory_space<hbm>> -> memref<32x512xf32, #tpu.memory_space<hbm>>
    %dma_wait3A_106 = arith.constant 0 : i32
    %dma_wait3A_107 = tpu.memref_slice %arg4[%dma_wait3A_102, %dma_wait3A_106, %mul3A_2] : memref<50x32x16384xf32, #tpu.memory_space<hbm>> -> memref<1x32x512xf32, #tpu.memory_space<hbm>>
    %dma_wait3A_108 = tpu.memref_squeeze %dma_wait3A_107 : memref<1x32x512xf32, #tpu.memory_space<hbm>> -> memref<32x512xf32, #tpu.memory_space<hbm>>
    tpu.wait_dma2 semaphore(%arg16 : memref<!tpu.dma_semaphore, #tpu.memory_space<semaphore_mem>>) src(%arg10 : memref<32x512xf32, #tpu.memory_space<vmem>>) dst(%dma_wait3A_108 : memref<32x512xf32, #tpu.memory_space<hbm>>)
    return
  }
}

module attributes {stable_mosaic.version = 14 : i64} {
  func.func @tkern(%arg0: i32, %arg1: memref<32x4096xf32, #tpu.memory_space<vmem>>, %arg2: memref<1024x128xf32, #tpu.memory_space<vmem>>) attributes {dimension_semantics = [#tpu.dimension_semantics<arbitrary>], iteration_bounds = array<i64: 245>, scalar_prefetch = 0 : i64, scratch_operands = 0 : i64, tpu.core_type = #tpu.core_type<tc>, window_params = [{transform_indices = @transform_0, window_bounds = array<i64: 32, 4096>}, {transform_indices = @transform_1, window_bounds = array<i64: 1024, 128>}]} {
    %get3A = arith.constant 0 : index
    %get3A_0 = arith.constant 0 : index
    %get3A_1 = vector.load %arg1[%get3A, %get3A_0] : memref<32x4096xf32, #tpu.memory_space<vmem>>, vector<32x1024xf32>
    %transpose3A = tpu.transpose %get3A_1, [1, 0] : vector<32x1024xf32> -> vector<1024x32xf32>
    %get3A_2 = arith.constant 0 : index
    %get3A_3 = arith.constant 1024 : index
    %get3A_4 = vector.load %arg1[%get3A_2, %get3A_3] : memref<32x4096xf32, #tpu.memory_space<vmem>>, vector<32x1024xf32>
    %transpose3A_5 = tpu.transpose %get3A_4, [1, 0] : vector<32x1024xf32> -> vector<1024x32xf32>
    %get3A_6 = arith.constant 0 : index
    %get3A_7 = arith.constant 2048 : index
    %get3A_8 = vector.load %arg1[%get3A_6, %get3A_7] : memref<32x4096xf32, #tpu.memory_space<vmem>>, vector<32x1024xf32>
    %transpose3A_9 = tpu.transpose %get3A_8, [1, 0] : vector<32x1024xf32> -> vector<1024x32xf32>
    %get3A_10 = arith.constant 0 : index
    %get3A_11 = arith.constant 3072 : index
    %get3A_12 = vector.load %arg1[%get3A_10, %get3A_11] : memref<32x4096xf32, #tpu.memory_space<vmem>>, vector<32x1024xf32>
    %transpose3A_13 = tpu.transpose %get3A_12, [1, 0] : vector<32x1024xf32> -> vector<1024x32xf32>
    %concatenate3A = tpu.concatenate %transpose3A, %transpose3A_5, %transpose3A_9, %transpose3A_13 in 1 : vector<1024x32xf32>, vector<1024x32xf32>, vector<1024x32xf32>, vector<1024x32xf32> -> vector<1024x128xf32>
    %swap3A = arith.constant 0 : index
    %swap3A_14 = arith.constant 0 : index
    %swap3A_15 = vector.load %arg2[%swap3A, %swap3A_14] : memref<1024x128xf32, #tpu.memory_space<vmem>>, vector<1024x128xf32>
    tpu.vector_store %arg2[%swap3A, %swap3A_14], %concatenate3A {strides = array<i32>} : memref<1024x128xf32, #tpu.memory_space<vmem>>, vector<1024x128xf32>,
    return
  }
  func.func @transform_0(%arg0: i32) -> (i32, i32) {
    %c0_i32 = arith.constant 0 : i32
    %c0_i32_0 = arith.constant 0 : i32
    return %c0_i32, %arg0 : i32, i32
  }
  func.func @transform_1(%arg0: i32) -> (i32, i32) {
    %c0_i32 = arith.constant 0 : i32
    %c0_i32_0 = arith.constant 0 : i32
    return %arg0, %c0_i32 : i32, i32
  }
}

</mosaic_0001>

<sc_bundles>
// kernel: kernel.4.cloned.1.call-start
scs
__scs_entry_jumppad:
0x0: {  	(pc) =	sbr.rel $0x88, $3  }
0x1: {  	(tag) =	ssettag $0x0;
	lr =	simm.s32 $0x1  }
0x2: {  	[smem:$0x3F9F] =	sst lr;
	_ =	strace $0xD0000000  }
0x3: {  	_ = 	snop  }
0x4: {  	_ = 	snop  }
0x5: {  	_ = 	snop  }
0x6: {  	_ = 	snop  }
0x7: {  	_ = 	snop  }
__scs_overlays_trampoline_lowered:
0x8: {  	[smem:$0x3FAE] =	sst s0  }
0x9: {  	[smem:$0x3FAF] =	sst s1  }
0xa: {  	[smem:$0x3FB0] =	sst s2  }
0xb: {  	[smem:$0x3FB1] =	sst s3  }
0xc: {  	[smem:$0x3FB2] =	sst s4  }
0xd: {  	[smem:$0x3FB3] =	sst s5  }
0xe: {  	[smem:$0x3FB4] =	sst s6  }
0xf: {  	[smem:$0x3FB5] =	sst s7  }
0x10: {  	[smem:$0x3FB6] =	sst s8  }
0x11: {  	[smem:$0x3FB7] =	sst s9;
	s0 =	simm.s32 @!p0 $0x0  }
0x12: {  	s1 =	sld [smem:$0x3F9D];
	s0 =	simm.s32 @p0 $0x1  }
0x13: {  	[smem:$0x3FB8] =	sst s0;
	s0 =	simm.s32 @!p1 $0x0  }
0x14: {  	s2 =	sld [smem:$0x3F9C];
	s0 =	simm.s32 @p1 $0x1  }
0x15: {  	[smem:$0x3FB9] =	sst s0;
	s0 =	simm.s32 @!p2 $0x0  }
0x16: {  	s3 =	sld [smem:$0x3FDB];
	s0 =	simm.s32 @p2 $0x1  }
0x17: {  	s4 =	simm.s32 $0x1BF5;
	[smem:$0x3FBB] =	sst s0  }
0x18: {  	s0 =	sld [smem:$0x3F9E];
	_ =	swait.ge [sflag:s4], $0x0  }
0x19: {  	s7 =	sld [smem:$0x3F9F]  }
0x1a: {  	s8 =	sadd.s32 $0xFFFFE003, lr  }
0x1b: {  	s9 =	sadd.s32 $0xFFFFFEF7, lr;
	s5 =	simm.s32 $0xFFFFFFFF;
	p2 =	slt.u32 s8, $0xFFFFF086  }
0x1c: {  	p1 =	slt.u32 s9, $0xF7A;
	s5 =	simm.s32 @!p2 $0x0  }
0x1d: {  	s5 =	simm.s32 @p1 $0x1;
	p0 =	seq.s32 s7, s2  }
0x1e: {  	s7 =	smul.u32 @!p0 $0xF7A, s2;
	p2 =	seq.s32 @!p0 s5, $0x0  }
0x1f: {  	s9 =	smul.u32 $0xF7A, s1;
	s8 =	simm.s32 @!p0 $0x1BF5;
	p2 =	por !p2, p0  }
0x20: {  	[sflag:s8] =	ssyncset.s32 @!p0 $0xFFFFF086;
	s6 =	sadd.s32 @!p0 s3, s7;
	s7 =	simm.s32 @!p0 $0x108  }
0x21: {  	s3 =	sadd.s32 s3, s9;
	s6 =	sadd.s32 @!p0 $0x88, s6;
	s7 =	simm.s32 @p2 $0x1082  }
0x22: {  	[simem:s7], [sflag:s8] =	dma.local @!p0 [hbm:s6], $0xF7A  }
0x23: {  	s9 =	sor.u32 $0xD0000000, s2;
	s6 =	simm.s32 $0x108;
	_ =	swait.ge @!p0 [sflag:s8], $0x0  }
0x24: {  	s3 =	sadd.s32 $0x88, s3;
	s6 =	simm.s32 @!p1 $0x1082;
	[sflag:s4] =	ssyncset.s32 $0xFFFFF086  }
0x25: {  	[simem:s6], [sflag:s4] =	dma.local [hbm:s3], $0xF7A  }
0x26: {  	[smem:$0x3F9F] =	sst s1;
	(tag) =	ssettag s2;
	_ =	strace s9  }
0x27: {  	s1 =	sld [smem:$0x3FAF]  }
0x28: {  	s2 =	sld [smem:$0x3FB0]  }
0x29: {  	s4 =	sld [smem:$0x3FB2]  }
0x2a: {  	p0 =	seq.s32 s5, $0x0;
	s5 =	sld [smem:$0x3FB3]  }
0x2b: {  	s6 =	sld [smem:$0x3FB4]  }
0x2c: {  	s7 =	sld [smem:$0x3FB5]  }
0x2d: {  	s3 =	simm.s32 $0x108;
	s8 =	sld [smem:$0x3FB6]  }
0x2e: {  	s3 =	simm.s32 @!p0 $0x1082;
	s9 =	sld [smem:$0x3FB7]  }
0x2f: {  	lr =	sadd.s32 s0, s3;
	s0 =	sld [smem:$0x3FAE]  }
0x30: {  	s3 =	sld [smem:$0x3FB1]  }
0x31: {  	[smem:$0x3FBA] =	sst s10  }
0x32: {  	s10 =	sld [smem:$0x3FB8];
	_ =	sdelay $0x3  }
0x33: {  	p0 =	seq.s32 s10, $0x1;
	s10 =	sld [smem:$0x3FBA];
	_ =	sdelay $0x3  }
0x34: {  	[smem:$0x3FBA] =	sst s10  }
0x35: {  	s10 =	sld [smem:$0x3FB9];
	_ =	sdelay $0x3  }
0x36: {  	p1 =	seq.s32 s10, $0x1;
	s10 =	sld [smem:$0x3FBA];
	_ =	sdelay $0x3  }
0x37: {  	[smem:$0x3FBA] =	sst s10  }
0x38: {  	s10 =	sld [smem:$0x3FBB]  }
0x39: {  	_ = 	snop;
	(pc) =	sbr.ind lr, $3  }
0x3a: {  	_ = 	snop  }
0x3b: {  	_ = 	snop  }
0x3c: {  	p2 =	seq.s32 s10, $0x1;
	s10 =	sld [smem:$0x3FBA]  }
0x3d: {  	_ =	shalt  }
0x3e: {  	_ =	shalt  }
0x3f: {  	_ =	shalt  }
0x40: {  	_ =	shalt  }
0x41: {  	_ =	shalt  }
0x42: {  	_ =	shalt  }
0x43: {  	_ =	shalt  }
0x44: {  	_ =	shalt  }
0x45: {  	_ =	shalt  }
0x46: {  	_ =	shalt  }
0x47: {  	_ =	shalt  }
0x48: {  	_ =	shalt  }
0x49: {  	_ =	shalt  }
0x4a: {  	_ =	shalt  }
0x4b: {  	_ =	shalt  }
0x4c: {  	_ =	shalt  }
0x4d: {  	_ =	shalt  }
0x4e: {  	_ =	shalt  }
0x4f: {  	_ =	shalt  }
0x50: {  	_ =	shalt  }
0x51: {  	_ =	shalt  }
0x52: {  	_ =	shalt  }
0x53: {  	_ =	shalt  }
0x54: {  	_ =	shalt  }
0x55: {  	_ =	shalt  }
0x56: {  	_ =	shalt  }
0x57: {  	_ =	shalt  }
0x58: {  	_ =	shalt  }
0x59: {  	_ =	shalt  }
0x5a: {  	_ =	shalt  }
0x5b: {  	_ =	shalt  }
0x5c: {  	_ =	shalt  }
0x5d: {  	_ =	shalt  }
0x5e: {  	_ =	shalt  }
0x5f: {  	_ =	shalt  }
0x60: {  	_ =	shalt  }
0x61: {  	_ =	shalt  }
0x62: {  	_ =	shalt  }
0x63: {  	_ =	shalt  }
0x64: {  	_ =	shalt  }
0x65: {  	_ =	shalt  }
0x66: {  	_ =	shalt  }
0x67: {  	_ =	shalt  }
0x68: {  	_ =	shalt  }
0x69: {  	_ =	shalt  }
0x6a: {  	_ =	shalt  }
0x6b: {  	_ =	shalt  }
0x6c: {  	_ =	shalt  }
0x6d: {  	_ =	shalt  }
0x6e: {  	_ =	shalt  }
0x6f: {  	_ =	shalt  }
0x70: {  	_ =	shalt  }
0x71: {  	_ =	shalt  }
0x72: {  	_ =	shalt  }
0x73: {  	_ =	shalt  }
0x74: {  	_ =	shalt  }
0x75: {  	_ =	shalt  }
0x76: {  	_ =	shalt  }
0x77: {  	_ =	shalt  }
0x78: {  	_ =	shalt  }
0x79: {  	_ =	shalt  }
0x7a: {  	_ =	shalt  }
0x7b: {  	_ =	shalt  }
0x7c: {  	_ =	shalt  }
0x7d: {  	_ =	shalt  }
0x7e: {  	_ =	shalt  }
0x7f: {  	_ =	shalt  }
0x80: {  	_ =	shalt  }
0x81: {  	_ =	shalt  }
0x82: {  	_ =	shalt  }
0x83: {  	_ =	shalt  }
0x84: {  	_ =	shalt  }
0x85: {  	_ =	shalt  }
0x86: {  	_ =	shalt  }
0x87: {  	_ =	shalt  }
.Lfunc_end0:
.L_simem_size_0:
called_computation_lowered:
.L_overlay_start_0:
0x88: {  	s2 =	sld [smem:$0x3FD9]  }
0x89: {  	s3 =	sld [smem:$0x3FFE];
	_ =	sdelay $0x1  }
0x8a: {  	s1 =	srdreg.scid  }
0x8b: {  	s0 =	sand.u32 $0x1, s1  }
0x8c: {  	s17 =	sshll.u32 s0, $0xA;
	s2 =	sadd.s32 s3, s2  }
0x8d: {  	s2 =	sadd.s32 s2, s17  }
0x8e: {  	[smem:$0x3FC6] =	sst s2  }
0x8f: {  	_ = 	snop  }
0x90: {  	s2 =	sld [smem:$0x3FD0];
	(tm) =	ssettm $0x1  }
0x91: {  	s18 =	sld [smem:$0x3FFB];
	_ =	sdelay $0x3  }
0x92: {  	_ =	strace s18  }
0x93: {  	s3 =	sld [smem:$0x3FFC];
	_ =	sdelay $0x3  }
0x94: {  	_ =	strace s3  }
0x95: {  	s3 =	sld [smem:$0x3FFD];
	_ =	sdelay $0x3  }
0x96: {  	_ =	strace s3  }
0x97: {  	_ =	strace $0x8FFFFFFF  }
0x98: {  	s19 =	sld [smem:$0x3FDB];
	_ =	sdelay $0x1  }
0x99: {  	s4 =	simm.s32 $_scs_section_size  }
0x9a: {  	s5 =	simm.s32 $_size__tile_overlayer_lowered;
	s6 =	simm.s32 $_tile_overlayer_lowered  }
0x9b: {  	s22 =	simm.s32 $0x1BFF;
	s21 =	sshll.u32 s6, $0x1;
	s3 =	sadd.s32 s4, s19  }
0x9c: {  	s7 =	simm.s32 $0x0;
	s20 =	sshll.u32 s5, $0x1;
	s5 =	sadd.s32 s21, s3  }
0x9d: {  	[timem:s7], [sflag:s22] =	dma.local [hbm:s5], s20  }
0x9e: {  	_ =	swait.ge [sflag:s22], s20  }
0x9f: {  	s4 =	ssub.s32 $0x0, s20;
	[sflag:s22] =	ssyncset.done $0x0  }
0xa0: {  	[sflag:s22] =	ssyncadd.s32 s4;
	_ =	sdelay $0x1  }
0xa1: {  	s23 =	simm.s32 $0x1B8B  }
0xa2: {  	_ =	swait.ge [sflag:s23], $0x1  }
0xa3: {  	[sflag:s23] =	ssyncset.done $0x0  }
0xa4: {  	s25 =	simm.s32 $0x1B8E;
	s24 =	sld [smem:$0x3FFE];
	[sflag:s23] =	ssyncadd.s32 $0xFFFFFFFF  }
0xa5: {  	s26 =	simm.s32 $execute0_lowered;
	[smem:$0x3FD2] =	sst s25  }
0xa6: {  	s5 =	sshll.u32 s26, $0x1;
	_ =	strace $0x80000046;
	[dreg:$0x1] =	wrdreg $0xFFFFFFFF  }
0xa7: {  	s28 =	simm.s32 $_size_execute0_lowered;
	s3 =	sadd.s32 s3, s5;
	[dreg:$0x0] =	wrdreg $0x0  }
0xa8: {  	s5 =	sshll.u32 s28, $0x1;
	[dreg:$0x2] =	wrdreg s3  }
0xa9: {  	[dreg:$0x3] =	wrdreg s5  }
0xaa: {  	[dreg:$0x4] =	wrdreg $0xC0  }
0xab: {  	_ =	task [dreg:s7], $0x5FFFF  }
0xac: {  	[dreg:$0x1] =	wrdreg $0xFFFFFFFF  }
0xad: {  	[dreg:$0x0] =	wrdreg $0x60  }
0xae: {  	[dreg:$0x2] =	wrdreg s2  }
0xaf: {  	[dreg:$0x3] =	wrdreg s24  }
0xb0: {  	[dreg:$0x4] =	wrdreg $0x9  }
0xb1: {  	_ =	task.clear_ibuf [dreg:s7], $0x5FFFF;
	_ =	strace $0x90000046  }
0xb2: {  	s29 =	simm.s32 $0x9;
	_ =	strace $0x80000048  }
0xb3: {  	_ =	swait.ge [sflag:s29], $0x1  }
0xb4: {  	[sflag:s29] =	ssyncadd.s32 $0xFFFFFFFF  }
0xb5: {  	_ =	strace $0x90000048  }
0xb6: {  	_ =	sfence  }
0xb7: {  	s30 =	sld [smem:$0x0];
	_ =	sdelay $0x2  }
0xb8: {  	s31 =	sshll.u32 s1, $0xD;
	s1 =	sshrl.u32 s1, $0x2  }
0xb9: {  	s3 =	sand.u32 $0x4000, s31;
	s1 =	sadd.s32 s1, s30  }
0xba: {  	s0 =	sor.u32 s3, s0;
	s1 =	sshll.u32 s1, $0x11  }
0xbb: {  	s0 =	sor.u32 s1, s0  }
0xbc: {  	s0 =	sadd.s32 $0x8F2B, s0  }
0xbd: {  	[sflag:s0] =	ssyncadd.remote.s32 $0x1  }
0xbe: {  	_ =	sfence.sel $0xFFFF  }
0xbf: {  	[dreg:$0x0] =	wrdreg $0xFFFFFFFF;
	(pc) =	sbr.abs _section_cstart, $3  }
0xc0: {  	[dreg:$0x1] =	wrdreg $0xFFFFFFFF  }
0xc1: {  	_ =	task.clear_ibuf [dreg:s7], $0x2FFFF;
	_ =	strace $0x9FFFFFFF  }
0xc2: {  	(tm) =	ssettm $0x7FFFFFFF  }
0xc3: {  	_ =	shalt  }
tec
execute0_lowered:
.L_overlay_start_1:
0x0: {  	(tag) =	ssettag $0x1  }
0x1: {  	v0 =	vimm.s32 $0xEFCDAB89  }
0x2: {  	vm0 =	vcmask $0xB08;
	vm1 =	vcmask $0x300;
	v1 =	vimm.s32 $0x67452301  }
0x3: {  	v2 =	vimm.s32 $0xDCFE98BA;
	v3 =	vimm.s32 $0x54761032;
	vm2 =	vcmask $0x700  }
0x4: {  	vm3 =	vcmask $0x3B38;
	v4 =	vimm.s32 $0xFEDCBA98;
	v5 =	vimm.s32 $0x76543210  }
0x5: {  	s0 =	rddreg [dreg:$0x0];
	v0 =	vunpack.c.l.s4.s8 v0;
	vm0 =	vmor vm1, vm0;
	vm1 =	vcmask $0x1310  }
0x6: {  	s1 =	rddreg [dreg:$0x1];
	s2 =	srdreg.scid;
	v1 =	vunpack.c.l.s4.s8 v1;
	v2 =	vunpack.c.l.s4.s8 v2;
	v3 =	vunpack.c.l.s4.s8 v3  }
0x7: {  	s3 =	simm.s32 $0x0;
	s4 =	stileid.u32;
	s14 =	simm.s32 $0x1;
	v4 =	vunpack.c.l.s4.s8 v4;
	vm0 =	vmor vm0, vm1;
	vm1 =	vcmask $0x1B18  }
0x8: {  	s15 =	simm.s32 $0x80;
	s20 =	simm.s32 $0x3400;
	s21 =	simm.s32 $0x200;
	v0 =	vunpack.c.0.s8.s32 v0;
	vm0 =	vmor vm0, vm1;
	vm1 =	vcmask $0x2320  }
0x9: {  	s22 =	simm.s32 $0x3;
	s23 =	simm.s32 $0x2;
	s24 =	simm.s32 $0x4400;
	v1 =	vunpack.c.0.s8.s32 v1;
	vm0 =	vmor vm0, vm1;
	vm1 =	vcmask $0x2B28  }
0xa: {  	s28 =	simm.s32 $0x300;
	s29 =	simm.s32 $0x6400;
	s30 =	simm.s32 $0x380;
	v4 =	vunpack.c.0.s8.s32 v4;
	vm0 =	vmor vm0, vm1;
	vm1 =	vcmask $0x3330  }
0xb: {  	s31 =	simm.s32 $0x7400;
	s12 =	simm.s32 $0x6;
	[smem:$0x7FF] =	sst s3;
	v0 =	vcombine.low v1, v0;
	v1 =	vunpack.c.0.s8.s32 v2;
	v2 =	vunpack.c.0.s8.s32 v3  }
0xc: {  	s16 =	simm.s32 $0x0;
	s2 =	sand.u32 $0x1, s2;
	s6 =	sadd.s32 $0x3D4400, s1;
	v3 =	vimm.s32 $0x32107654;
	vm0 =	vmor vm0, vm1;
	vm1 =	vcmask $0x1710  }
0xd: {  	s4 =	sshll.u32 s4, $0xA;
	s11 =	sadd.s32 $0x3E4400, s1;
	s5 =	sshll.u32 s2, $0x9;
	v3 =	vunpack.c.l.s4.s8 v3;
	v1 =	vcombine.low v2, v1;
	v2 =	vimm.s32 $0xBA98FEDC  }
0xe: {  	_ =	strace $0x80000047;
	s2 =	ssub.s32 $0x2, s2;
	s4 =	sor.u32 s5, s4;
	vm1 =	vmor vm2, vm1;
	vm2 =	vcmask $0x2720;
	v2 =	vunpack.c.l.s4.s8 v2  }
0xf: {  	v5 =	vunpack.c.l.s4.s8 v5;
	s5 =	sadd.s32 $0x400, s1;
	s7 =	sshrl.u32 s2, $0x1;
	s1 =	simm.s32 $0x4000;
	v4 =	vand.u32 $0xF, v4;
	vm1 =	vmor vm1, vm2  }
0x10: {  	s8 =	sshrl.u32 s4, $0x3;
	s2 =	ssub.s32 s2, s7;
	s9 =	sor.u32 $0x8000, s4;
	vm2 =	vcmask $0x3730;
	v3 =	vunpack.c.0.s8.s32 v3;
	v2 =	vunpack.c.0.s8.s32 v2  }
0x11: {  	s10 =	sor.u32 $0xC000, s4;
	s25 =	sadd.s32 s0, s8;
	s26 =	smax.u32 s2, $0x1;
	vm0 =	vmor vm0, vm3;
	vm3 =	vcmask $0xF00;
	vm1 =	vmor vm1, vm2  }
0x12: {  	s2 =	simm.s32 $0x8400;
	s8 =	simm.s32 $0x4;
	[dreg:$0x3] =	wrdreg s25;
	vm2 =	vcmask $0x2F20;
	v2 =	vcombine.low v3, v2;
	v3 =	vunpack.c.0.s8.s32 v5  }
0x13: {  	s7 =	sadd.s32 $0x800, s25;
	[dreg:$0x5] =	wrdreg s26;
	s25 =	simm.s32 $0x280;
	v0 =	vand.u32 $0xF, v0;
	v1 =	vand.u32 $0xF, v1;
	vm2 =	vmor vm3, vm2  }
0x14: {  	s26 =	simm.s32 $0x5400;
	[dreg:$0x4] =	wrdreg s7;
	s7 =	simm.s32 $0xC400;
	vm3 =	vmmov $0xff;
	v2 =	vand.u32 $0xF, v2;
	v3 =	vcombine.low v4, v3  }
.LBB2_1:
0x15: {  	[dreg:$0x6] =	wrdreg s16  }
0x16: {  	s13 =	rddreg [dreg:$0x3]  }
0x17: {  	[tilespmem:s3], [sflag:$0x1] =	stream.linear.gather [hbm4b:s13+s3], $0x200, $0x38;
	[tilespmem:$0x10400] =	vst v63  }
0x18: {  	_ =	swait.ge [sflag:s14], $0x200  }
0x19: {  	[sflag:s14] =	ssyncset.done $0x0  }
0x1a: {  	s16 =	simm.s32 $0x40;
	s13 =	simm.s32 $0x0;
	[sflag:s14] =	ssyncadd.s32 $0xFFFFFE00  }
.LBB2_2:
0x1b: {  	p0 =	sne.s32 s16, $0x7C0;
	v4 =	vld [tilespmem:s13+$0x0];
	_ =	sdelay $0x4  }
.Ltmp0:
0x1c: {  	v5 =	vshll.u32 v4, $0x2;
	(pc) =	sbr.rel @p0 .LBB2_2-.Ltmp0, $4  }
0x1d: {  	v6 =	vand.u32 $0xFFFFF000, v4;
	v4 =	vshrl.u32 v4, $0xA;
	v5 =	vand.u32 $0xFFC, v5  }
0x1e: {  	v4 =	vand.u32 $0x3, v4;
	v5 =	vor.u32 v6, v5  }
0x1f: {  	v4 =	vor.u32 v4, v5  }
0x20: {  	[tilespmem:s13+$0x0] =	vst v4;
	s13 =	sshra.s32 s16, $0x2;
	s16 =	sadd.s32 $0x40, s16  }
0x21: {  	v4 =	vld [tilespmem:s13+$0x0];
	_ =	sdelay $0x4  }
0x22: {  	v5 =	vshll.u32 v4, $0x2  }
0x23: {  	v6 =	vand.u32 $0xFFFFF000, v4;
	v4 =	vshrl.u32 v4, $0xA;
	v5 =	vand.u32 $0xFFC, v5  }
0x24: {  	v4 =	vand.u32 $0x3, v4;
	v5 =	vor.u32 v6, v5  }
0x25: {  	v4 =	vor.u32 v4, v5  }
0x26: {  	s16 =	simm.s32 $0x400;
	[tilespmem:s13+$0x0] =	vst v4;
	s13 =	simm.s32 $0x0  }
0x27: {  	[tilespmem:s16], [sflag:$0x3] =	stream.indirect.gather [hbm4b:s5+s15], $0x20, s13, s15, $0xb8;
	[tilespmem:$0x10400] =	vst v63  }
0x28: {  	s18 =	simm.s32 $0x1400  }
0x29: {  	[tilespmem:s18], [sflag:$0x3] =	stream.indirect.gather [hbm4b:s5+s15], $0x20, s15, s15, $0xb8;
	[tilespmem:$0x10400] =	vst v63  }
0x2a: {  	s19 =	simm.s32 $0x100;
	s17 =	simm.s32 $0x2400  }
0x2b: {  	[tilespmem:s17], [sflag:$0x3] =	stream.indirect.gather [hbm4b:s5+s15], $0x20, s19, s15, $0xb8;
	[tilespmem:$0x10400] =	vst v63  }
0x2c: {  	s18 =	simm.s32 $0x180  }
0x2d: {  	[tilespmem:s20], [sflag:$0x3] =	stream.indirect.gather [hbm4b:s5+s15], $0x20, s18, s15, $0xb8;
	[tilespmem:$0x10400] =	vst v63  }
0x2e: {  	s19 =	rddreg [dreg:$0x4]  }
0x2f: {  	[tilespmem:s21], [sflag:$0x2] =	stream.linear.gather [hbm4b:s19+s13], $0x200, $0x38;
	[tilespmem:$0x10400] =	vst v63  }
.LBB2_4:
0x30: {  	_ =	swait.ge [sflag:s22], $0x1000  }
0x31: {  	[sflag:s22] =	ssyncset.done $0x0  }
0x32: {  	[sflag:s22] =	ssyncadd.s32 $0xFFFFF000  }
0x33: {  	_ =	swait.ge [sflag:s22], $0x1000  }
0x34: {  	[sflag:s22] =	ssyncset.done $0x0  }
0x35: {  	[sflag:s22] =	ssyncadd.s32 $0xFFFFF000  }
0x36: {  	_ =	swait.ge [sflag:s22], $0x1000  }
0x37: {  	[sflag:s22] =	ssyncset.done $0x0  }
0x38: {  	[sflag:s22] =	ssyncadd.s32 $0xFFFFF000  }
0x39: {  	_ =	swait.ge [sflag:s22], $0x1000  }
0x3a: {  	[sflag:s22] =	ssyncset.done $0x0  }
0x3b: {  	[sflag:s22] =	ssyncadd.s32 $0xFFFFF000  }
0x3c: {  	_ =	swait.ge [sflag:s23], $0x200  }
0x3d: {  	[sflag:s23] =	ssyncset.done $0x0  }
0x3e: {  	s16 =	simm.s32 $0x0;
	s17 =	simm.s32 $0x40;
	[sflag:s23] =	ssyncadd.s32 $0xFFFFFE00  }
.LBB2_5:
0x3f: {  	p0 =	sne.s32 s17, $0x7C0;
	v4 =	vld [tilespmem:s16+$0x200];
	_ =	sdelay $0x4  }
.Ltmp1:
0x40: {  	v5 =	vshll.u32 v4, $0x2;
	(pc) =	sbr.rel @p0 .LBB2_5-.Ltmp1, $4  }
0x41: {  	v6 =	vand.u32 $0xFFFFF000, v4;
	v4 =	vshrl.u32 v4, $0xA;
	v5 =	vand.u32 $0xFFC, v5  }
0x42: {  	v4 =	vand.u32 $0x3, v4;
	v5 =	vor.u32 v6, v5  }
0x43: {  	v4 =	vor.u32 v4, v5  }
0x44: {  	[tilespmem:s16+$0x200] =	vst v4;
	s16 =	sshra.s32 s17, $0x2;
	s17 =	sadd.s32 $0x40, s17  }
0x45: {  	v4 =	vld [tilespmem:s16+$0x200];
	_ =	sdelay $0x4  }
0x46: {  	v5 =	vshll.u32 v4, $0x2  }
0x47: {  	v6 =	vand.u32 $0xFFFFF000, v4;
	v4 =	vshrl.u32 v4, $0xA;
	v5 =	vand.u32 $0xFFC, v5  }
0x48: {  	v4 =	vand.u32 $0x3, v4;
	v5 =	vor.u32 v6, v5  }
0x49: {  	v4 =	vor.u32 v4, v5  }
0x4a: {  	[tilespmem:s16+$0x200] =	vst v4  }
0x4b: {  	[tilespmem:s24], [sflag:$0x4] =	stream.indirect.gather [hbm4b:s5+s15], $0x20, s21, s15, $0xb8;
	[tilespmem:$0x10400] =	vst v63  }
0x4c: {  	_ = 	snop  }
0x4d: {  	[tilespmem:s26], [sflag:$0x4] =	stream.indirect.gather [hbm4b:s5+s15], $0x20, s25, s15, $0xb8;
	[tilespmem:$0x10400] =	vst v63  }
0x4e: {  	p0 =	seq.s32 s13, $0x0  }
0x4f: {  	[tilespmem:s29], [sflag:$0x4] =	stream.indirect.gather [hbm4b:s5+s15], $0x20, s28, s15, $0xb8;
	[tilespmem:$0x10400] =	vst v63  }
0x50: {  	s16 =	simm.s32 @!p0 $0x5  }
0x51: {  	[tilespmem:s31], [sflag:$0x4] =	stream.indirect.gather [hbm4b:s5+s15], $0x20, s30, s15, $0xb8;
	[tilespmem:$0x10400] =	vst v63  }
0x52: {  	_ =	swait.ge @!p0 [sflag:s16], $0x4000  }
0x53: {  	s17 =	sshll.u32 s13, $0xF;
	[sflag:s16] =	ssyncset.done @!p0 $0x0  }
0x54: {  	s18 =	simm.s32 $0x500;
	[sflag:s16] =	ssyncadd.s32 @!p0 $0xFFFFC000;
	s16 =	simm.s32 $0x7800  }
.LBB2_7:
0x55: {  	v4 =	vld [tilespmem:s18+$0xFFFFFF00]  }
0x56: {  	v5 =	vld [tilespmem:s18+$0xFFFFFF20]  }
0x57: {  	v6 =	vld [tilespmem:s18+$0xFFFFFF40]  }
0x58: {  	v7 =	vld [tilespmem:s18+$0xFFFFFF60]  }
0x59: {  	v8 =	vld [tilespmem:s18+$0xFFFFFF80]  }
0x5a: {  	v9 =	vld [tilespmem:s18+$0xFFFFFFA0]  }
0x5b: {  	v10 =	vld [tilespmem:s18+$0xFFFFFFC0]  }
0x5c: {  	v11 =	vld [tilespmem:s18+$0xFFFFFFE0]  }
0x5d: {  	v12 =	vld [tilespmem:s18+$0x0]  }
0x5e: {  	v13 =	vld [tilespmem:s18+$0x20]  }
0x5f: {  	v14 =	vld [tilespmem:s18+$0x40]  }
0x60: {  	v15 =	vld [tilespmem:s18+$0x60]  }
0x61: {  	v18 =	vld [tilespmem:s18+$0x80]  }
0x62: {  	v21 =	vld [tilespmem:s18+$0xA0];
	v16 =	vperm.xlane v4, v0;
	v17 =	vperm.xlane v5, v0  }
0x63: {  	v56 =	vld [tilespmem:s18+$0xC0];
	v19 =	vperm.xlane v6, v0;
	v20 =	vperm.xlane v7, v0  }
0x64: {  	v58 =	vld [tilespmem:s18+$0xE0];
	v55 =	vperm.xlane v9, v0;
	v57 =	vperm.xlane v8, v0  }
0x65: {  	v59 =	vperm.xlane v10, v0;
	v22 =	vperm.xlane v11, v0  }
0x66: {  	v60 =	vperm.xlane v12, v0;
	v23 =	vperm.xlane v13, v0  }
0x67: {  	v61 =	vperm.xlane v15, v0;
	v62 =	vperm.xlane v14, v0  }
0x68: {  	v63 =	vperm.xlane v18, v0;
	v24 =	vperm.xlane v21, v0  }
0x69: {  	v25 =	vperm.xlane v56, v0;
	v26 =	vperm.xlane v58, v0  }
0x6a: {  	v4 =	vsel vm0, v4, v17;
	v5 =	vsel vm0, v16, v5;
	v6 =	vsel vm0, v6, v20  }
0x6b: {  	v7 =	vsel vm0, v19, v7;
	v8 =	vsel vm0, v8, v55;
	v9 =	vsel vm0, v57, v9  }
0x6c: {  	v10 =	vsel vm0, v10, v22;
	v11 =	vsel vm0, v59, v11;
	v12 =	vsel vm0, v12, v23  }
0x6d: {  	v13 =	vsel vm0, v60, v13;
	v27 =	vperm.xlane v6, v1;
	v28 =	vperm.xlane v4, v1  }
0x6e: {  	v14 =	vsel vm0, v14, v61;
	v29 =	vperm.xlane v5, v1;
	v30 =	vperm.xlane v7, v1  }
0x6f: {  	v15 =	vsel vm0, v62, v15;
	v31 =	vperm.xlane v8, v1;
	v32 =	vperm.xlane v10, v1  }
0x70: {  	v18 =	vsel vm0, v18, v24;
	v33 =	vperm.xlane v11, v1;
	v34 =	vperm.xlane v9, v1  }
0x71: {  	v16 =	vsel vm0, v63, v21;
	v35 =	vperm.xlane v12, v1;
	v36 =	vperm.xlane v14, v1  }
0x72: {  	v17 =	vsel vm0, v56, v26;
	v37 =	vperm.xlane v13, v1;
	v38 =	vperm.xlane v15, v1  }
0x73: {  	v19 =	vsel vm0, v25, v58;
	v39 =	vperm.xlane v17, v1;
	v40 =	vperm.xlane v18, v1  }
0x74: {  	v41 =	vperm.xlane v16, v1;
	v42 =	vperm.xlane v19, v1;
	v4 =	vsel vm1, v4, v27  }
0x75: {  	v6 =	vsel vm1, v28, v6;
	v5 =	vsel vm1, v5, v30;
	v7 =	vsel vm1, v29, v7  }
0x76: {  	v8 =	vsel vm1, v8, v32;
	v10 =	vsel vm1, v31, v10;
	v9 =	vsel vm1, v9, v33  }
0x77: {  	v11 =	vsel vm1, v34, v11;
	v12 =	vsel vm1, v12, v36;
	v14 =	vsel vm1, v35, v14  }
0x78: {  	v13 =	vsel vm1, v13, v38;
	v43 =	vperm.xlane v4, v2;
	v44 =	vperm.xlane v8, v2  }
0x79: {  	v18 =	vsel vm1, v18, v39;
	v45 =	vperm.xlane v9, v2;
	v46 =	vperm.xlane v5, v2  }
0x7a: {  	v16 =	vsel vm1, v16, v42;
	v47 =	vperm.xlane v10, v2;
	v48 =	vperm.xlane v18, v2  }
0x7b: {  	v17 =	vsel vm1, v40, v17;
	v49 =	vperm.xlane v12, v2;
	v50 =	vperm.xlane v16, v2  }
0x7c: {  	v19 =	vsel vm1, v41, v19;
	v51 =	vperm.xlane v13, v2;
	v24 =	vperm.xlane v17, v2  }
0x7d: {  	v15 =	vsel vm1, v37, v15;
	v52 =	vperm.xlane v14, v2;
	v53 =	vperm.xlane v19, v2  }
0x7e: {  	v54 =	vperm.xlane v15, v2;
	v56 =	vperm.xlane v11, v2;
	v4 =	vsel vm2, v4, v44  }
0x7f: {  	v5 =	vsel vm2, v5, v45;
	v9 =	vsel vm2, v46, v9;
	v12 =	vsel vm2, v12, v48  }
0x80: {  	v18 =	vsel vm2, v49, v18;
	v13 =	vsel vm2, v13, v50;
	v16 =	vsel vm2, v51, v16  }
0x81: {  	v14 =	vsel vm2, v14, v24;
	v17 =	vsel vm2, v52, v17;
	v55 =	vperm.xlane v12, v3  }
0x82: {  	v15 =	vsel vm2, v15, v53;
	v19 =	vsel vm2, v54, v19;
	v57 =	vperm.xlane v13, v3  }
0x83: {  	s19 =	sshra.s32 s16, $0x2;
	v21 =	vsel vm2, v6, v47;
	v59 =	vperm.xlane v14, v3;
	v58 =	vsel vm3, v4, v55  }
0x84: {  	v24 =	vsel vm2, v7, v56;
	v60 =	vperm.xlane v15, v3;
	v22 =	vsel vm3, v5, v57;
	[tilespmem:s19+$0x6600] =	vst v58  }
0x85: {  	v6 =	vperm.xlane v6, v2;
	v62 =	vperm.xlane v16, v3;
	v23 =	vsel vm3, v21, v59;
	[tilespmem:s19+$0x6800] =	vst v22  }
0x86: {  	v7 =	vperm.xlane v7, v2;
	v63 =	vperm.xlane v17, v3;
	v20 =	vsel vm3, v24, v60;
	[tilespmem:s19+$0x6A00] =	vst v23  }
0x87: {  	v26 =	vperm.xlane v19, v3;
	v6 =	vsel vm2, v6, v10;
	v25 =	vsel vm3, v9, v62;
	[tilespmem:s19+$0x6C00] =	vst v20  }
0x88: {  	v61 =	vperm.xlane v18, v3;
	v7 =	vsel vm2, v7, v11;
	v27 =	vsel vm3, v6, v63;
	[tilespmem:s19+$0x7000] =	vst v25  }
0x89: {  	v8 =	vsel vm2, v43, v8;
	v4 =	vperm.xlane v4, v3;
	v28 =	vsel vm3, v7, v26;
	[tilespmem:s19+$0x7200] =	vst v27  }
0x8a: {  	v5 =	vperm.xlane v5, v3;
	v22 =	vsel vm3, v8, v61;
	[tilespmem:s19+$0x7400] =	vst v28  }
0x8b: {  	v29 =	vperm.xlane v21, v3;
	[tilespmem:s19+$0x6E00] =	vst v22;
	v4 =	vsel vm3, v4, v12  }
0x8c: {  	v30 =	vperm.xlane v24, v3;
	v5 =	vsel vm3, v5, v13;
	[tilespmem:s19+$0x7600] =	vst v4  }
0x8d: {  	v8 =	vperm.xlane v8, v3;
	v4 =	vsel vm3, v29, v14;
	[tilespmem:s19+$0x7800] =	vst v5  }
0x8e: {  	v9 =	vperm.xlane v9, v3;
	v5 =	vsel vm3, v30, v15;
	[tilespmem:s19+$0x7A00] =	vst v4  }
0x8f: {  	v6 =	vperm.xlane v6, v3;
	v4 =	vsel vm3, v8, v18;
	[tilespmem:s19+$0x7C00] =	vst v5  }
0x90: {  	v7 =	vperm.xlane v7, v3;
	v5 =	vsel vm3, v9, v16;
	[tilespmem:s19+$0x7E00] =	vst v4  }
0x91: {  	v4 =	vsel vm3, v6, v17;
	[tilespmem:s19+$0x8000] =	vst v5  }
0x92: {  	v5 =	vsel vm3, v7, v19;
	[tilespmem:s19+$0x8200] =	vst v4  }
0x93: {  	[tilespmem:s19+$0x8400] =	vst v5  }
0x94: {  	v4 =	vld [tilespmem:s18+$0xFFFFFF10]  }
0x95: {  	v5 =	vld [tilespmem:s18+$0xFFFFFF30]  }
0x96: {  	v31 =	vld [tilespmem:s18+$0xFFFFFF50]  }
0x97: {  	v32 =	vld [tilespmem:s18+$0xFFFFFF70]  }
0x98: {  	v33 =	vld [tilespmem:s18+$0xFFFFFF90]  }
0x99: {  	v34 =	vld [tilespmem:s18+$0xFFFFFFB0]  }
0x9a: {  	v35 =	vld [tilespmem:s18+$0xFFFFFFD0]  }
0x9b: {  	v36 =	vld [tilespmem:s18+$0xFFFFFFF0]  }
0x9c: {  	v37 =	vld [tilespmem:s18+$0x10]  }
0x9d: {  	v38 =	vld [tilespmem:s18+$0x30]  }
0x9e: {  	v39 =	vld [tilespmem:s18+$0x50]  }
0x9f: {  	v40 =	vld [tilespmem:s18+$0x70]  }
0xa0: {  	v43 =	vld [tilespmem:s18+$0x90]  }
0xa1: {  	v46 =	vld [tilespmem:s18+$0xB0];
	v41 =	vperm.xlane v4, v0;
	v42 =	vperm.xlane v5, v0  }
0xa2: {  	v48 =	vld [tilespmem:s18+$0xD0];
	v44 =	vperm.xlane v31, v0;
	v45 =	vperm.xlane v32, v0  }
0xa3: {  	v50 =	vld [tilespmem:s18+$0xF0];
	v47 =	vperm.xlane v34, v0;
	v49 =	vperm.xlane v33, v0  }
0xa4: {  	v51 =	vperm.xlane v35, v0;
	v52 =	vperm.xlane v36, v0  }
0xa5: {  	v53 =	vperm.xlane v37, v0;
	v54 =	vperm.xlane v38, v0  }
0xa6: {  	v55 =	vperm.xlane v40, v0;
	v56 =	vperm.xlane v39, v0  }
0xa7: {  	v57 =	vperm.xlane v43, v0;
	v58 =	vperm.xlane v46, v0  }
0xa8: {  	v59 =	vperm.xlane v48, v0;
	v60 =	vperm.xlane v50, v0  }
0xa9: {  	v4 =	vsel vm0, v4, v42;
	v5 =	vsel vm0, v41, v5;
	v6 =	vsel vm0, v31, v45  }
0xaa: {  	v7 =	vsel vm0, v44, v32;
	v8 =	vsel vm0, v33, v47;
	v9 =	vsel vm0, v49, v34  }
0xab: {  	v10 =	vsel vm0, v35, v52;
	v11 =	vsel vm0, v51, v36;
	v12 =	vsel vm0, v37, v54  }
0xac: {  	v13 =	vsel vm0, v53, v38;
	v61 =	vperm.xlane v6, v1;
	v62 =	vperm.xlane v4, v1  }
0xad: {  	v14 =	vsel vm0, v39, v55;
	v63 =	vperm.xlane v5, v1;
	v24 =	vperm.xlane v7, v1  }
0xae: {  	v15 =	vsel vm0, v56, v40;
	v25 =	vperm.xlane v8, v1;
	v26 =	vperm.xlane v10, v1  }
0xaf: {  	v18 =	vsel vm0, v43, v58;
	v27 =	vperm.xlane v11, v1;
	v28 =	vperm.xlane v9, v1  }
0xb0: {  	v16 =	vsel vm0, v57, v46;
	v29 =	vperm.xlane v12, v1;
	v30 =	vperm.xlane v14, v1  }
0xb1: {  	v17 =	vsel vm0, v48, v60;
	v31 =	vperm.xlane v13, v1;
	v32 =	vperm.xlane v15, v1  }
0xb2: {  	v19 =	vsel vm0, v59, v50;
	v33 =	vperm.xlane v17, v1;
	v34 =	vperm.xlane v18, v1  }
0xb3: {  	v35 =	vperm.xlane v16, v1;
	v36 =	vperm.xlane v19, v1;
	v4 =	vsel vm1, v4, v61  }
0xb4: {  	v6 =	vsel vm1, v62, v6;
	v5 =	vsel vm1, v5, v24;
	v7 =	vsel vm1, v63, v7  }
0xb5: {  	v8 =	vsel vm1, v8, v26;
	v10 =	vsel vm1, v25, v10;
	v9 =	vsel vm1, v9, v27  }
0xb6: {  	v11 =	vsel vm1, v28, v11;
	v12 =	vsel vm1, v12, v30;
	v14 =	vsel vm1, v29, v14  }
0xb7: {  	v13 =	vsel vm1, v13, v32;
	v37 =	vperm.xlane v4, v2;
	v38 =	vperm.xlane v8, v2  }
0xb8: {  	v18 =	vsel vm1, v18, v33;
	v39 =	vperm.xlane v9, v2;
	v40 =	vperm.xlane v5, v2  }
0xb9: {  	v16 =	vsel vm1, v16, v36;
	v41 =	vperm.xlane v10, v2;
	v42 =	vperm.xlane v18, v2  }
0xba: {  	v17 =	vsel vm1, v34, v17;
	v43 =	vperm.xlane v12, v2;
	v44 =	vperm.xlane v16, v2  }
0xbb: {  	v19 =	vsel vm1, v35, v19;
	v45 =	vperm.xlane v13, v2;
	v46 =	vperm.xlane v17, v2  }
0xbc: {  	v15 =	vsel vm1, v31, v15;
	v47 =	vperm.xlane v14, v2;
	v48 =	vperm.xlane v19, v2  }
0xbd: {  	v49 =	vperm.xlane v15, v2;
	v51 =	vperm.xlane v11, v2;
	v4 =	vsel vm2, v4, v38  }
0xbe: {  	v5 =	vsel vm2, v5, v39;
	v9 =	vsel vm2, v40, v9;
	v12 =	vsel vm2, v12, v42  }
0xbf: {  	v18 =	vsel vm2, v43, v18;
	v13 =	vsel vm2, v13, v44;
	v16 =	vsel vm2, v45, v16  }
0xc0: {  	v14 =	vsel vm2, v14, v46;
	v17 =	vsel vm2, v47, v17;
	v50 =	vperm.xlane v12, v3  }
0xc1: {  	v15 =	vsel vm2, v15, v48;
	v19 =	vsel vm2, v49, v19;
	v52 =	vperm.xlane v13, v3  }
0xc2: {  	v21 =	vsel vm2, v6, v41;
	v54 =	vperm.xlane v14, v3;
	v53 =	vsel vm3, v4, v50  }
0xc3: {  	v24 =	vsel vm2, v7, v51;
	v55 =	vperm.xlane v15, v3;
	v22 =	vsel vm3, v5, v52;
	[tilespmem:s19+$0x8600] =	vst v53  }
0xc4: {  	v6 =	vperm.xlane v6, v2;
	v57 =	vperm.xlane v16, v3;
	v23 =	vsel vm3, v21, v54;
	[tilespmem:s19+$0x8800] =	vst v22  }
0xc5: {  	v7 =	vperm.xlane v7, v2;
	v58 =	vperm.xlane v17, v3;
	v20 =	vsel vm3, v24, v55;
	[tilespmem:s19+$0x8A00] =	vst v23  }
0xc6: {  	v60 =	vperm.xlane v19, v3;
	v6 =	vsel vm2, v6, v10;
	v59 =	vsel vm3, v9, v57;
	[tilespmem:s19+$0x8C00] =	vst v20  }
0xc7: {  	v56 =	vperm.xlane v18, v3;
	v7 =	vsel vm2, v7, v11;
	v61 =	vsel vm3, v6, v58;
	[tilespmem:s19+$0x9000] =	vst v59  }
0xc8: {  	v8 =	vsel vm2, v37, v8;
	v4 =	vperm.xlane v4, v3;
	v11 =	vsel vm3, v7, v60;
	[tilespmem:s19+$0x9200] =	vst v61  }
0xc9: {  	v5 =	vperm.xlane v5, v3;
	v22 =	vsel vm3, v8, v56;
	[tilespmem:s19+$0x9400] =	vst v11  }
0xca: {  	v62 =	vperm.xlane v21, v3;
	[tilespmem:s19+$0x8E00] =	vst v22;
	v4 =	vsel vm3, v4, v12  }
0xcb: {  	v63 =	vperm.xlane v24, v3;
	v5 =	vsel vm3, v5, v13;
	[tilespmem:s19+$0x9600] =	vst v4  }
0xcc: {  	v8 =	vperm.xlane v8, v3;
	v4 =	vsel vm3, v62, v14;
	[tilespmem:s19+$0x9800] =	vst v5  }
0xcd: {  	p1 =	sne.s32 s16, $0x7FC0;
	v9 =	vperm.xlane v9, v3;
	v5 =	vsel vm3, v63, v15;
	[tilespmem:s19+$0x9A00] =	vst v4  }
.Ltmp2:
0xce: {  	v6 =	vperm.xlane v6, v3;
	v4 =	vsel vm3, v8, v18;
	[tilespmem:s19+$0x9C00] =	vst v5;
	(pc) =	sbr.rel @p1 .LBB2_7-.Ltmp2, $4  }
0xcf: {  	v7 =	vperm.xlane v7, v3;
	v5 =	vsel vm3, v9, v16;
	[tilespmem:s19+$0x9E00] =	vst v4  }
0xd0: {  	v4 =	vsel vm3, v6, v17;
	[tilespmem:s19+$0xA000] =	vst v5  }
0xd1: {  	v5 =	vsel vm3, v7, v19;
	[tilespmem:s19+$0xA200] =	vst v4  }
0xd2: {  	s16 =	sadd.s32 $0x40, s16;
	s18 =	sadd.s32 $0x200, s18;
	[tilespmem:s19+$0xA400] =	vst v5  }
0xd3: {  	s16 =	sshll.u32 s13, $0x14  }
0xd4: {  	s16 =	sor.u32 s4, s16  }
0xd5: {  	s16 =	sshrl.u32 s16, $0x3  }
0xd6: {  	p1 =	seq.s32 s13, $0x18;
	s18 =	sadd.s32 s6, s16  }
0xd7: {  	[hbm4b:s18+s21] =	stream.strided.scatter [tilespmem:s2], [sflag:$0x5], $0x4000, s1, s21, $0x38;
	[tilespmem:$0x10400] =	vst v63  }
0xd8: {  	s18 =	sadd.s32 @!p1 s9, s17  }
0xd9: {  	s18 =	sshrl.u32 @!p1 s18, $0x3  }
0xda: {  	s19 =	simm.s32 @!p1 $0x0;
	s18 =	sadd.s32 @!p1 s0, s18  }
0xdb: {  	[tilespmem:s19], [sflag:$0x1] =	stream.linear.gather @!p1 [hbm4b:s18+s19], $0x200, $0x38;
	[tilespmem:$0x10400] =	vst v63  }
0xdc: {  	_ =	swait.ge [sflag:s8], $0x1000  }
0xdd: {  	[sflag:s8] =	ssyncset.done $0x0  }
0xde: {  	[sflag:s8] =	ssyncadd.s32 $0xFFFFF000  }
0xdf: {  	_ =	swait.ge [sflag:s8], $0x1000  }
0xe0: {  	[sflag:s8] =	ssyncset.done $0x0  }
0xe1: {  	[sflag:s8] =	ssyncadd.s32 $0xFFFFF000  }
0xe2: {  	_ =	swait.ge [sflag:s8], $0x1000  }
.Ltmp3:
0xe3: {  	[sflag:s8] =	ssyncset.done $0x0;
	(pc) =	sbr.rel @p1 .LBB2_12-.Ltmp3, $4  }
0xe4: {  	[sflag:s8] =	ssyncadd.s32 $0xFFFFF000  }
0xe5: {  	_ =	swait.ge [sflag:s8], $0x1000  }
0xe6: {  	[sflag:s8] =	ssyncset.done $0x0  }
0xe7: {  	[sflag:s8] =	ssyncadd.s32 $0xFFFFF000  }
0xe8: {  	_ =	swait.ge [sflag:s14], $0x200  }
0xe9: {  	[sflag:s14] =	ssyncset.done $0x0  }
0xea: {  	s18 =	simm.s32 $0x0;
	s19 =	simm.s32 $0x40;
	[sflag:s14] =	ssyncadd.s32 $0xFFFFFE00  }
.LBB2_10:
0xeb: {  	p1 =	sne.s32 s19, $0x7C0;
	v4 =	vld [tilespmem:s18+$0x0];
	_ =	sdelay $0x4  }
.Ltmp4:
0xec: {  	v5 =	vshll.u32 v4, $0x2;
	(pc) =	sbr.rel @p1 .LBB2_10-.Ltmp4, $4  }
0xed: {  	v6 =	vand.u32 $0xFFFFF000, v4;
	v4 =	vshrl.u32 v4, $0xA;
	v5 =	vand.u32 $0xFFC, v5  }
0xee: {  	v4 =	vand.u32 $0x3, v4;
	v5 =	vor.u32 v6, v5  }
0xef: {  	v4 =	vor.u32 v4, v5  }
0xf0: {  	[tilespmem:s18+$0x0] =	vst v4;
	s18 =	sshra.s32 s19, $0x2;
	s19 =	sadd.s32 $0x40, s19  }
0xf1: {  	v4 =	vld [tilespmem:s18+$0x0];
	_ =	sdelay $0x4  }
0xf2: {  	v5 =	vshll.u32 v4, $0x2  }
0xf3: {  	v6 =	vand.u32 $0xFFFFF000, v4;
	v4 =	vshrl.u32 v4, $0xA;
	v5 =	vand.u32 $0xFFC, v5  }
0xf4: {  	v4 =	vand.u32 $0x3, v4;
	v5 =	vor.u32 v6, v5  }
0xf5: {  	v4 =	vor.u32 v4, v5  }
0xf6: {  	s19 =	simm.s32 $0x400;
	[tilespmem:s18+$0x0] =	vst v4  }
0xf7: {  	[tilespmem:s19], [sflag:$0x3] =	stream.indirect.gather [hbm4b:s5+s15], $0x20, s3, s15, $0xb8;
	[tilespmem:$0x10400] =	vst v63  }
0xf8: {  	s19 =	simm.s32 $0x1400  }
0xf9: {  	[tilespmem:s19], [sflag:$0x3] =	stream.indirect.gather [hbm4b:s5+s15], $0x20, s15, s15, $0xb8;
	[tilespmem:$0x10400] =	vst v63  }
0xfa: {  	s18 =	simm.s32 $0x100;
	s19 =	simm.s32 $0x2400  }
0xfb: {  	[tilespmem:s19], [sflag:$0x3] =	stream.indirect.gather [hbm4b:s5+s15], $0x20, s18, s15, $0xb8;
	[tilespmem:$0x10400] =	vst v63  }
.Ltmp5:
0xfc: {  	s17 =	sadd.s32 s10, s17;
	(pc) =	sbr.rel @p0 .LBB2_13-.Ltmp5, $4  }
0xfd: {  	s17 =	sshrl.u32 s17, $0x3;
	s19 =	simm.s32 $0x180  }
0xfe: {  	[tilespmem:s20], [sflag:$0x3] =	stream.indirect.gather [hbm4b:s5+s15], $0x20, s19, s15, $0xb8;
	[tilespmem:$0x10400] =	vst v63  }
0xff: {  	s17 =	sadd.s32 s0, s17  }
0x100: {  	[tilespmem:s21], [sflag:$0x2] =	stream.linear.gather [hbm4b:s17+s3], $0x200, $0x38;
	[tilespmem:$0x10400] =	vst v63  }
.LBB2_12:
0x101: {  	_ =	swait.ge [sflag:s12], $0x4000  }
0x102: {  	[sflag:s12] =	ssyncset.done $0x0  }
0x103: {  	[sflag:s12] =	ssyncadd.s32 $0xFFFFC000  }
.LBB2_13:
0x104: {  	s17 =	simm.s32 $0x7800;
	s18 =	simm.s32 $0x4500  }
.LBB2_14:
0x105: {  	v4 =	vld [tilespmem:s18+$0xFFFFFF00]  }
0x106: {  	v5 =	vld [tilespmem:s18+$0xFFFFFF20]  }
0x107: {  	v6 =	vld [tilespmem:s18+$0xFFFFFF40]  }
0x108: {  	v7 =	vld [tilespmem:s18+$0xFFFFFF60]  }
0x109: {  	v8 =	vld [tilespmem:s18+$0xFFFFFF80]  }
0x10a: {  	v9 =	vld [tilespmem:s18+$0xFFFFFFA0]  }
0x10b: {  	v10 =	vld [tilespmem:s18+$0xFFFFFFC0]  }
0x10c: {  	v11 =	vld [tilespmem:s18+$0xFFFFFFE0]  }
0x10d: {  	v12 =	vld [tilespmem:s18+$0x0]  }
0x10e: {  	v13 =	vld [tilespmem:s18+$0x20]  }
0x10f: {  	v14 =	vld [tilespmem:s18+$0x40]  }
0x110: {  	v15 =	vld [tilespmem:s18+$0x60]  }
0x111: {  	v18 =	vld [tilespmem:s18+$0x80]  }
0x112: {  	v21 =	vld [tilespmem:s18+$0xA0];
	v16 =	vperm.xlane v4, v0;
	v17 =	vperm.xlane v5, v0  }
0x113: {  	v56 =	vld [tilespmem:s18+$0xC0];
	v19 =	vperm.xlane v6, v0;
	v20 =	vperm.xlane v7, v0  }
0x114: {  	v58 =	vld [tilespmem:s18+$0xE0];
	v55 =	vperm.xlane v9, v0;
	v57 =	vperm.xlane v8, v0  }
0x115: {  	v59 =	vperm.xlane v10, v0;
	v22 =	vperm.xlane v11, v0  }
0x116: {  	v60 =	vperm.xlane v12, v0;
	v23 =	vperm.xlane v13, v0  }
0x117: {  	v61 =	vperm.xlane v15, v0;
	v62 =	vperm.xlane v14, v0  }
0x118: {  	v63 =	vperm.xlane v18, v0;
	v24 =	vperm.xlane v21, v0  }
0x119: {  	v25 =	vperm.xlane v56, v0;
	v26 =	vperm.xlane v58, v0  }
0x11a: {  	v4 =	vsel vm0, v4, v17;
	v5 =	vsel vm0, v16, v5;
	v6 =	vsel vm0, v6, v20  }
0x11b: {  	v7 =	vsel vm0, v19, v7;
	v8 =	vsel vm0, v8, v55;
	v9 =	vsel vm0, v57, v9  }
0x11c: {  	v10 =	vsel vm0, v10, v22;
	v11 =	vsel vm0, v59, v11;
	v12 =	vsel vm0, v12, v23  }
0x11d: {  	v13 =	vsel vm0, v60, v13;
	v27 =	vperm.xlane v6, v1;
	v28 =	vperm.xlane v4, v1  }
0x11e: {  	v14 =	vsel vm0, v14, v61;
	v29 =	vperm.xlane v5, v1;
	v30 =	vperm.xlane v7, v1  }
0x11f: {  	v15 =	vsel vm0, v62, v15;
	v31 =	vperm.xlane v8, v1;
	v32 =	vperm.xlane v10, v1  }
0x120: {  	v18 =	vsel vm0, v18, v24;
	v33 =	vperm.xlane v11, v1;
	v34 =	vperm.xlane v9, v1  }
0x121: {  	v16 =	vsel vm0, v63, v21;
	v35 =	vperm.xlane v12, v1;
	v36 =	vperm.xlane v14, v1  }
0x122: {  	v17 =	vsel vm0, v56, v26;
	v37 =	vperm.xlane v13, v1;
	v38 =	vperm.xlane v15, v1  }
0x123: {  	v19 =	vsel vm0, v25, v58;
	v39 =	vperm.xlane v17, v1;
	v40 =	vperm.xlane v18, v1  }
0x124: {  	v41 =	vperm.xlane v16, v1;
	v42 =	vperm.xlane v19, v1;
	v4 =	vsel vm1, v4, v27  }
0x125: {  	v6 =	vsel vm1, v28, v6;
	v5 =	vsel vm1, v5, v30;
	v7 =	vsel vm1, v29, v7  }
0x126: {  	v8 =	vsel vm1, v8, v32;
	v10 =	vsel vm1, v31, v10;
	v9 =	vsel vm1, v9, v33  }
0x127: {  	v11 =	vsel vm1, v34, v11;
	v12 =	vsel vm1, v12, v36;
	v14 =	vsel vm1, v35, v14  }
0x128: {  	v13 =	vsel vm1, v13, v38;
	v43 =	vperm.xlane v4, v2;
	v44 =	vperm.xlane v8, v2  }
0x129: {  	v18 =	vsel vm1, v18, v39;
	v45 =	vperm.xlane v9, v2;
	v46 =	vperm.xlane v5, v2  }
0x12a: {  	v16 =	vsel vm1, v16, v42;
	v47 =	vperm.xlane v10, v2;
	v48 =	vperm.xlane v18, v2  }
0x12b: {  	v17 =	vsel vm1, v40, v17;
	v49 =	vperm.xlane v12, v2;
	v50 =	vperm.xlane v16, v2  }
0x12c: {  	v19 =	vsel vm1, v41, v19;
	v51 =	vperm.xlane v13, v2;
	v24 =	vperm.xlane v17, v2  }
0x12d: {  	v15 =	vsel vm1, v37, v15;
	v52 =	vperm.xlane v14, v2;
	v53 =	vperm.xlane v19, v2  }
0x12e: {  	v54 =	vperm.xlane v15, v2;
	v56 =	vperm.xlane v11, v2;
	v4 =	vsel vm2, v4, v44  }
0x12f: {  	v5 =	vsel vm2, v5, v45;
	v9 =	vsel vm2, v46, v9;
	v12 =	vsel vm2, v12, v48  }
0x130: {  	v18 =	vsel vm2, v49, v18;
	v13 =	vsel vm2, v13, v50;
	v16 =	vsel vm2, v51, v16  }
0x131: {  	v14 =	vsel vm2, v14, v24;
	v17 =	vsel vm2, v52, v17;
	v55 =	vperm.xlane v12, v3  }
0x132: {  	v15 =	vsel vm2, v15, v53;
	v19 =	vsel vm2, v54, v19;
	v57 =	vperm.xlane v13, v3  }
0x133: {  	s19 =	sshra.s32 s17, $0x2;
	v21 =	vsel vm2, v6, v47;
	v59 =	vperm.xlane v14, v3;
	v58 =	vsel vm3, v4, v55  }
0x134: {  	v24 =	vsel vm2, v7, v56;
	v60 =	vperm.xlane v15, v3;
	v22 =	vsel vm3, v5, v57;
	[tilespmem:s19+$0xA600] =	vst v58  }
0x135: {  	v6 =	vperm.xlane v6, v2;
	v62 =	vperm.xlane v16, v3;
	v23 =	vsel vm3, v21, v59;
	[tilespmem:s19+$0xA800] =	vst v22  }
0x136: {  	v7 =	vperm.xlane v7, v2;
	v63 =	vperm.xlane v17, v3;
	v20 =	vsel vm3, v24, v60;
	[tilespmem:s19+$0xAA00] =	vst v23  }
0x137: {  	v26 =	vperm.xlane v19, v3;
	v6 =	vsel vm2, v6, v10;
	v25 =	vsel vm3, v9, v62;
	[tilespmem:s19+$0xAC00] =	vst v20  }
0x138: {  	v61 =	vperm.xlane v18, v3;
	v7 =	vsel vm2, v7, v11;
	v27 =	vsel vm3, v6, v63;
	[tilespmem:s19+$0xB000] =	vst v25  }
0x139: {  	v8 =	vsel vm2, v43, v8;
	v4 =	vperm.xlane v4, v3;
	v28 =	vsel vm3, v7, v26;
	[tilespmem:s19+$0xB200] =	vst v27  }
0x13a: {  	v5 =	vperm.xlane v5, v3;
	v22 =	vsel vm3, v8, v61;
	[tilespmem:s19+$0xB400] =	vst v28  }
0x13b: {  	v29 =	vperm.xlane v21, v3;
	[tilespmem:s19+$0xAE00] =	vst v22;
	v4 =	vsel vm3, v4, v12  }
0x13c: {  	v30 =	vperm.xlane v24, v3;
	v5 =	vsel vm3, v5, v13;
	[tilespmem:s19+$0xB600] =	vst v4  }
0x13d: {  	v8 =	vperm.xlane v8, v3;
	v4 =	vsel vm3, v29, v14;
	[tilespmem:s19+$0xB800] =	vst v5  }
0x13e: {  	v9 =	vperm.xlane v9, v3;
	v5 =	vsel vm3, v30, v15;
	[tilespmem:s19+$0xBA00] =	vst v4  }
0x13f: {  	v6 =	vperm.xlane v6, v3;
	v4 =	vsel vm3, v8, v18;
	[tilespmem:s19+$0xBC00] =	vst v5  }
0x140: {  	v7 =	vperm.xlane v7, v3;
	v5 =	vsel vm3, v9, v16;
	[tilespmem:s19+$0xBE00] =	vst v4  }
0x141: {  	v4 =	vsel vm3, v6, v17;
	[tilespmem:s19+$0xC000] =	vst v5  }
0x142: {  	v5 =	vsel vm3, v7, v19;
	[tilespmem:s19+$0xC200] =	vst v4  }
0x143: {  	[tilespmem:s19+$0xC400] =	vst v5  }
0x144: {  	v4 =	vld [tilespmem:s18+$0xFFFFFF10]  }
0x145: {  	v5 =	vld [tilespmem:s18+$0xFFFFFF30]  }
0x146: {  	v31 =	vld [tilespmem:s18+$0xFFFFFF50]  }
0x147: {  	v32 =	vld [tilespmem:s18+$0xFFFFFF70]  }
0x148: {  	v33 =	vld [tilespmem:s18+$0xFFFFFF90]  }
0x149: {  	v34 =	vld [tilespmem:s18+$0xFFFFFFB0]  }
0x14a: {  	v35 =	vld [tilespmem:s18+$0xFFFFFFD0]  }
0x14b: {  	v36 =	vld [tilespmem:s18+$0xFFFFFFF0]  }
0x14c: {  	v37 =	vld [tilespmem:s18+$0x10]  }
0x14d: {  	v38 =	vld [tilespmem:s18+$0x30]  }
0x14e: {  	v39 =	vld [tilespmem:s18+$0x50]  }
0x14f: {  	v40 =	vld [tilespmem:s18+$0x70]  }
0x150: {  	v43 =	vld [tilespmem:s18+$0x90]  }
0x151: {  	v46 =	vld [tilespmem:s18+$0xB0];
	v41 =	vperm.xlane v4, v0;
	v42 =	vperm.xlane v5, v0  }
0x152: {  	v48 =	vld [tilespmem:s18+$0xD0];
	v44 =	vperm.xlane v31, v0;
	v45 =	vperm.xlane v32, v0  }
0x153: {  	v50 =	vld [tilespmem:s18+$0xF0];
	v47 =	vperm.xlane v34, v0;
	v49 =	vperm.xlane v33, v0  }
0x154: {  	v51 =	vperm.xlane v35, v0;
	v52 =	vperm.xlane v36, v0  }
0x155: {  	v53 =	vperm.xlane v37, v0;
	v54 =	vperm.xlane v38, v0  }
0x156: {  	v55 =	vperm.xlane v40, v0;
	v56 =	vperm.xlane v39, v0  }
0x157: {  	v57 =	vperm.xlane v43, v0;
	v58 =	vperm.xlane v46, v0  }
0x158: {  	v59 =	vperm.xlane v48, v0;
	v60 =	vperm.xlane v50, v0  }
0x159: {  	v4 =	vsel vm0, v4, v42;
	v5 =	vsel vm0, v41, v5;
	v6 =	vsel vm0, v31, v45  }
0x15a: {  	v7 =	vsel vm0, v44, v32;
	v8 =	vsel vm0, v33, v47;
	v9 =	vsel vm0, v49, v34  }
0x15b: {  	v10 =	vsel vm0, v35, v52;
	v11 =	vsel vm0, v51, v36;
	v12 =	vsel vm0, v37, v54  }
0x15c: {  	v13 =	vsel vm0, v53, v38;
	v61 =	vperm.xlane v6, v1;
	v62 =	vperm.xlane v4, v1  }
0x15d: {  	v14 =	vsel vm0, v39, v55;
	v63 =	vperm.xlane v5, v1;
	v24 =	vperm.xlane v7, v1  }
0x15e: {  	v15 =	vsel vm0, v56, v40;
	v25 =	vperm.xlane v8, v1;
	v26 =	vperm.xlane v10, v1  }
0x15f: {  	v18 =	vsel vm0, v43, v58;
	v27 =	vperm.xlane v11, v1;
	v28 =	vperm.xlane v9, v1  }
0x160: {  	v16 =	vsel vm0, v57, v46;
	v29 =	vperm.xlane v12, v1;
	v30 =	vperm.xlane v14, v1  }
0x161: {  	v17 =	vsel vm0, v48, v60;
	v31 =	vperm.xlane v13, v1;
	v32 =	vperm.xlane v15, v1  }
0x162: {  	v19 =	vsel vm0, v59, v50;
	v33 =	vperm.xlane v17, v1;
	v34 =	vperm.xlane v18, v1  }
0x163: {  	v35 =	vperm.xlane v16, v1;
	v36 =	vperm.xlane v19, v1;
	v4 =	vsel vm1, v4, v61  }
0x164: {  	v6 =	vsel vm1, v62, v6;
	v5 =	vsel vm1, v5, v24;
	v7 =	vsel vm1, v63, v7  }
0x165: {  	v8 =	vsel vm1, v8, v26;
	v10 =	vsel vm1, v25, v10;
	v9 =	vsel vm1, v9, v27  }
0x166: {  	v11 =	vsel vm1, v28, v11;
	v12 =	vsel vm1, v12, v30;
	v14 =	vsel vm1, v29, v14  }
0x167: {  	v13 =	vsel vm1, v13, v32;
	v37 =	vperm.xlane v4, v2;
	v38 =	vperm.xlane v8, v2  }
0x168: {  	v18 =	vsel vm1, v18, v33;
	v39 =	vperm.xlane v9, v2;
	v40 =	vperm.xlane v5, v2  }
0x169: {  	v16 =	vsel vm1, v16, v36;
	v41 =	vperm.xlane v10, v2;
	v42 =	vperm.xlane v18, v2  }
0x16a: {  	v17 =	vsel vm1, v34, v17;
	v43 =	vperm.xlane v12, v2;
	v44 =	vperm.xlane v16, v2  }
0x16b: {  	v19 =	vsel vm1, v35, v19;
	v45 =	vperm.xlane v13, v2;
	v46 =	vperm.xlane v17, v2  }
0x16c: {  	v15 =	vsel vm1, v31, v15;
	v47 =	vperm.xlane v14, v2;
	v48 =	vperm.xlane v19, v2  }
0x16d: {  	v49 =	vperm.xlane v15, v2;
	v51 =	vperm.xlane v11, v2;
	v4 =	vsel vm2, v4, v38  }
0x16e: {  	v5 =	vsel vm2, v5, v39;
	v9 =	vsel vm2, v40, v9;
	v12 =	vsel vm2, v12, v42  }
0x16f: {  	v18 =	vsel vm2, v43, v18;
	v13 =	vsel vm2, v13, v44;
	v16 =	vsel vm2, v45, v16  }
0x170: {  	v14 =	vsel vm2, v14, v46;
	v17 =	vsel vm2, v47, v17;
	v50 =	vperm.xlane v12, v3  }
0x171: {  	v15 =	vsel vm2, v15, v48;
	v19 =	vsel vm2, v49, v19;
	v52 =	vperm.xlane v13, v3  }
0x172: {  	v21 =	vsel vm2, v6, v41;
	v54 =	vperm.xlane v14, v3;
	v53 =	vsel vm3, v4, v50  }
0x173: {  	v24 =	vsel vm2, v7, v51;
	v55 =	vperm.xlane v15, v3;
	v22 =	vsel vm3, v5, v52;
	[tilespmem:s19+$0xC600] =	vst v53  }
0x174: {  	v6 =	vperm.xlane v6, v2;
	v57 =	vperm.xlane v16, v3;
	v23 =	vsel vm3, v21, v54;
	[tilespmem:s19+$0xC800] =	vst v22  }
0x175: {  	v7 =	vperm.xlane v7, v2;
	v58 =	vperm.xlane v17, v3;
	v20 =	vsel vm3, v24, v55;
	[tilespmem:s19+$0xCA00] =	vst v23  }
0x176: {  	v60 =	vperm.xlane v19, v3;
	v6 =	vsel vm2, v6, v10;
	v59 =	vsel vm3, v9, v57;
	[tilespmem:s19+$0xCC00] =	vst v20  }
0x177: {  	v56 =	vperm.xlane v18, v3;
	v7 =	vsel vm2, v7, v11;
	v61 =	vsel vm3, v6, v58;
	[tilespmem:s19+$0xD000] =	vst v59  }
0x178: {  	v8 =	vsel vm2, v37, v8;
	v4 =	vperm.xlane v4, v3;
	v11 =	vsel vm3, v7, v60;
	[tilespmem:s19+$0xD200] =	vst v61  }
0x179: {  	v5 =	vperm.xlane v5, v3;
	v22 =	vsel vm3, v8, v56;
	[tilespmem:s19+$0xD400] =	vst v11  }
0x17a: {  	v62 =	vperm.xlane v21, v3;
	[tilespmem:s19+$0xCE00] =	vst v22;
	v4 =	vsel vm3, v4, v12  }
0x17b: {  	v63 =	vperm.xlane v24, v3;
	v5 =	vsel vm3, v5, v13;
	[tilespmem:s19+$0xD600] =	vst v4  }
0x17c: {  	v8 =	vperm.xlane v8, v3;
	v4 =	vsel vm3, v62, v14;
	[tilespmem:s19+$0xD800] =	vst v5  }
0x17d: {  	p0 =	sne.s32 s17, $0x7FC0;
	v9 =	vperm.xlane v9, v3;
	v5 =	vsel vm3, v63, v15;
	[tilespmem:s19+$0xDA00] =	vst v4  }
.Ltmp6:
0x17e: {  	v6 =	vperm.xlane v6, v3;
	v4 =	vsel vm3, v8, v18;
	[tilespmem:s19+$0xDC00] =	vst v5;
	(pc) =	sbr.rel @p0 .LBB2_14-.Ltmp6, $4  }
0x17f: {  	v7 =	vperm.xlane v7, v3;
	v5 =	vsel vm3, v9, v16;
	[tilespmem:s19+$0xDE00] =	vst v4  }
0x180: {  	v4 =	vsel vm3, v6, v17;
	[tilespmem:s19+$0xE000] =	vst v5  }
0x181: {  	v5 =	vsel vm3, v7, v19;
	[tilespmem:s19+$0xE200] =	vst v4  }
0x182: {  	s17 =	sadd.s32 $0x40, s17;
	s18 =	sadd.s32 $0x200, s18;
	[tilespmem:s19+$0xE400] =	vst v5  }
0x183: {  	s13 =	sadd.s32 $0x1, s13  }
0x184: {  	p0 =	sne.s32 s13, $0x19  }
.Ltmp7:
0x185: {  	_ = 	snop;
	(pc) =	sbr.rel @p0 .LBB2_4-.Ltmp7, $3  }
0x186: {  	_ =	sdelay $0x1  }
0x187: {  	s16 =	sadd.s32 s16, s11  }
0x188: {  	[hbm4b:s16+s21] =	stream.strided.scatter [tilespmem:s7], [sflag:$0x6], $0x4000, s1, s21, $0x38;
	[tilespmem:$0x10400] =	vst v63  }
0x189: {  	s13 =	simm.s32 $0x5  }
0x18a: {  	_ =	swait.ge [sflag:s13], $0x4000  }
0x18b: {  	[sflag:s13] =	ssyncset.done $0x0  }
0x18c: {  	[sflag:s13] =	ssyncadd.s32 $0xFFFFC000  }
0x18d: {  	_ =	swait.ge [sflag:s12], $0x4000  }
0x18e: {  	s16 =	rddreg [dreg:$0x6]  }
0x18f: {  	s19 =	rddreg [dreg:$0x5];
	s16 =	sadd.s32 $0x1, s16  }
0x190: {  	p0 =	sne.s32 s16, s19  }
.Ltmp8:
0x191: {  	_ = 	snop;
	(pc) =	sbr.rel @p0 .LBB2_1-.Ltmp8, $3  }
0x192: {  	_ =	sdelay $0x1  }
0x193: {  	[sflag:s12] =	ssyncset.done $0x0  }
0x194: {  	[sflag:s12] =	ssyncadd.s32 $0xFFFFC000  }
0x195: {  	_ =	sfence.sel $0x180000  }
0x196: {  	[bflag:$0x0] =	sbarrier.arrive $0xFFFF  }
0x197: {  	_ =	strace $0x90000047  }
0x198: {  	s0 =	stileid.u32;
	[bflag:$0x2] =	sbarrier.arrive $0xFFFF  }
0x199: {  	p0 =	sne.s32 s0, $0x0;
	s0 =	rddreg [dreg:$0x2]  }
0x19a: {  	s0 =	sadd.s32 @!p0 $0x100000, s0  }
0x19b: {  	[sflag:s0] =	ssyncadd.tile.s32 @!p0 $0x1;
	_ =	shalt  }
.Lfunc_end2:
_tile_overlayer_lowered:
.L_overlay_start_2:
0x19c: {  	(tag) =	ssettag $0x2  }
0x19d: {  	s0 =	rddreg [dreg:$0x0];
	s2 =	stileid.u32  }
0x19e: {  	s1 =	rddreg [dreg:$0x1];
	p0 =	sne.s32 s2, $0x0  }
0x19f: {  	s3 =	rddreg [dreg:$0x2];
	[bflag:$0x3] =	sbarrier.arrive $0xFFFF;
	s2 =	simm.s32 @!p0 $0x1C07  }
0x1a0: {  	[timem:s3], [sflag:s2] =	dma.local @!p0 [hbm:s0], s1  }
0x1a1: {  	s0 =	simm.s32 @!p0 $0x7  }
0x1a2: {  	_ =	swait.ge @!p0 [sflag:s0], s1  }
0x1a3: {  	s1 =	ssub.s32 @!p0 $0x0, s1;
	[sflag:s0] =	ssyncset.done @!p0 $0x0  }
0x1a4: {  	[sflag:s0] =	ssyncadd.s32 @!p0 s1  }
0x1a5: {  	[bflag:$0x3] =	sbarrier.arrive $0xFFFF  }
0x1a6: {  	_ =	shalt  }

</sc_bundles>
